<compile_context>
chip_gen: v7x
topology: tpu7x:2x2x1
jax: 0.10.2.dev20260603
libtpu: 0.0.44.dev20260713+nightly
codegen_flags: <defaults>
</compile_context>

<pallas_src>
import functools
import math

import jax
import jax.numpy as jnp
from jax import lax
from jax.experimental import pallas as pl
from jax.experimental.pallas import tpu as pltpu
from jax.experimental.pallas import tpu_sc as plsc

_BD = 128
_VB = 256
_N = 256
_TOPK = 8
_T = 256
_NW = 32
_TW = 128


def _body_a(hs_ref, sk_ref, rel_ref, wq_ref, s3_ref, sk_s, rel_s, wqT_s):
    i = pl.program_id(0)

    @pl.when(i == 0)
    def _prep():
        sk_s[...] = sk_ref[...].astype(jnp.bfloat16)
        rel_s[...] = jnp.log(jnp.clip(rel_ref[...], 1e-10, None))
        wqT_s[...] = wq_ref[...].T.astype(jnp.bfloat16)

    scale = 1.0 / math.sqrt(_BD)
    hs = hs_ref[...].astype(jnp.bfloat16)
    q = jnp.dot(hs, wqT_s[...], preferred_element_type=jnp.float32)
    qkT = lax.dot_general(sk_s[...], q.astype(jnp.bfloat16),
                          (((1,), (1,)), ((), ())),
                          preferred_element_type=jnp.float32) * scale
    scoresT = qkT + rel_s[...]
    s3_ref[0] = scoresT[:, :_TW]
    s3_ref[1] = scoresT[:, _TW:]


def _sc_select(s3_hbm, m3_hbm, m_v, sem):
    wid = lax.axis_index("s") * 2 + lax.axis_index("c")
    pltpu.sync_copy(s3_hbm.at[wid], m_v)
    neg = jnp.full((16,), -1e30, jnp.float32)
    for _ in range(_TOPK):
        def red(j, accs):
            return tuple(
                jnp.maximum(a, m_v[j, pl.ds(g * 16, 16)])
                for g, a in enumerate(accs))
        vms = lax.fori_loop(
            0, _N, red,
            tuple(jnp.full((16,), -3e38, jnp.float32) for _ in range(8)))

        def mask(j, c):
            for g in range(8):
                row = m_v[j, pl.ds(g * 16, 16)]
                m_v[j, pl.ds(g * 16, 16)] = jnp.where(row == vms[g], neg, row)
            return c
        lax.fori_loop(0, _N, mask, 0)
    pltpu.sync_copy(m_v, m3_hbm.at[wid])


def _body_c(prim_ref, s3_ref, m3_ref, sv_ref, rel_ref, wd_ref, wu_ref,
            out_ref, svd_s, rel_s, wuT_s):
    i = pl.program_id(0)

    @pl.when(i == 0)
    def _prep():
        rel_s[...] = jnp.log(jnp.clip(rel_ref[...], 1e-10, None))
        wuT_s[...] = wu_ref[...].T.astype(jnp.bfloat16)
        svd = lax.dot_general(sv_ref[...].astype(jnp.bfloat16),
                              wd_ref[...].astype(jnp.bfloat16),
                              (((1,), (1,)), ((), ())),
                              preferred_element_type=jnp.float32)
        svd_s[...] = svd.astype(jnp.bfloat16)

    scoresT = jnp.concatenate([s3_ref[0], s3_ref[1]], axis=1)
    mT = jnp.concatenate([m3_ref[0], m3_ref[1]], axis=1)
    sel = mT < -1e29
    gate_row = jax.nn.sigmoid(jnp.max(scoresT, axis=0, keepdims=True))
    qkT = scoresT - rel_s[...]
    logitsT = jnp.where(sel, qkT, -1e30)
    lmax = jnp.max(logitsT, axis=0, keepdims=True)
    p = jnp.exp(logitsT - lmax) * sel.astype(jnp.float32)
    w = p / jnp.sum(p, axis=0, keepdims=True)

    a = lax.dot_general(w.astype(jnp.bfloat16), svd_s[...],
                        (((0,), (0,)), ((), ())),
                        preferred_element_type=jnp.float32)
    g = jax.nn.gelu(a)
    u = jnp.dot(g.astype(jnp.bfloat16), wuT_s[...],
                preferred_element_type=jnp.float32)
    gate = gate_row.reshape(_T, 1)
    out_ref[...] = prim_ref[...] + gate * u


def kernel(hidden_states, primary_attention_output, slot_keys, slot_values,
           reliability, Wq, Wd, Wu):
    B, S, H = hidden_states.shape
    M = B * S
    hs = hidden_states.reshape(M, H)
    prim = primary_attention_output.reshape(M, H)
    rel = reliability.reshape(_N, 1)

    const = lambda i: (0, 0)
    const3 = lambda i: (i, 0, 0)

    scores3 = pl.pallas_call(
        _body_a,
        grid=(M // _T,),
        in_specs=[
            pl.BlockSpec((_T, H), lambda i: (i, 0)),
            pl.BlockSpec((_N, _BD), const),
            pl.BlockSpec((_N, 1), const),
            pl.BlockSpec((_BD, H), const),
        ],
        out_specs=pl.BlockSpec((2, _N, _TW), const3),
        out_shape=jax.ShapeDtypeStruct((_NW, _N, _TW), jnp.float32),
        scratch_shapes=[
            pltpu.VMEM((_N, _BD), jnp.bfloat16),
            pltpu.VMEM((_N, 1), jnp.float32),
            pltpu.VMEM((H, _BD), jnp.bfloat16),
        ],
        compiler_params=pltpu.CompilerParams(
            dimension_semantics=("arbitrary",),
        ),
    )(hs, slot_keys, rel, Wq)

    mesh = plsc.VectorSubcoreMesh(core_axis_name="c", subcore_axis_name="s",
                                  num_cores=2, num_subcores=16)
    masked3 = pl.kernel(
        _sc_select,
        out_type=jax.ShapeDtypeStruct((_NW, _N, _TW), jnp.float32),
        mesh=mesh,
        scratch_types=[
            pltpu.VMEM((_N, _TW), jnp.float32),
            pltpu.SemaphoreType.DMA,
        ],
    )(scores3)

    out = pl.pallas_call(
        _body_c,
        grid=(M // _T,),
        in_specs=[
            pl.BlockSpec((_T, H), lambda i: (i, 0)),
            pl.BlockSpec((2, _N, _TW), const3),
            pl.BlockSpec((2, _N, _TW), const3),
            pl.BlockSpec((_N, H), const),
            pl.BlockSpec((_N, 1), const),
            pl.BlockSpec((_VB, H), const),
            pl.BlockSpec((H, _VB), const),
        ],
        out_specs=pl.BlockSpec((_T, H), lambda i: (i, 0)),
        out_shape=jax.ShapeDtypeStruct((M, H), jnp.float32),
        scratch_shapes=[
            pltpu.VMEM((_N, _VB), jnp.bfloat16),
            pltpu.VMEM((_N, 1), jnp.float32),
            pltpu.VMEM((_VB, H), jnp.bfloat16),
        ],
        compiler_params=pltpu.CompilerParams(
            dimension_semantics=("arbitrary",),
        ),
    )(prim, scores3, masked3, slot_values, rel, Wd, Wu)
    return out.reshape(B, S, H)

# --- scband reference (transcript-rebuilt; emitter-appended) ---
"""Pipeline reference for scband-agaoperator-34136400069082 (READ-ONLY COPY).

The authoritative reference and input builder live on the scoring server;
editing this copy changes nothing except your own understanding.
"""

import jax, jax.numpy as jnp
import numpy as np
import math

B, S, H = 2, 2048, 2048
BD = 128      # bottleneck_dim
VB = 256      # value_bottleneck_dim
N = 256       # hot slot pool size (invariant <= 256)
TOPK = 8


def setup_inputs(seed: int = 0) -> dict:
    key = jax.random.key(seed)
    ks = jax.random.split(key, 8)
    hidden_states = jax.random.normal(ks[0], (B, S, H), dtype=jnp.float32)
    primary_attention_output = jax.random.normal(ks[1], (B, S, H), dtype=jnp.float32)
    slot_keys = jax.random.normal(ks[2], (N, BD), dtype=jnp.float32)
    slot_values = jax.random.normal(ks[3], (N, H), dtype=jnp.float32)
    reliability = jax.random.uniform(ks[4], (N,), dtype=jnp.float32)
    # learned parameters
    Wq = jax.random.normal(ks[5], (BD, H), dtype=jnp.float32) / math.sqrt(H)
    Wd = jax.random.normal(ks[6], (VB, H), dtype=jnp.float32) * 0.1 / math.sqrt(H)
    Wu = jax.random.normal(ks[7], (H, VB), dtype=jnp.float32) * 0.1 / math.sqrt(VB)
    return {
        'hidden_states': hidden_states,
        'primary_attention_output': primary_attention_output,
        'slot_keys': slot_keys,
        'slot_values': slot_values,
        'reliability': reliability,
        'Wq': Wq,
        'Wd': Wd,
        'Wu': Wu,
    }


def reference(hidden_states, primary_attention_output, slot_keys, slot_values, reliability, Wq, Wd, Wu):
    # q_proj (Linear, no bias)
    query = jnp.einsum('bsh,dh->bsd', hidden_states, Wq)  # [B,S,BD]
    # reliability mask: clamp_min(1e-10).log()
    rel_log = jnp.log(jnp.clip(reliability, 1e-10, None))  # [N]
    # gate chain: score tokens against slot keys, add reliability prior, take top-k
    scale = 1.0 / math.sqrt(BD)
    scores = jnp.einsum('bsd,nd->bsn', query, slot_keys) * scale + rel_log[None, None, :]  # [B,S,N]
    top_scores, top_indices = jax.lax.top_k(scores, TOPK)  # [B,S,K]
    # final gate: sigmoid of strongest slot match per token
    final_gate = jax.nn.sigmoid(jnp.max(top_scores, axis=-1))  # [B,S]
    # _compute_attention over selected slots (gather + softmax attention)
    sel_keys = jnp.take(slot_keys, top_indices, axis=0)      # [B,S,K,BD]
    sel_vals = jnp.take(slot_values, top_indices, axis=0)    # [B,S,K,H]
    attn_logits = jnp.einsum('bsd,bskd->bsk', query, sel_keys) * scale
    attn = jax.nn.softmax(attn_logits, axis=-1)              # [B,S,K]
    aux = jnp.einsum('bsk,bskh->bsh', attn, sel_vals)        # [B,S,H]
    # value bottleneck projection: down -> gelu -> up
    aux = jnp.einsum('bsh,vh->bsv', aux, Wd)
    aux = jax.nn.gelu(aux)
    aux = jnp.einsum('bsv,hv->bsh', aux, Wu)
    # fail-open fusion: primary + gate * aux
    fused = primary_attention_output + final_gate[..., None] * aux
    return fused

if __name__ == "__main__":
    import jax
    _d = setup_inputs()
    print(jax.jit(kernel)(*tuple(_d.values())))

</pallas_src>

<mosaic_0001>
#map = affine_map<(d0, d1) -> (0, 0, 0)>
module attributes {stable_mosaic.version = 14 : i64} {
  func.func @_sc_select(%arg0: i32, %arg1: i32, %arg2: memref<32x256x128xf32, #tpu.memory_space<hbm>>, %arg3: memref<32x256x128xf32, #tpu.memory_space<hbm>>, %arg4: memref<256x128xf32, #tpu.memory_space<vmem>>, %arg5: memref<!tpu.dma_semaphore, #tpu.memory_space<semaphore_mem>>) attributes {dimension_semantics = [#tpu.dimension_semantics<core_parallel>, #tpu.dimension_semantics<subcore_parallel>], iteration_bounds = array<i64: 2, 16>, scalar_prefetch = 0 : i64, scratch_operands = 2 : i64, tpu.core_type = #tpu.core_type<sc_vector_subcore>, window_params = [{transform_indices = #map}, {transform_indices = #map}]} {
    %mul3A = arith.constant 2 : i32
    %mul3A_0 = arith.muli %arg1, %mul3A : i32
    %add3A = arith.addi %mul3A_0, %arg0 : i32
    "tpu.region"() ({
      %run_scoped3A = tpu.sem_alloc : memref<!tpu.dma_semaphore, #tpu.memory_space<semaphore_mem>>
      %dma_start3A = arith.constant 0 : i32
      %dma_start3A_225 = arith.constant 0 : i32
      %dma_start3A_226 = tpu.memref_slice %arg2[%add3A, %dma_start3A, %dma_start3A_225] : memref<32x256x128xf32, #tpu.memory_space<hbm>> -> memref<1x256x128xf32, #tpu.memory_space<hbm>>
      %dma_start3A_227 = tpu.memref_squeeze %dma_start3A_226 : memref<1x256x128xf32, #tpu.memory_space<hbm>> -> memref<256x128xf32, #tpu.memory_space<hbm>>
      %dma_start3A_228 = arith.constant 0 : i32
      %dma_start3A_229 = arith.constant 0 : i32
      %dma_start3A_230 = tpu.memref_slice %arg2[%add3A, %dma_start3A_228, %dma_start3A_229] : memref<32x256x128xf32, #tpu.memory_space<hbm>> -> memref<1x256x128xf32, #tpu.memory_space<hbm>>
      %dma_start3A_231 = tpu.memref_squeeze %dma_start3A_230 : memref<1x256x128xf32, #tpu.memory_space<hbm>> -> memref<256x128xf32, #tpu.memory_space<hbm>>
      tpu.enqueue_dma source(%dma_start3A_231 : memref<256x128xf32, #tpu.memory_space<hbm>>) target(%arg4 : memref<256x128xf32, #tpu.memory_space<vmem>>) target_semaphore(%run_scoped3A : memref<!tpu.dma_semaphore, #tpu.memory_space<semaphore_mem>>)
      %dma_wait3A = arith.constant 0 : i32
      %dma_wait3A_232 = arith.constant 0 : i32
      %dma_wait3A_233 = tpu.memref_slice %arg2[%add3A, %dma_wait3A, %dma_wait3A_232] : memref<32x256x128xf32, #tpu.memory_space<hbm>> -> memref<1x256x128xf32, #tpu.memory_space<hbm>>
      %dma_wait3A_234 = tpu.memref_squeeze %dma_wait3A_233 : memref<1x256x128xf32, #tpu.memory_space<hbm>> -> memref<256x128xf32, #tpu.memory_space<hbm>>
      %dma_wait3A_235 = arith.constant 0 : i32
      %dma_wait3A_236 = arith.constant 0 : i32
      %dma_wait3A_237 = tpu.memref_slice %arg2[%add3A, %dma_wait3A_235, %dma_wait3A_236] : memref<32x256x128xf32, #tpu.memory_space<hbm>> -> memref<1x256x128xf32, #tpu.memory_space<hbm>>
      %dma_wait3A_238 = tpu.memref_squeeze %dma_wait3A_237 : memref<1x256x128xf32, #tpu.memory_space<hbm>> -> memref<256x128xf32, #tpu.memory_space<hbm>>
      tpu.wait_dma2 semaphore(%run_scoped3A : memref<!tpu.dma_semaphore, #tpu.memory_space<semaphore_mem>>) src(%dma_wait3A_238 : memref<256x128xf32, #tpu.memory_space<hbm>>) dst(%arg4 : memref<256x128xf32, #tpu.memory_space<vmem>>)
      tpu.yield
    }) : () -> ()
    %broadcast_in_dim3A = arith.constant -1.000000e+30 : f32
    %broadcast_in_dim3A_1 = vector.broadcast %broadcast_in_dim3A : f32 to vector<16xf32>
    %broadcast_in_dim3A_2 = arith.constant -3.000000e+38 : f32
    %broadcast_in_dim3A_3 = vector.broadcast %broadcast_in_dim3A_2 : f32 to vector<16xf32>
    %broadcast_in_dim3A_4 = arith.constant -3.000000e+38 : f32
    %broadcast_in_dim3A_5 = vector.broadcast %broadcast_in_dim3A_4 : f32 to vector<16xf32>
    %broadcast_in_dim3A_6 = arith.constant -3.000000e+38 : f32
    %broadcast_in_dim3A_7 = vector.broadcast %broadcast_in_dim3A_6 : f32 to vector<16xf32>
    %broadcast_in_dim3A_8 = arith.constant -3.000000e+38 : f32
    %broadcast_in_dim3A_9 = vector.broadcast %broadcast_in_dim3A_8 : f32 to vector<16xf32>
    %broadcast_in_dim3A_10 = arith.constant -3.000000e+38 : f32
    %broadcast_in_dim3A_11 = vector.broadcast %broadcast_in_dim3A_10 : f32 to vector<16xf32>
    %broadcast_in_dim3A_12 = arith.constant -3.000000e+38 : f32
    %broadcast_in_dim3A_13 = vector.broadcast %broadcast_in_dim3A_12 : f32 to vector<16xf32>
    %broadcast_in_dim3A_14 = arith.constant -3.000000e+38 : f32
    %broadcast_in_dim3A_15 = vector.broadcast %broadcast_in_dim3A_14 : f32 to vector<16xf32>
    %broadcast_in_dim3A_16 = arith.constant -3.000000e+38 : f32
    %broadcast_in_dim3A_17 = vector.broadcast %broadcast_in_dim3A_16 : f32 to vector<16xf32>
    %scan3A = arith.constant 0 : i32
    %scan3A_18 = arith.constant 256 : i32
    %scan3A_19 = arith.addi %scan3A, %scan3A_18 : i32
    %scan3A_20 = arith.constant 1 : i32
    %scan3A_21:8 = scf.for %scan3A_225 = %scan3A to %scan3A_19 step %scan3A_20 iter_args(%scan3A_226 = %broadcast_in_dim3A_3, %scan3A_227 = %broadcast_in_dim3A_5, %scan3A_228 = %broadcast_in_dim3A_7, %scan3A_229 = %broadcast_in_dim3A_9, %scan3A_230 = %broadcast_in_dim3A_11, %scan3A_231 = %broadcast_in_dim3A_13, %scan3A_232 = %broadcast_in_dim3A_15, %scan3A_233 = %broadcast_in_dim3A_17) -> (vector<16xf32>, vector<16xf32>, vector<16xf32>, vector<16xf32>, vector<16xf32>, vector<16xf32>, vector<16xf32>, vector<16xf32>)  : i32 {
      %get3A = arith.index_cast %scan3A_225 : i32 to index
      %get3A_234 = arith.constant 0 : index
      %get3A_235 = tpu.vector_load %arg4[%get3A, %get3A_234] {strides = array<i32>} : memref<256x128xf32, #tpu.memory_space<vmem>>, vector<1x16xf32>,
      %get3A_236 = vector.shape_cast %get3A_235 : vector<1x16xf32> to vector<16xf32>
      %max3A = arith.maximumf %scan3A_226, %get3A_236 : vector<16xf32>
      %get3A_237 = arith.index_cast %scan3A_225 : i32 to index
      %get3A_238 = arith.constant 16 : index
      %get3A_239 = tpu.vector_load %arg4[%get3A_237, %get3A_238] {strides = array<i32>} : memref<256x128xf32, #tpu.memory_space<vmem>>, vector<1x16xf32>,
      %get3A_240 = vector.shape_cast %get3A_239 : vector<1x16xf32> to vector<16xf32>
      %max3A_241 = arith.maximumf %scan3A_227, %get3A_240 : vector<16xf32>
      %get3A_242 = arith.index_cast %scan3A_225 : i32 to index
      %get3A_243 = arith.constant 32 : index
      %get3A_244 = tpu.vector_load %arg4[%get3A_242, %get3A_243] {strides = array<i32>} : memref<256x128xf32, #tpu.memory_space<vmem>>, vector<1x16xf32>,
      %get3A_245 = vector.shape_cast %get3A_244 : vector<1x16xf32> to vector<16xf32>
      %max3A_246 = arith.maximumf %scan3A_228, %get3A_245 : vector<16xf32>
      %get3A_247 = arith.index_cast %scan3A_225 : i32 to index
      %get3A_248 = arith.constant 48 : index
      %get3A_249 = tpu.vector_load %arg4[%get3A_247, %get3A_248] {strides = array<i32>} : memref<256x128xf32, #tpu.memory_space<vmem>>, vector<1x16xf32>,
      %get3A_250 = vector.shape_cast %get3A_249 : vector<1x16xf32> to vector<16xf32>
      %max3A_251 = arith.maximumf %scan3A_229, %get3A_250 : vector<16xf32>
      %get3A_252 = arith.index_cast %scan3A_225 : i32 to index
      %get3A_253 = arith.constant 64 : index
      %get3A_254 = tpu.vector_load %arg4[%get3A_252, %get3A_253] {strides = array<i32>} : memref<256x128xf32, #tpu.memory_space<vmem>>, vector<1x16xf32>,
      %get3A_255 = vector.shape_cast %get3A_254 : vector<1x16xf32> to vector<16xf32>
      %max3A_256 = arith.maximumf %scan3A_230, %get3A_255 : vector<16xf32>
      %get3A_257 = arith.index_cast %scan3A_225 : i32 to index
      %get3A_258 = arith.constant 80 : index
      %get3A_259 = tpu.vector_load %arg4[%get3A_257, %get3A_258] {strides = array<i32>} : memref<256x128xf32, #tpu.memory_space<vmem>>, vector<1x16xf32>,
      %get3A_260 = vector.shape_cast %get3A_259 : vector<1x16xf32> to vector<16xf32>
      %max3A_261 = arith.maximumf %scan3A_231, %get3A_260 : vector<16xf32>
      %get3A_262 = arith.index_cast %scan3A_225 : i32 to index
      %get3A_263 = arith.constant 96 : index
      %get3A_264 = tpu.vector_load %arg4[%get3A_262, %get3A_263] {strides = array<i32>} : memref<256x128xf32, #tpu.memory_space<vmem>>, vector<1x16xf32>,
      %get3A_265 = vector.shape_cast %get3A_264 : vector<1x16xf32> to vector<16xf32>
      %max3A_266 = arith.maximumf %scan3A_232, %get3A_265 : vector<16xf32>
      %get3A_267 = arith.index_cast %scan3A_225 : i32 to index
      %get3A_268 = arith.constant 112 : index
      %get3A_269 = tpu.vector_load %arg4[%get3A_267, %get3A_268] {strides = array<i32>} : memref<256x128xf32, #tpu.memory_space<vmem>>, vector<1x16xf32>,
      %get3A_270 = vector.shape_cast %get3A_269 : vector<1x16xf32> to vector<16xf32>
      %max3A_271 = arith.maximumf %scan3A_233, %get3A_270 : vector<16xf32>
      scf.yield %max3A, %max3A_241, %max3A_246, %max3A_251, %max3A_256, %max3A_261, %max3A_266, %max3A_271 : vector<16xf32>, vector<16xf32>, vector<16xf32>, vector<16xf32>, vector<16xf32>, vector<16xf32>, vector<16xf32>, vector<16xf32>
    }
    %scan3A_22 = arith.constant 256 : i32
    %scan3A_23 = arith.constant 0 : i32
    %scan3A_24 = arith.constant 0 : i32
    %scan3A_25 = arith.constant 256 : i32
    %scan3A_26 = arith.addi %scan3A_24, %scan3A_25 : i32
    %scan3A_27 = arith.constant 1 : i32
    scf.for %scan3A_225 = %scan3A_24 to %scan3A_26 step %scan3A_27  : i32 {
      %get3A = arith.index_cast %scan3A_225 : i32 to index
      %get3A_226 = arith.constant 0 : index
      %get3A_227 = tpu.vector_load %arg4[%get3A, %get3A_226] {strides = array<i32>} : memref<256x128xf32, #tpu.memory_space<vmem>>, vector<1x16xf32>,
      %get3A_228 = vector.shape_cast %get3A_227 : vector<1x16xf32> to vector<16xf32>
      %eq3A = arith.cmpf oeq, %get3A_228, %scan3A_21#0 : vector<16xf32>
      %select_n3A = arith.select %eq3A, %broadcast_in_dim3A_1, %get3A_228 : vector<16xi1>, vector<16xf32>
      %swap3A = arith.index_cast %scan3A_225 : i32 to index
      %swap3A_229 = arith.constant 0 : index
      %swap3A_230 = tpu.vector_load %arg4[%swap3A, %swap3A_229] {strides = array<i32>} : memref<256x128xf32, #tpu.memory_space<vmem>>, vector<1x16xf32>,
      %swap3A_231 = vector.shape_cast %swap3A_230 : vector<1x16xf32> to vector<16xf32>
      %swap3A_232 = vector.shape_cast %select_n3A : vector<16xf32> to vector<1x16xf32>
      tpu.vector_store %arg4[%swap3A, %swap3A_229], %swap3A_232 {strides = array<i32>} : memref<256x128xf32, #tpu.memory_space<vmem>>, vector<1x16xf32>,
      %get3A_233 = arith.index_cast %scan3A_225 : i32 to index
      %get3A_234 = arith.constant 16 : index
      %get3A_235 = tpu.vector_load %arg4[%get3A_233, %get3A_234] {strides = array<i32>} : memref<256x128xf32, #tpu.memory_space<vmem>>, vector<1x16xf32>,
      %get3A_236 = vector.shape_cast %get3A_235 : vector<1x16xf32> to vector<16xf32>
      %eq3A_237 = arith.cmpf oeq, %get3A_236, %scan3A_21#1 : vector<16xf32>
      %select_n3A_238 = arith.select %eq3A_237, %broadcast_in_dim3A_1, %get3A_236 : vector<16xi1>, vector<16xf32>
      %swap3A_239 = arith.index_cast %scan3A_225 : i32 to index
      %swap3A_240 = arith.constant 16 : index
      %swap3A_241 = tpu.vector_load %arg4[%swap3A_239, %swap3A_240] {strides = array<i32>} : memref<256x128xf32, #tpu.memory_space<vmem>>, vector<1x16xf32>,
      %swap3A_242 = vector.shape_cast %swap3A_241 : vector<1x16xf32> to vector<16xf32>
      %swap3A_243 = vector.shape_cast %select_n3A_238 : vector<16xf32> to vector<1x16xf32>
      tpu.vector_store %arg4[%swap3A_239, %swap3A_240], %swap3A_243 {strides = array<i32>} : memref<256x128xf32, #tpu.memory_space<vmem>>, vector<1x16xf32>,
      %get3A_244 = arith.index_cast %scan3A_225 : i32 to index
      %get3A_245 = arith.constant 32 : index
      %get3A_246 = tpu.vector_load %arg4[%get3A_244, %get3A_245] {strides = array<i32>} : memref<256x128xf32, #tpu.memory_space<vmem>>, vector<1x16xf32>,
      %get3A_247 = vector.shape_cast %get3A_246 : vector<1x16xf32> to vector<16xf32>
      %eq3A_248 = arith.cmpf oeq, %get3A_247, %scan3A_21#2 : vector<16xf32>
      %select_n3A_249 = arith.select %eq3A_248, %broadcast_in_dim3A_1, %get3A_247 : vector<16xi1>, vector<16xf32>
      %swap3A_250 = arith.index_cast %scan3A_225 : i32 to index
      %swap3A_251 = arith.constant 32 : index
      %swap3A_252 = tpu.vector_load %arg4[%swap3A_250, %swap3A_251] {strides = array<i32>} : memref<256x128xf32, #tpu.memory_space<vmem>>, vector<1x16xf32>,
      %swap3A_253 = vector.shape_cast %swap3A_252 : vector<1x16xf32> to vector<16xf32>
      %swap3A_254 = vector.shape_cast %select_n3A_249 : vector<16xf32> to vector<1x16xf32>
      tpu.vector_store %arg4[%swap3A_250, %swap3A_251], %swap3A_254 {strides = array<i32>} : memref<256x128xf32, #tpu.memory_space<vmem>>, vector<1x16xf32>,
      %get3A_255 = arith.index_cast %scan3A_225 : i32 to index
      %get3A_256 = arith.constant 48 : index
      %get3A_257 = tpu.vector_load %arg4[%get3A_255, %get3A_256] {strides = array<i32>} : memref<256x128xf32, #tpu.memory_space<vmem>>, vector<1x16xf32>,
      %get3A_258 = vector.shape_cast %get3A_257 : vector<1x16xf32> to vector<16xf32>
      %eq3A_259 = arith.cmpf oeq, %get3A_258, %scan3A_21#3 : vector<16xf32>
      %select_n3A_260 = arith.select %eq3A_259, %broadcast_in_dim3A_1, %get3A_258 : vector<16xi1>, vector<16xf32>
      %swap3A_261 = arith.index_cast %scan3A_225 : i32 to index
      %swap3A_262 = arith.constant 48 : index
      %swap3A_263 = tpu.vector_load %arg4[%swap3A_261, %swap3A_262] {strides = array<i32>} : memref<256x128xf32, #tpu.memory_space<vmem>>, vector<1x16xf32>,
      %swap3A_264 = vector.shape_cast %swap3A_263 : vector<1x16xf32> to vector<16xf32>
      %swap3A_265 = vector.shape_cast %select_n3A_260 : vector<16xf32> to vector<1x16xf32>
      tpu.vector_store %arg4[%swap3A_261, %swap3A_262], %swap3A_265 {strides = array<i32>} : memref<256x128xf32, #tpu.memory_space<vmem>>, vector<1x16xf32>,
      %get3A_266 = arith.index_cast %scan3A_225 : i32 to index
      %get3A_267 = arith.constant 64 : index
      %get3A_268 = tpu.vector_load %arg4[%get3A_266, %get3A_267] {strides = array<i32>} : memref<256x128xf32, #tpu.memory_space<vmem>>, vector<1x16xf32>,
      %get3A_269 = vector.shape_cast %get3A_268 : vector<1x16xf32> to vector<16xf32>
      %eq3A_270 = arith.cmpf oeq, %get3A_269, %scan3A_21#4 : vector<16xf32>
      %select_n3A_271 = arith.select %eq3A_270, %broadcast_in_dim3A_1, %get3A_269 : vector<16xi1>, vector<16xf32>
      %swap3A_272 = arith.index_cast %scan3A_225 : i32 to index
      %swap3A_273 = arith.constant 64 : index
      %swap3A_274 = tpu.vector_load %arg4[%swap3A_272, %swap3A_273] {strides = array<i32>} : memref<256x128xf32, #tpu.memory_space<vmem>>, vector<1x16xf32>,
      %swap3A_275 = vector.shape_cast %swap3A_274 : vector<1x16xf32> to vector<16xf32>
      %swap3A_276 = vector.shape_cast %select_n3A_271 : vector<16xf32> to vector<1x16xf32>
      tpu.vector_store %arg4[%swap3A_272, %swap3A_273], %swap3A_276 {strides = array<i32>} : memref<256x128xf32, #tpu.memory_space<vmem>>, vector<1x16xf32>,
      %get3A_277 = arith.index_cast %scan3A_225 : i32 to index
      %get3A_278 = arith.constant 80 : index
      %get3A_279 = tpu.vector_load %arg4[%get3A_277, %get3A_278] {strides = array<i32>} : memref<256x128xf32, #tpu.memory_space<vmem>>, vector<1x16xf32>,
      %get3A_280 = vector.shape_cast %get3A_279 : vector<1x16xf32> to vector<16xf32>
      %eq3A_281 = arith.cmpf oeq, %get3A_280, %scan3A_21#5 : vector<16xf32>
      %select_n3A_282 = arith.select %eq3A_281, %broadcast_in_dim3A_1, %get3A_280 : vector<16xi1>, vector<16xf32>
      %swap3A_283 = arith.index_cast %scan3A_225 : i32 to index
      %swap3A_284 = arith.constant 80 : index
      %swap3A_285 = tpu.vector_load %arg4[%swap3A_283, %swap3A_284] {strides = array<i32>} : memref<256x128xf32, #tpu.memory_space<vmem>>, vector<1x16xf32>,
      %swap3A_286 = vector.shape_cast %swap3A_285 : vector<1x16xf32> to vector<16xf32>
      %swap3A_287 = vector.shape_cast %select_n3A_282 : vector<16xf32> to vector<1x16xf32>
      tpu.vector_store %arg4[%swap3A_283, %swap3A_284], %swap3A_287 {strides = array<i32>} : memref<256x128xf32, #tpu.memory_space<vmem>>, vector<1x16xf32>,
      %get3A_288 = arith.index_cast %scan3A_225 : i32 to index
      %get3A_289 = arith.constant 96 : index
      %get3A_290 = tpu.vector_load %arg4[%get3A_288, %get3A_289] {strides = array<i32>} : memref<256x128xf32, #tpu.memory_space<vmem>>, vector<1x16xf32>,
      %get3A_291 = vector.shape_cast %get3A_290 : vector<1x16xf32> to vector<16xf32>
      %eq3A_292 = arith.cmpf oeq, %get3A_291, %scan3A_21#6 : vector<16xf32>
      %select_n3A_293 = arith.select %eq3A_292, %broadcast_in_dim3A_1, %get3A_291 : vector<16xi1>, vector<16xf32>
      %swap3A_294 = arith.index_cast %scan3A_225 : i32 to index
      %swap3A_295 = arith.constant 96 : index
      %swap3A_296 = tpu.vector_load %arg4[%swap3A_294, %swap3A_295] {strides = array<i32>} : memref<256x128xf32, #tpu.memory_space<vmem>>, vector<1x16xf32>,
      %swap3A_297 = vector.shape_cast %swap3A_296 : vector<1x16xf32> to vector<16xf32>
      %swap3A_298 = vector.shape_cast %select_n3A_293 : vector<16xf32> to vector<1x16xf32>
      tpu.vector_store %arg4[%swap3A_294, %swap3A_295], %swap3A_298 {strides = array<i32>} : memref<256x128xf32, #tpu.memory_space<vmem>>, vector<1x16xf32>,
      %get3A_299 = arith.index_cast %scan3A_225 : i32 to index
      %get3A_300 = arith.constant 112 : index
      %get3A_301 = tpu.vector_load %arg4[%get3A_299, %get3A_300] {strides = array<i32>} : memref<256x128xf32, #tpu.memory_space<vmem>>, vector<1x16xf32>,
      %get3A_302 = vector.shape_cast %get3A_301 : vector<1x16xf32> to vector<16xf32>
      %eq3A_303 = arith.cmpf oeq, %get3A_302, %scan3A_21#7 : vector<16xf32>
      %select_n3A_304 = arith.select %eq3A_303, %broadcast_in_dim3A_1, %get3A_302 : vector<16xi1>, vector<16xf32>
      %swap3A_305 = arith.index_cast %scan3A_225 : i32 to index
      %swap3A_306 = arith.constant 112 : index
      %swap3A_307 = tpu.vector_load %arg4[%swap3A_305, %swap3A_306] {strides = array<i32>} : memref<256x128xf32, #tpu.memory_space<vmem>>, vector<1x16xf32>,
      %swap3A_308 = vector.shape_cast %swap3A_307 : vector<1x16xf32> to vector<16xf32>
      %swap3A_309 = vector.shape_cast %select_n3A_304 : vector<16xf32> to vector<1x16xf32>
      tpu.vector_store %arg4[%swap3A_305, %swap3A_306], %swap3A_309 {strides = array<i32>} : memref<256x128xf32, #tpu.memory_space<vmem>>, vector<1x16xf32>,
    }
    %scan3A_28 = arith.constant 256 : i32
    %broadcast_in_dim3A_29 = arith.constant -3.000000e+38 : f32
    %broadcast_in_dim3A_30 = vector.broadcast %broadcast_in_dim3A_29 : f32 to vector<16xf32>
    %broadcast_in_dim3A_31 = arith.constant -3.000000e+38 : f32
    %broadcast_in_dim3A_32 = vector.broadcast %broadcast_in_dim3A_31 : f32 to vector<16xf32>
    %broadcast_in_dim3A_33 = arith.constant -3.000000e+38 : f32
    %broadcast_in_dim3A_34 = vector.broadcast %broadcast_in_dim3A_33 : f32 to vector<16xf32>
    %broadcast_in_dim3A_35 = arith.constant -3.000000e+38 : f32
    %broadcast_in_dim3A_36 = vector.broadcast %broadcast_in_dim3A_35 : f32 to vector<16xf32>
    %broadcast_in_dim3A_37 = arith.constant -3.000000e+38 : f32
    %broadcast_in_dim3A_38 = vector.broadcast %broadcast_in_dim3A_37 : f32 to vector<16xf32>
    %broadcast_in_dim3A_39 = arith.constant -3.000000e+38 : f32
    %broadcast_in_dim3A_40 = vector.broadcast %broadcast_in_dim3A_39 : f32 to vector<16xf32>
    %broadcast_in_dim3A_41 = arith.constant -3.000000e+38 : f32
    %broadcast_in_dim3A_42 = vector.broadcast %broadcast_in_dim3A_41 : f32 to vector<16xf32>
    %broadcast_in_dim3A_43 = arith.constant -3.000000e+38 : f32
    %broadcast_in_dim3A_44 = vector.broadcast %broadcast_in_dim3A_43 : f32 to vector<16xf32>
    %scan3A_45 = arith.constant 0 : i32
    %scan3A_46 = arith.constant 256 : i32
    %scan3A_47 = arith.addi %scan3A_45, %scan3A_46 : i32
    %scan3A_48 = arith.constant 1 : i32
    %scan3A_49:8 = scf.for %scan3A_225 = %scan3A_45 to %scan3A_47 step %scan3A_48 iter_args(%scan3A_226 = %broadcast_in_dim3A_30, %scan3A_227 = %broadcast_in_dim3A_32, %scan3A_228 = %broadcast_in_dim3A_34, %scan3A_229 = %broadcast_in_dim3A_36, %scan3A_230 = %broadcast_in_dim3A_38, %scan3A_231 = %broadcast_in_dim3A_40, %scan3A_232 = %broadcast_in_dim3A_42, %scan3A_233 = %broadcast_in_dim3A_44) -> (vector<16xf32>, vector<16xf32>, vector<16xf32>, vector<16xf32>, vector<16xf32>, vector<16xf32>, vector<16xf32>, vector<16xf32>)  : i32 {
      %get3A = arith.index_cast %scan3A_225 : i32 to index
      %get3A_234 = arith.constant 0 : index
      %get3A_235 = tpu.vector_load %arg4[%get3A, %get3A_234] {strides = array<i32>} : memref<256x128xf32, #tpu.memory_space<vmem>>, vector<1x16xf32>,
      %get3A_236 = vector.shape_cast %get3A_235 : vector<1x16xf32> to vector<16xf32>
      %max3A = arith.maximumf %scan3A_226, %get3A_236 : vector<16xf32>
      %get3A_237 = arith.index_cast %scan3A_225 : i32 to index
      %get3A_238 = arith.constant 16 : index
      %get3A_239 = tpu.vector_load %arg4[%get3A_237, %get3A_238] {strides = array<i32>} : memref<256x128xf32, #tpu.memory_space<vmem>>, vector<1x16xf32>,
      %get3A_240 = vector.shape_cast %get3A_239 : vector<1x16xf32> to vector<16xf32>
      %max3A_241 = arith.maximumf %scan3A_227, %get3A_240 : vector<16xf32>
      %get3A_242 = arith.index_cast %scan3A_225 : i32 to index
      %get3A_243 = arith.constant 32 : index
      %get3A_244 = tpu.vector_load %arg4[%get3A_242, %get3A_243] {strides = array<i32>} : memref<256x128xf32, #tpu.memory_space<vmem>>, vector<1x16xf32>,
      %get3A_245 = vector.shape_cast %get3A_244 : vector<1x16xf32> to vector<16xf32>
      %max3A_246 = arith.maximumf %scan3A_228, %get3A_245 : vector<16xf32>
      %get3A_247 = arith.index_cast %scan3A_225 : i32 to index
      %get3A_248 = arith.constant 48 : index
      %get3A_249 = tpu.vector_load %arg4[%get3A_247, %get3A_248] {strides = array<i32>} : memref<256x128xf32, #tpu.memory_space<vmem>>, vector<1x16xf32>,
      %get3A_250 = vector.shape_cast %get3A_249 : vector<1x16xf32> to vector<16xf32>
      %max3A_251 = arith.maximumf %scan3A_229, %get3A_250 : vector<16xf32>
      %get3A_252 = arith.index_cast %scan3A_225 : i32 to index
      %get3A_253 = arith.constant 64 : index
      %get3A_254 = tpu.vector_load %arg4[%get3A_252, %get3A_253] {strides = array<i32>} : memref<256x128xf32, #tpu.memory_space<vmem>>, vector<1x16xf32>,
      %get3A_255 = vector.shape_cast %get3A_254 : vector<1x16xf32> to vector<16xf32>
      %max3A_256 = arith.maximumf %scan3A_230, %get3A_255 : vector<16xf32>
      %get3A_257 = arith.index_cast %scan3A_225 : i32 to index
      %get3A_258 = arith.constant 80 : index
      %get3A_259 = tpu.vector_load %arg4[%get3A_257, %get3A_258] {strides = array<i32>} : memref<256x128xf32, #tpu.memory_space<vmem>>, vector<1x16xf32>,
      %get3A_260 = vector.shape_cast %get3A_259 : vector<1x16xf32> to vector<16xf32>
      %max3A_261 = arith.maximumf %scan3A_231, %get3A_260 : vector<16xf32>
      %get3A_262 = arith.index_cast %scan3A_225 : i32 to index
      %get3A_263 = arith.constant 96 : index
      %get3A_264 = tpu.vector_load %arg4[%get3A_262, %get3A_263] {strides = array<i32>} : memref<256x128xf32, #tpu.memory_space<vmem>>, vector<1x16xf32>,
      %get3A_265 = vector.shape_cast %get3A_264 : vector<1x16xf32> to vector<16xf32>
      %max3A_266 = arith.maximumf %scan3A_232, %get3A_265 : vector<16xf32>
      %get3A_267 = arith.index_cast %scan3A_225 : i32 to index
      %get3A_268 = arith.constant 112 : index
      %get3A_269 = tpu.vector_load %arg4[%get3A_267, %get3A_268] {strides = array<i32>} : memref<256x128xf32, #tpu.memory_space<vmem>>, vector<1x16xf32>,
      %get3A_270 = vector.shape_cast %get3A_269 : vector<1x16xf32> to vector<16xf32>
      %max3A_271 = arith.maximumf %scan3A_233, %get3A_270 : vector<16xf32>
      scf.yield %max3A, %max3A_241, %max3A_246, %max3A_251, %max3A_256, %max3A_261, %max3A_266, %max3A_271 : vector<16xf32>, vector<16xf32>, vector<16xf32>, vector<16xf32>, vector<16xf32>, vector<16xf32>, vector<16xf32>, vector<16xf32>
    }
    %scan3A_50 = arith.constant 256 : i32
    %scan3A_51 = arith.constant 0 : i32
    %scan3A_52 = arith.constant 0 : i32
    %scan3A_53 = arith.constant 256 : i32
    %scan3A_54 = arith.addi %scan3A_52, %scan3A_53 : i32
    %scan3A_55 = arith.constant 1 : i32
    scf.for %scan3A_225 = %scan3A_52 to %scan3A_54 step %scan3A_55  : i32 {
      %get3A = arith.index_cast %scan3A_225 : i32 to index
      %get3A_226 = arith.constant 0 : index
      %get3A_227 = tpu.vector_load %arg4[%get3A, %get3A_226] {strides = array<i32>} : memref<256x128xf32, #tpu.memory_space<vmem>>, vector<1x16xf32>,
      %get3A_228 = vector.shape_cast %get3A_227 : vector<1x16xf32> to vector<16xf32>
      %eq3A = arith.cmpf oeq, %get3A_228, %scan3A_49#0 : vector<16xf32>
      %select_n3A = arith.select %eq3A, %broadcast_in_dim3A_1, %get3A_228 : vector<16xi1>, vector<16xf32>
      %swap3A = arith.index_cast %scan3A_225 : i32 to index
      %swap3A_229 = arith.constant 0 : index
      %swap3A_230 = tpu.vector_load %arg4[%swap3A, %swap3A_229] {strides = array<i32>} : memref<256x128xf32, #tpu.memory_space<vmem>>, vector<1x16xf32>,
      %swap3A_231 = vector.shape_cast %swap3A_230 : vector<1x16xf32> to vector<16xf32>
      %swap3A_232 = vector.shape_cast %select_n3A : vector<16xf32> to vector<1x16xf32>
      tpu.vector_store %arg4[%swap3A, %swap3A_229], %swap3A_232 {strides = array<i32>} : memref<256x128xf32, #tpu.memory_space<vmem>>, vector<1x16xf32>,
      %get3A_233 = arith.index_cast %scan3A_225 : i32 to index
      %get3A_234 = arith.constant 16 : index
      %get3A_235 = tpu.vector_load %arg4[%get3A_233, %get3A_234] {strides = array<i32>} : memref<256x128xf32, #tpu.memory_space<vmem>>, vector<1x16xf32>,
      %get3A_236 = vector.shape_cast %get3A_235 : vector<1x16xf32> to vector<16xf32>
      %eq3A_237 = arith.cmpf oeq, %get3A_236, %scan3A_49#1 : vector<16xf32>
      %select_n3A_238 = arith.select %eq3A_237, %broadcast_in_dim3A_1, %get3A_236 : vector<16xi1>, vector<16xf32>
      %swap3A_239 = arith.index_cast %scan3A_225 : i32 to index
      %swap3A_240 = arith.constant 16 : index
      %swap3A_241 = tpu.vector_load %arg4[%swap3A_239, %swap3A_240] {strides = array<i32>} : memref<256x128xf32, #tpu.memory_space<vmem>>, vector<1x16xf32>,
      %swap3A_242 = vector.shape_cast %swap3A_241 : vector<1x16xf32> to vector<16xf32>
      %swap3A_243 = vector.shape_cast %select_n3A_238 : vector<16xf32> to vector<1x16xf32>
      tpu.vector_store %arg4[%swap3A_239, %swap3A_240], %swap3A_243 {strides = array<i32>} : memref<256x128xf32, #tpu.memory_space<vmem>>, vector<1x16xf32>,
      %get3A_244 = arith.index_cast %scan3A_225 : i32 to index
      %get3A_245 = arith.constant 32 : index
      %get3A_246 = tpu.vector_load %arg4[%get3A_244, %get3A_245] {strides = array<i32>} : memref<256x128xf32, #tpu.memory_space<vmem>>, vector<1x16xf32>,
      %get3A_247 = vector.shape_cast %get3A_246 : vector<1x16xf32> to vector<16xf32>
      %eq3A_248 = arith.cmpf oeq, %get3A_247, %scan3A_49#2 : vector<16xf32>
      %select_n3A_249 = arith.select %eq3A_248, %broadcast_in_dim3A_1, %get3A_247 : vector<16xi1>, vector<16xf32>
      %swap3A_250 = arith.index_cast %scan3A_225 : i32 to index
      %swap3A_251 = arith.constant 32 : index
      %swap3A_252 = tpu.vector_load %arg4[%swap3A_250, %swap3A_251] {strides = array<i32>} : memref<256x128xf32, #tpu.memory_space<vmem>>, vector<1x16xf32>,
      %swap3A_253 = vector.shape_cast %swap3A_252 : vector<1x16xf32> to vector<16xf32>
      %swap3A_254 = vector.shape_cast %select_n3A_249 : vector<16xf32> to vector<1x16xf32>
      tpu.vector_store %arg4[%swap3A_250, %swap3A_251], %swap3A_254 {strides = array<i32>} : memref<256x128xf32, #tpu.memory_space<vmem>>, vector<1x16xf32>,
      %get3A_255 = arith.index_cast %scan3A_225 : i32 to index
      %get3A_256 = arith.constant 48 : index
      %get3A_257 = tpu.vector_load %arg4[%get3A_255, %get3A_256] {strides = array<i32>} : memref<256x128xf32, #tpu.memory_space<vmem>>, vector<1x16xf32>,
      %get3A_258 = vector.shape_cast %get3A_257 : vector<1x16xf32> to vector<16xf32>
      %eq3A_259 = arith.cmpf oeq, %get3A_258, %scan3A_49#3 : vector<16xf32>
      %select_n3A_260 = arith.select %eq3A_259, %broadcast_in_dim3A_1, %get3A_258 : vector<16xi1>, vector<16xf32>
      %swap3A_261 = arith.index_cast %scan3A_225 : i32 to index
      %swap3A_262 = arith.constant 48 : index
      %swap3A_263 = tpu.vector_load %arg4[%swap3A_261, %swap3A_262] {strides = array<i32>} : memref<256x128xf32, #tpu.memory_space<vmem>>, vector<1x16xf32>,
      %swap3A_264 = vector.shape_cast %swap3A_263 : vector<1x16xf32> to vector<16xf32>
      %swap3A_265 = vector.shape_cast %select_n3A_260 : vector<16xf32> to vector<1x16xf32>
      tpu.vector_store %arg4[%swap3A_261, %swap3A_262], %swap3A_265 {strides = array<i32>} : memref<256x128xf32, #tpu.memory_space<vmem>>, vector<1x16xf32>,
      %get3A_266 = arith.index_cast %scan3A_225 : i32 to index
      %get3A_267 = arith.constant 64 : index
      %get3A_268 = tpu.vector_load %arg4[%get3A_266, %get3A_267] {strides = array<i32>} : memref<256x128xf32, #tpu.memory_space<vmem>>, vector<1x16xf32>,
      %get3A_269 = vector.shape_cast %get3A_268 : vector<1x16xf32> to vector<16xf32>
      %eq3A_270 = arith.cmpf oeq, %get3A_269, %scan3A_49#4 : vector<16xf32>
      %select_n3A_271 = arith.select %eq3A_270, %broadcast_in_dim3A_1, %get3A_269 : vector<16xi1>, vector<16xf32>
      %swap3A_272 = arith.index_cast %scan3A_225 : i32 to index
      %swap3A_273 = arith.constant 64 : index
      %swap3A_274 = tpu.vector_load %arg4[%swap3A_272, %swap3A_273] {strides = array<i32>} : memref<256x128xf32, #tpu.memory_space<vmem>>, vector<1x16xf32>,
      %swap3A_275 = vector.shape_cast %swap3A_274 : vector<1x16xf32> to vector<16xf32>
      %swap3A_276 = vector.shape_cast %select_n3A_271 : vector<16xf32> to vector<1x16xf32>
      tpu.vector_store %arg4[%swap3A_272, %swap3A_273], %swap3A_276 {strides = array<i32>} : memref<256x128xf32, #tpu.memory_space<vmem>>, vector<1x16xf32>,
      %get3A_277 = arith.index_cast %scan3A_225 : i32 to index
      %get3A_278 = arith.constant 80 : index
      %get3A_279 = tpu.vector_load %arg4[%get3A_277, %get3A_278] {strides = array<i32>} : memref<256x128xf32, #tpu.memory_space<vmem>>, vector<1x16xf32>,
      %get3A_280 = vector.shape_cast %get3A_279 : vector<1x16xf32> to vector<16xf32>
      %eq3A_281 = arith.cmpf oeq, %get3A_280, %scan3A_49#5 : vector<16xf32>
      %select_n3A_282 = arith.select %eq3A_281, %broadcast_in_dim3A_1, %get3A_280 : vector<16xi1>, vector<16xf32>
      %swap3A_283 = arith.index_cast %scan3A_225 : i32 to index
      %swap3A_284 = arith.constant 80 : index
      %swap3A_285 = tpu.vector_load %arg4[%swap3A_283, %swap3A_284] {strides = array<i32>} : memref<256x128xf32, #tpu.memory_space<vmem>>, vector<1x16xf32>,
      %swap3A_286 = vector.shape_cast %swap3A_285 : vector<1x16xf32> to vector<16xf32>
      %swap3A_287 = vector.shape_cast %select_n3A_282 : vector<16xf32> to vector<1x16xf32>
      tpu.vector_store %arg4[%swap3A_283, %swap3A_284], %swap3A_287 {strides = array<i32>} : memref<256x128xf32, #tpu.memory_space<vmem>>, vector<1x16xf32>,
      %get3A_288 = arith.index_cast %scan3A_225 : i32 to index
      %get3A_289 = arith.constant 96 : index
      %get3A_290 = tpu.vector_load %arg4[%get3A_288, %get3A_289] {strides = array<i32>} : memref<256x128xf32, #tpu.memory_space<vmem>>, vector<1x16xf32>,
      %get3A_291 = vector.shape_cast %get3A_290 : vector<1x16xf32> to vector<16xf32>
      %eq3A_292 = arith.cmpf oeq, %get3A_291, %scan3A_49#6 : vector<16xf32>
      %select_n3A_293 = arith.select %eq3A_292, %broadcast_in_dim3A_1, %get3A_291 : vector<16xi1>, vector<16xf32>
      %swap3A_294 = arith.index_cast %scan3A_225 : i32 to index
      %swap3A_295 = arith.constant 96 : index
      %swap3A_296 = tpu.vector_load %arg4[%swap3A_294, %swap3A_295] {strides = array<i32>} : memref<256x128xf32, #tpu.memory_space<vmem>>, vector<1x16xf32>,
      %swap3A_297 = vector.shape_cast %swap3A_296 : vector<1x16xf32> to vector<16xf32>
      %swap3A_298 = vector.shape_cast %select_n3A_293 : vector<16xf32> to vector<1x16xf32>
      tpu.vector_store %arg4[%swap3A_294, %swap3A_295], %swap3A_298 {strides = array<i32>} : memref<256x128xf32, #tpu.memory_space<vmem>>, vector<1x16xf32>,
      %get3A_299 = arith.index_cast %scan3A_225 : i32 to index
      %get3A_300 = arith.constant 112 : index
      %get3A_301 = tpu.vector_load %arg4[%get3A_299, %get3A_300] {strides = array<i32>} : memref<256x128xf32, #tpu.memory_space<vmem>>, vector<1x16xf32>,
      %get3A_302 = vector.shape_cast %get3A_301 : vector<1x16xf32> to vector<16xf32>
      %eq3A_303 = arith.cmpf oeq, %get3A_302, %scan3A_49#7 : vector<16xf32>
      %select_n3A_304 = arith.select %eq3A_303, %broadcast_in_dim3A_1, %get3A_302 : vector<16xi1>, vector<16xf32>
      %swap3A_305 = arith.index_cast %scan3A_225 : i32 to index
      %swap3A_306 = arith.constant 112 : index
      %swap3A_307 = tpu.vector_load %arg4[%swap3A_305, %swap3A_306] {strides = array<i32>} : memref<256x128xf32, #tpu.memory_space<vmem>>, vector<1x16xf32>,
      %swap3A_308 = vector.shape_cast %swap3A_307 : vector<1x16xf32> to vector<16xf32>
      %swap3A_309 = vector.shape_cast %select_n3A_304 : vector<16xf32> to vector<1x16xf32>
      tpu.vector_store %arg4[%swap3A_305, %swap3A_306], %swap3A_309 {strides = array<i32>} : memref<256x128xf32, #tpu.memory_space<vmem>>, vector<1x16xf32>,
    }
    %scan3A_56 = arith.constant 256 : i32
    %broadcast_in_dim3A_57 = arith.constant -3.000000e+38 : f32
    %broadcast_in_dim3A_58 = vector.broadcast %broadcast_in_dim3A_57 : f32 to vector<16xf32>
    %broadcast_in_dim3A_59 = arith.constant -3.000000e+38 : f32
    %broadcast_in_dim3A_60 = vector.broadcast %broadcast_in_dim3A_59 : f32 to vector<16xf32>
    %broadcast_in_dim3A_61 = arith.constant -3.000000e+38 : f32
    %broadcast_in_dim3A_62 = vector.broadcast %broadcast_in_dim3A_61 : f32 to vector<16xf32>
    %broadcast_in_dim3A_63 = arith.constant -3.000000e+38 : f32
    %broadcast_in_dim3A_64 = vector.broadcast %broadcast_in_dim3A_63 : f32 to vector<16xf32>
    %broadcast_in_dim3A_65 = arith.constant -3.000000e+38 : f32
    %broadcast_in_dim3A_66 = vector.broadcast %broadcast_in_dim3A_65 : f32 to vector<16xf32>
    %broadcast_in_dim3A_67 = arith.constant -3.000000e+38 : f32
    %broadcast_in_dim3A_68 = vector.broadcast %broadcast_in_dim3A_67 : f32 to vector<16xf32>
    %broadcast_in_dim3A_69 = arith.constant -3.000000e+38 : f32
    %broadcast_in_dim3A_70 = vector.broadcast %broadcast_in_dim3A_69 : f32 to vector<16xf32>
    %broadcast_in_dim3A_71 = arith.constant -3.000000e+38 : f32
    %broadcast_in_dim3A_72 = vector.broadcast %broadcast_in_dim3A_71 : f32 to vector<16xf32>
    %scan3A_73 = arith.constant 0 : i32
    %scan3A_74 = arith.constant 256 : i32
    %scan3A_75 = arith.addi %scan3A_73, %scan3A_74 : i32
    %scan3A_76 = arith.constant 1 : i32
    %scan3A_77:8 = scf.for %scan3A_225 = %scan3A_73 to %scan3A_75 step %scan3A_76 iter_args(%scan3A_226 = %broadcast_in_dim3A_58, %scan3A_227 = %broadcast_in_dim3A_60, %scan3A_228 = %broadcast_in_dim3A_62, %scan3A_229 = %broadcast_in_dim3A_64, %scan3A_230 = %broadcast_in_dim3A_66, %scan3A_231 = %broadcast_in_dim3A_68, %scan3A_232 = %broadcast_in_dim3A_70, %scan3A_233 = %broadcast_in_dim3A_72) -> (vector<16xf32>, vector<16xf32>, vector<16xf32>, vector<16xf32>, vector<16xf32>, vector<16xf32>, vector<16xf32>, vector<16xf32>)  : i32 {
      %get3A = arith.index_cast %scan3A_225 : i32 to index
      %get3A_234 = arith.constant 0 : index
      %get3A_235 = tpu.vector_load %arg4[%get3A, %get3A_234] {strides = array<i32>} : memref<256x128xf32, #tpu.memory_space<vmem>>, vector<1x16xf32>,
      %get3A_236 = vector.shape_cast %get3A_235 : vector<1x16xf32> to vector<16xf32>
      %max3A = arith.maximumf %scan3A_226, %get3A_236 : vector<16xf32>
      %get3A_237 = arith.index_cast %scan3A_225 : i32 to index
      %get3A_238 = arith.constant 16 : index
      %get3A_239 = tpu.vector_load %arg4[%get3A_237, %get3A_238] {strides = array<i32>} : memref<256x128xf32, #tpu.memory_space<vmem>>, vector<1x16xf32>,
      %get3A_240 = vector.shape_cast %get3A_239 : vector<1x16xf32> to vector<16xf32>
      %max3A_241 = arith.maximumf %scan3A_227, %get3A_240 : vector<16xf32>
      %get3A_242 = arith.index_cast %scan3A_225 : i32 to index
      %get3A_243 = arith.constant 32 : index
      %get3A_244 = tpu.vector_load %arg4[%get3A_242, %get3A_243] {strides = array<i32>} : memref<256x128xf32, #tpu.memory_space<vmem>>, vector<1x16xf32>,
      %get3A_245 = vector.shape_cast %get3A_244 : vector<1x16xf32> to vector<16xf32>
      %max3A_246 = arith.maximumf %scan3A_228, %get3A_245 : vector<16xf32>
      %get3A_247 = arith.index_cast %scan3A_225 : i32 to index
      %get3A_248 = arith.constant 48 : index
      %get3A_249 = tpu.vector_load %arg4[%get3A_247, %get3A_248] {strides = array<i32>} : memref<256x128xf32, #tpu.memory_space<vmem>>, vector<1x16xf32>,
      %get3A_250 = vector.shape_cast %get3A_249 : vector<1x16xf32> to vector<16xf32>
      %max3A_251 = arith.maximumf %scan3A_229, %get3A_250 : vector<16xf32>
      %get3A_252 = arith.index_cast %scan3A_225 : i32 to index
      %get3A_253 = arith.constant 64 : index
      %get3A_254 = tpu.vector_load %arg4[%get3A_252, %get3A_253] {strides = array<i32>} : memref<256x128xf32, #tpu.memory_space<vmem>>, vector<1x16xf32>,
      %get3A_255 = vector.shape_cast %get3A_254 : vector<1x16xf32> to vector<16xf32>
      %max3A_256 = arith.maximumf %scan3A_230, %get3A_255 : vector<16xf32>
      %get3A_257 = arith.index_cast %scan3A_225 : i32 to index
      %get3A_258 = arith.constant 80 : index
      %get3A_259 = tpu.vector_load %arg4[%get3A_257, %get3A_258] {strides = array<i32>} : memref<256x128xf32, #tpu.memory_space<vmem>>, vector<1x16xf32>,
      %get3A_260 = vector.shape_cast %get3A_259 : vector<1x16xf32> to vector<16xf32>
      %max3A_261 = arith.maximumf %scan3A_231, %get3A_260 : vector<16xf32>
      %get3A_262 = arith.index_cast %scan3A_225 : i32 to index
      %get3A_263 = arith.constant 96 : index
      %get3A_264 = tpu.vector_load %arg4[%get3A_262, %get3A_263] {strides = array<i32>} : memref<256x128xf32, #tpu.memory_space<vmem>>, vector<1x16xf32>,
      %get3A_265 = vector.shape_cast %get3A_264 : vector<1x16xf32> to vector<16xf32>
      %max3A_266 = arith.maximumf %scan3A_232, %get3A_265 : vector<16xf32>
      %get3A_267 = arith.index_cast %scan3A_225 : i32 to index
      %get3A_268 = arith.constant 112 : index
      %get3A_269 = tpu.vector_load %arg4[%get3A_267, %get3A_268] {strides = array<i32>} : memref<256x128xf32, #tpu.memory_space<vmem>>, vector<1x16xf32>,
      %get3A_270 = vector.shape_cast %get3A_269 : vector<1x16xf32> to vector<16xf32>
      %max3A_271 = arith.maximumf %scan3A_233, %get3A_270 : vector<16xf32>
      scf.yield %max3A, %max3A_241, %max3A_246, %max3A_251, %max3A_256, %max3A_261, %max3A_266, %max3A_271 : vector<16xf32>, vector<16xf32>, vector<16xf32>, vector<16xf32>, vector<16xf32>, vector<16xf32>, vector<16xf32>, vector<16xf32>
    }
    %scan3A_78 = arith.constant 256 : i32
    %scan3A_79 = arith.constant 0 : i32
    %scan3A_80 = arith.constant 0 : i32
    %scan3A_81 = arith.constant 256 : i32
    %scan3A_82 = arith.addi %scan3A_80, %scan3A_81 : i32
    %scan3A_83 = arith.constant 1 : i32
    scf.for %scan3A_225 = %scan3A_80 to %scan3A_82 step %scan3A_83  : i32 {
      %get3A = arith.index_cast %scan3A_225 : i32 to index
      %get3A_226 = arith.constant 0 : index
      %get3A_227 = tpu.vector_load %arg4[%get3A, %get3A_226] {strides = array<i32>} : memref<256x128xf32, #tpu.memory_space<vmem>>, vector<1x16xf32>,
      %get3A_228 = vector.shape_cast %get3A_227 : vector<1x16xf32> to vector<16xf32>
      %eq3A = arith.cmpf oeq, %get3A_228, %scan3A_77#0 : vector<16xf32>
      %select_n3A = arith.select %eq3A, %broadcast_in_dim3A_1, %get3A_228 : vector<16xi1>, vector<16xf32>
      %swap3A = arith.index_cast %scan3A_225 : i32 to index
      %swap3A_229 = arith.constant 0 : index
      %swap3A_230 = tpu.vector_load %arg4[%swap3A, %swap3A_229] {strides = array<i32>} : memref<256x128xf32, #tpu.memory_space<vmem>>, vector<1x16xf32>,
      %swap3A_231 = vector.shape_cast %swap3A_230 : vector<1x16xf32> to vector<16xf32>
      %swap3A_232 = vector.shape_cast %select_n3A : vector<16xf32> to vector<1x16xf32>
      tpu.vector_store %arg4[%swap3A, %swap3A_229], %swap3A_232 {strides = array<i32>} : memref<256x128xf32, #tpu.memory_space<vmem>>, vector<1x16xf32>,
      %get3A_233 = arith.index_cast %scan3A_225 : i32 to index
      %get3A_234 = arith.constant 16 : index
      %get3A_235 = tpu.vector_load %arg4[%get3A_233, %get3A_234] {strides = array<i32>} : memref<256x128xf32, #tpu.memory_space<vmem>>, vector<1x16xf32>,
      %get3A_236 = vector.shape_cast %get3A_235 : vector<1x16xf32> to vector<16xf32>
      %eq3A_237 = arith.cmpf oeq, %get3A_236, %scan3A_77#1 : vector<16xf32>
      %select_n3A_238 = arith.select %eq3A_237, %broadcast_in_dim3A_1, %get3A_236 : vector<16xi1>, vector<16xf32>
      %swap3A_239 = arith.index_cast %scan3A_225 : i32 to index
      %swap3A_240 = arith.constant 16 : index
      %swap3A_241 = tpu.vector_load %arg4[%swap3A_239, %swap3A_240] {strides = array<i32>} : memref<256x128xf32, #tpu.memory_space<vmem>>, vector<1x16xf32>,
      %swap3A_242 = vector.shape_cast %swap3A_241 : vector<1x16xf32> to vector<16xf32>
      %swap3A_243 = vector.shape_cast %select_n3A_238 : vector<16xf32> to vector<1x16xf32>
      tpu.vector_store %arg4[%swap3A_239, %swap3A_240], %swap3A_243 {strides = array<i32>} : memref<256x128xf32, #tpu.memory_space<vmem>>, vector<1x16xf32>,
      %get3A_244 = arith.index_cast %scan3A_225 : i32 to index
      %get3A_245 = arith.constant 32 : index
      %get3A_246 = tpu.vector_load %arg4[%get3A_244, %get3A_245] {strides = array<i32>} : memref<256x128xf32, #tpu.memory_space<vmem>>, vector<1x16xf32>,
      %get3A_247 = vector.shape_cast %get3A_246 : vector<1x16xf32> to vector<16xf32>
      %eq3A_248 = arith.cmpf oeq, %get3A_247, %scan3A_77#2 : vector<16xf32>
      %select_n3A_249 = arith.select %eq3A_248, %broadcast_in_dim3A_1, %get3A_247 : vector<16xi1>, vector<16xf32>
      %swap3A_250 = arith.index_cast %scan3A_225 : i32 to index
      %swap3A_251 = arith.constant 32 : index
      %swap3A_252 = tpu.vector_load %arg4[%swap3A_250, %swap3A_251] {strides = array<i32>} : memref<256x128xf32, #tpu.memory_space<vmem>>, vector<1x16xf32>,
      %swap3A_253 = vector.shape_cast %swap3A_252 : vector<1x16xf32> to vector<16xf32>
      %swap3A_254 = vector.shape_cast %select_n3A_249 : vector<16xf32> to vector<1x16xf32>
      tpu.vector_store %arg4[%swap3A_250, %swap3A_251], %swap3A_254 {strides = array<i32>} : memref<256x128xf32, #tpu.memory_space<vmem>>, vector<1x16xf32>,
      %get3A_255 = arith.index_cast %scan3A_225 : i32 to index
      %get3A_256 = arith.constant 48 : index
      %get3A_257 = tpu.vector_load %arg4[%get3A_255, %get3A_256] {strides = array<i32>} : memref<256x128xf32, #tpu.memory_space<vmem>>, vector<1x16xf32>,
      %get3A_258 = vector.shape_cast %get3A_257 : vector<1x16xf32> to vector<16xf32>
      %eq3A_259 = arith.cmpf oeq, %get3A_258, %scan3A_77#3 : vector<16xf32>
      %select_n3A_260 = arith.select %eq3A_259, %broadcast_in_dim3A_1, %get3A_258 : vector<16xi1>, vector<16xf32>
      %swap3A_261 = arith.index_cast %scan3A_225 : i32 to index
      %swap3A_262 = arith.constant 48 : index
      %swap3A_263 = tpu.vector_load %arg4[%swap3A_261, %swap3A_262] {strides = array<i32>} : memref<256x128xf32, #tpu.memory_space<vmem>>, vector<1x16xf32>,
      %swap3A_264 = vector.shape_cast %swap3A_263 : vector<1x16xf32> to vector<16xf32>
      %swap3A_265 = vector.shape_cast %select_n3A_260 : vector<16xf32> to vector<1x16xf32>
      tpu.vector_store %arg4[%swap3A_261, %swap3A_262], %swap3A_265 {strides = array<i32>} : memref<256x128xf32, #tpu.memory_space<vmem>>, vector<1x16xf32>,
      %get3A_266 = arith.index_cast %scan3A_225 : i32 to index
      %get3A_267 = arith.constant 64 : index
      %get3A_268 = tpu.vector_load %arg4[%get3A_266, %get3A_267] {strides = array<i32>} : memref<256x128xf32, #tpu.memory_space<vmem>>, vector<1x16xf32>,
      %get3A_269 = vector.shape_cast %get3A_268 : vector<1x16xf32> to vector<16xf32>
      %eq3A_270 = arith.cmpf oeq, %get3A_269, %scan3A_77#4 : vector<16xf32>
      %select_n3A_271 = arith.select %eq3A_270, %broadcast_in_dim3A_1, %get3A_269 : vector<16xi1>, vector<16xf32>
      %swap3A_272 = arith.index_cast %scan3A_225 : i32 to index
      %swap3A_273 = arith.constant 64 : index
      %swap3A_274 = tpu.vector_load %arg4[%swap3A_272, %swap3A_273] {strides = array<i32>} : memref<256x128xf32, #tpu.memory_space<vmem>>, vector<1x16xf32>,
      %swap3A_275 = vector.shape_cast %swap3A_274 : vector<1x16xf32> to vector<16xf32>
      %swap3A_276 = vector.shape_cast %select_n3A_271 : vector<16xf32> to vector<1x16xf32>
      tpu.vector_store %arg4[%swap3A_272, %swap3A_273], %swap3A_276 {strides = array<i32>} : memref<256x128xf32, #tpu.memory_space<vmem>>, vector<1x16xf32>,
      %get3A_277 = arith.index_cast %scan3A_225 : i32 to index
      %get3A_278 = arith.constant 80 : index
      %get3A_279 = tpu.vector_load %arg4[%get3A_277, %get3A_278] {strides = array<i32>} : memref<256x128xf32, #tpu.memory_space<vmem>>, vector<1x16xf32>,
      %get3A_280 = vector.shape_cast %get3A_279 : vector<1x16xf32> to vector<16xf32>
      %eq3A_281 = arith.cmpf oeq, %get3A_280, %scan3A_77#5 : vector<16xf32>
      %select_n3A_282 = arith.select %eq3A_281, %broadcast_in_dim3A_1, %get3A_280 : vector<16xi1>, vector<16xf32>
      %swap3A_283 = arith.index_cast %scan3A_225 : i32 to index
      %swap3A_284 = arith.constant 80 : index
      %swap3A_285 = tpu.vector_load %arg4[%swap3A_283, %swap3A_284] {strides = array<i32>} : memref<256x128xf32, #tpu.memory_space<vmem>>, vector<1x16xf32>,
      %swap3A_286 = vector.shape_cast %swap3A_285 : vector<1x16xf32> to vector<16xf32>
      %swap3A_287 = vector.shape_cast %select_n3A_282 : vector<16xf32> to vector<1x16xf32>
      tpu.vector_store %arg4[%swap3A_283, %swap3A_284], %swap3A_287 {strides = array<i32>} : memref<256x128xf32, #tpu.memory_space<vmem>>, vector<1x16xf32>,
      %get3A_288 = arith.index_cast %scan3A_225 : i32 to index
      %get3A_289 = arith.constant 96 : index
      %get3A_290 = tpu.vector_load %arg4[%get3A_288, %get3A_289] {strides = array<i32>} : memref<256x128xf32, #tpu.memory_space<vmem>>, vector<1x16xf32>,
      %get3A_291 = vector.shape_cast %get3A_290 : vector<1x16xf32> to vector<16xf32>
      %eq3A_292 = arith.cmpf oeq, %get3A_291, %scan3A_77#6 : vector<16xf32>
      %select_n3A_293 = arith.select %eq3A_292, %broadcast_in_dim3A_1, %get3A_291 : vector<16xi1>, vector<16xf32>
      %swap3A_294 = arith.index_cast %scan3A_225 : i32 to index
      %swap3A_295 = arith.constant 96 : index
      %swap3A_296 = tpu.vector_load %arg4[%swap3A_294, %swap3A_295] {strides = array<i32>} : memref<256x128xf32, #tpu.memory_space<vmem>>, vector<1x16xf32>,
      %swap3A_297 = vector.shape_cast %swap3A_296 : vector<1x16xf32> to vector<16xf32>
      %swap3A_298 = vector.shape_cast %select_n3A_293 : vector<16xf32> to vector<1x16xf32>
      tpu.vector_store %arg4[%swap3A_294, %swap3A_295], %swap3A_298 {strides = array<i32>} : memref<256x128xf32, #tpu.memory_space<vmem>>, vector<1x16xf32>,
      %get3A_299 = arith.index_cast %scan3A_225 : i32 to index
      %get3A_300 = arith.constant 112 : index
      %get3A_301 = tpu.vector_load %arg4[%get3A_299, %get3A_300] {strides = array<i32>} : memref<256x128xf32, #tpu.memory_space<vmem>>, vector<1x16xf32>,
      %get3A_302 = vector.shape_cast %get3A_301 : vector<1x16xf32> to vector<16xf32>
      %eq3A_303 = arith.cmpf oeq, %get3A_302, %scan3A_77#7 : vector<16xf32>
      %select_n3A_304 = arith.select %eq3A_303, %broadcast_in_dim3A_1, %get3A_302 : vector<16xi1>, vector<16xf32>
      %swap3A_305 = arith.index_cast %scan3A_225 : i32 to index
      %swap3A_306 = arith.constant 112 : index
      %swap3A_307 = tpu.vector_load %arg4[%swap3A_305, %swap3A_306] {strides = array<i32>} : memref<256x128xf32, #tpu.memory_space<vmem>>, vector<1x16xf32>,
      %swap3A_308 = vector.shape_cast %swap3A_307 : vector<1x16xf32> to vector<16xf32>
      %swap3A_309 = vector.shape_cast %select_n3A_304 : vector<16xf32> to vector<1x16xf32>
      tpu.vector_store %arg4[%swap3A_305, %swap3A_306], %swap3A_309 {strides = array<i32>} : memref<256x128xf32, #tpu.memory_space<vmem>>, vector<1x16xf32>,
    }
    %scan3A_84 = arith.constant 256 : i32
    %broadcast_in_dim3A_85 = arith.constant -3.000000e+38 : f32
    %broadcast_in_dim3A_86 = vector.broadcast %broadcast_in_dim3A_85 : f32 to vector<16xf32>
    %broadcast_in_dim3A_87 = arith.constant -3.000000e+38 : f32
    %broadcast_in_dim3A_88 = vector.broadcast %broadcast_in_dim3A_87 : f32 to vector<16xf32>
    %broadcast_in_dim3A_89 = arith.constant -3.000000e+38 : f32
    %broadcast_in_dim3A_90 = vector.broadcast %broadcast_in_dim3A_89 : f32 to vector<16xf32>
    %broadcast_in_dim3A_91 = arith.constant -3.000000e+38 : f32
    %broadcast_in_dim3A_92 = vector.broadcast %broadcast_in_dim3A_91 : f32 to vector<16xf32>
    %broadcast_in_dim3A_93 = arith.constant -3.000000e+38 : f32
    %broadcast_in_dim3A_94 = vector.broadcast %broadcast_in_dim3A_93 : f32 to vector<16xf32>
    %broadcast_in_dim3A_95 = arith.constant -3.000000e+38 : f32
    %broadcast_in_dim3A_96 = vector.broadcast %broadcast_in_dim3A_95 : f32 to vector<16xf32>
    %broadcast_in_dim3A_97 = arith.constant -3.000000e+38 : f32
    %broadcast_in_dim3A_98 = vector.broadcast %broadcast_in_dim3A_97 : f32 to vector<16xf32>
    %broadcast_in_dim3A_99 = arith.constant -3.000000e+38 : f32
    %broadcast_in_dim3A_100 = vector.broadcast %broadcast_in_dim3A_99 : f32 to vector<16xf32>
    %scan3A_101 = arith.constant 0 : i32
    %scan3A_102 = arith.constant 256 : i32
    %scan3A_103 = arith.addi %scan3A_101, %scan3A_102 : i32
    %scan3A_104 = arith.constant 1 : i32
    %scan3A_105:8 = scf.for %scan3A_225 = %scan3A_101 to %scan3A_103 step %scan3A_104 iter_args(%scan3A_226 = %broadcast_in_dim3A_86, %scan3A_227 = %broadcast_in_dim3A_88, %scan3A_228 = %broadcast_in_dim3A_90, %scan3A_229 = %broadcast_in_dim3A_92, %scan3A_230 = %broadcast_in_dim3A_94, %scan3A_231 = %broadcast_in_dim3A_96, %scan3A_232 = %broadcast_in_dim3A_98, %scan3A_233 = %broadcast_in_dim3A_100) -> (vector<16xf32>, vector<16xf32>, vector<16xf32>, vector<16xf32>, vector<16xf32>, vector<16xf32>, vector<16xf32>, vector<16xf32>)  : i32 {
      %get3A = arith.index_cast %scan3A_225 : i32 to index
      %get3A_234 = arith.constant 0 : index
      %get3A_235 = tpu.vector_load %arg4[%get3A, %get3A_234] {strides = array<i32>} : memref<256x128xf32, #tpu.memory_space<vmem>>, vector<1x16xf32>,
      %get3A_236 = vector.shape_cast %get3A_235 : vector<1x16xf32> to vector<16xf32>
      %max3A = arith.maximumf %scan3A_226, %get3A_236 : vector<16xf32>
      %get3A_237 = arith.index_cast %scan3A_225 : i32 to index
      %get3A_238 = arith.constant 16 : index
      %get3A_239 = tpu.vector_load %arg4[%get3A_237, %get3A_238] {strides = array<i32>} : memref<256x128xf32, #tpu.memory_space<vmem>>, vector<1x16xf32>,
      %get3A_240 = vector.shape_cast %get3A_239 : vector<1x16xf32> to vector<16xf32>
      %max3A_241 = arith.maximumf %scan3A_227, %get3A_240 : vector<16xf32>
      %get3A_242 = arith.index_cast %scan3A_225 : i32 to index
      %get3A_243 = arith.constant 32 : index
      %get3A_244 = tpu.vector_load %arg4[%get3A_242, %get3A_243] {strides = array<i32>} : memref<256x128xf32, #tpu.memory_space<vmem>>, vector<1x16xf32>,
      %get3A_245 = vector.shape_cast %get3A_244 : vector<1x16xf32> to vector<16xf32>
      %max3A_246 = arith.maximumf %scan3A_228, %get3A_245 : vector<16xf32>
      %get3A_247 = arith.index_cast %scan3A_225 : i32 to index
      %get3A_248 = arith.constant 48 : index
      %get3A_249 = tpu.vector_load %arg4[%get3A_247, %get3A_248] {strides = array<i32>} : memref<256x128xf32, #tpu.memory_space<vmem>>, vector<1x16xf32>,
      %get3A_250 = vector.shape_cast %get3A_249 : vector<1x16xf32> to vector<16xf32>
      %max3A_251 = arith.maximumf %scan3A_229, %get3A_250 : vector<16xf32>
      %get3A_252 = arith.index_cast %scan3A_225 : i32 to index
      %get3A_253 = arith.constant 64 : index
      %get3A_254 = tpu.vector_load %arg4[%get3A_252, %get3A_253] {strides = array<i32>} : memref<256x128xf32, #tpu.memory_space<vmem>>, vector<1x16xf32>,
      %get3A_255 = vector.shape_cast %get3A_254 : vector<1x16xf32> to vector<16xf32>
      %max3A_256 = arith.maximumf %scan3A_230, %get3A_255 : vector<16xf32>
      %get3A_257 = arith.index_cast %scan3A_225 : i32 to index
      %get3A_258 = arith.constant 80 : index
      %get3A_259 = tpu.vector_load %arg4[%get3A_257, %get3A_258] {strides = array<i32>} : memref<256x128xf32, #tpu.memory_space<vmem>>, vector<1x16xf32>,
      %get3A_260 = vector.shape_cast %get3A_259 : vector<1x16xf32> to vector<16xf32>
      %max3A_261 = arith.maximumf %scan3A_231, %get3A_260 : vector<16xf32>
      %get3A_262 = arith.index_cast %scan3A_225 : i32 to index
      %get3A_263 = arith.constant 96 : index
      %get3A_264 = tpu.vector_load %arg4[%get3A_262, %get3A_263] {strides = array<i32>} : memref<256x128xf32, #tpu.memory_space<vmem>>, vector<1x16xf32>,
      %get3A_265 = vector.shape_cast %get3A_264 : vector<1x16xf32> to vector<16xf32>
      %max3A_266 = arith.maximumf %scan3A_232, %get3A_265 : vector<16xf32>
      %get3A_267 = arith.index_cast %scan3A_225 : i32 to index
      %get3A_268 = arith.constant 112 : index
      %get3A_269 = tpu.vector_load %arg4[%get3A_267, %get3A_268] {strides = array<i32>} : memref<256x128xf32, #tpu.memory_space<vmem>>, vector<1x16xf32>,
      %get3A_270 = vector.shape_cast %get3A_269 : vector<1x16xf32> to vector<16xf32>
      %max3A_271 = arith.maximumf %scan3A_233, %get3A_270 : vector<16xf32>
      scf.yield %max3A, %max3A_241, %max3A_246, %max3A_251, %max3A_256, %max3A_261, %max3A_266, %max3A_271 : vector<16xf32>, vector<16xf32>, vector<16xf32>, vector<16xf32>, vector<16xf32>, vector<16xf32>, vector<16xf32>, vector<16xf32>
    }
    %scan3A_106 = arith.constant 256 : i32
    %scan3A_107 = arith.constant 0 : i32
    %scan3A_108 = arith.constant 0 : i32
    %scan3A_109 = arith.constant 256 : i32
    %scan3A_110 = arith.addi %scan3A_108, %scan3A_109 : i32
    %scan3A_111 = arith.constant 1 : i32
    scf.for %scan3A_225 = %scan3A_108 to %scan3A_110 step %scan3A_111  : i32 {
      %get3A = arith.index_cast %scan3A_225 : i32 to index
      %get3A_226 = arith.constant 0 : index
      %get3A_227 = tpu.vector_load %arg4[%get3A, %get3A_226] {strides = array<i32>} : memref<256x128xf32, #tpu.memory_space<vmem>>, vector<1x16xf32>,
      %get3A_228 = vector.shape_cast %get3A_227 : vector<1x16xf32> to vector<16xf32>
      %eq3A = arith.cmpf oeq, %get3A_228, %scan3A_105#0 : vector<16xf32>
      %select_n3A = arith.select %eq3A, %broadcast_in_dim3A_1, %get3A_228 : vector<16xi1>, vector<16xf32>
      %swap3A = arith.index_cast %scan3A_225 : i32 to index
      %swap3A_229 = arith.constant 0 : index
      %swap3A_230 = tpu.vector_load %arg4[%swap3A, %swap3A_229] {strides = array<i32>} : memref<256x128xf32, #tpu.memory_space<vmem>>, vector<1x16xf32>,
      %swap3A_231 = vector.shape_cast %swap3A_230 : vector<1x16xf32> to vector<16xf32>
      %swap3A_232 = vector.shape_cast %select_n3A : vector<16xf32> to vector<1x16xf32>
      tpu.vector_store %arg4[%swap3A, %swap3A_229], %swap3A_232 {strides = array<i32>} : memref<256x128xf32, #tpu.memory_space<vmem>>, vector<1x16xf32>,
      %get3A_233 = arith.index_cast %scan3A_225 : i32 to index
      %get3A_234 = arith.constant 16 : index
      %get3A_235 = tpu.vector_load %arg4[%get3A_233, %get3A_234] {strides = array<i32>} : memref<256x128xf32, #tpu.memory_space<vmem>>, vector<1x16xf32>,
      %get3A_236 = vector.shape_cast %get3A_235 : vector<1x16xf32> to vector<16xf32>
      %eq3A_237 = arith.cmpf oeq, %get3A_236, %scan3A_105#1 : vector<16xf32>
      %select_n3A_238 = arith.select %eq3A_237, %broadcast_in_dim3A_1, %get3A_236 : vector<16xi1>, vector<16xf32>
      %swap3A_239 = arith.index_cast %scan3A_225 : i32 to index
      %swap3A_240 = arith.constant 16 : index
      %swap3A_241 = tpu.vector_load %arg4[%swap3A_239, %swap3A_240] {strides = array<i32>} : memref<256x128xf32, #tpu.memory_space<vmem>>, vector<1x16xf32>,
      %swap3A_242 = vector.shape_cast %swap3A_241 : vector<1x16xf32> to vector<16xf32>
      %swap3A_243 = vector.shape_cast %select_n3A_238 : vector<16xf32> to vector<1x16xf32>
      tpu.vector_store %arg4[%swap3A_239, %swap3A_240], %swap3A_243 {strides = array<i32>} : memref<256x128xf32, #tpu.memory_space<vmem>>, vector<1x16xf32>,
      %get3A_244 = arith.index_cast %scan3A_225 : i32 to index
      %get3A_245 = arith.constant 32 : index
      %get3A_246 = tpu.vector_load %arg4[%get3A_244, %get3A_245] {strides = array<i32>} : memref<256x128xf32, #tpu.memory_space<vmem>>, vector<1x16xf32>,
      %get3A_247 = vector.shape_cast %get3A_246 : vector<1x16xf32> to vector<16xf32>
      %eq3A_248 = arith.cmpf oeq, %get3A_247, %scan3A_105#2 : vector<16xf32>
      %select_n3A_249 = arith.select %eq3A_248, %broadcast_in_dim3A_1, %get3A_247 : vector<16xi1>, vector<16xf32>
      %swap3A_250 = arith.index_cast %scan3A_225 : i32 to index
      %swap3A_251 = arith.constant 32 : index
      %swap3A_252 = tpu.vector_load %arg4[%swap3A_250, %swap3A_251] {strides = array<i32>} : memref<256x128xf32, #tpu.memory_space<vmem>>, vector<1x16xf32>,
      %swap3A_253 = vector.shape_cast %swap3A_252 : vector<1x16xf32> to vector<16xf32>
      %swap3A_254 = vector.shape_cast %select_n3A_249 : vector<16xf32> to vector<1x16xf32>
      tpu.vector_store %arg4[%swap3A_250, %swap3A_251], %swap3A_254 {strides = array<i32>} : memref<256x128xf32, #tpu.memory_space<vmem>>, vector<1x16xf32>,
      %get3A_255 = arith.index_cast %scan3A_225 : i32 to index
      %get3A_256 = arith.constant 48 : index
      %get3A_257 = tpu.vector_load %arg4[%get3A_255, %get3A_256] {strides = array<i32>} : memref<256x128xf32, #tpu.memory_space<vmem>>, vector<1x16xf32>,
      %get3A_258 = vector.shape_cast %get3A_257 : vector<1x16xf32> to vector<16xf32>
      %eq3A_259 = arith.cmpf oeq, %get3A_258, %scan3A_105#3 : vector<16xf32>
      %select_n3A_260 = arith.select %eq3A_259, %broadcast_in_dim3A_1, %get3A_258 : vector<16xi1>, vector<16xf32>
      %swap3A_261 = arith.index_cast %scan3A_225 : i32 to index
      %swap3A_262 = arith.constant 48 : index
      %swap3A_263 = tpu.vector_load %arg4[%swap3A_261, %swap3A_262] {strides = array<i32>} : memref<256x128xf32, #tpu.memory_space<vmem>>, vector<1x16xf32>,
      %swap3A_264 = vector.shape_cast %swap3A_263 : vector<1x16xf32> to vector<16xf32>
      %swap3A_265 = vector.shape_cast %select_n3A_260 : vector<16xf32> to vector<1x16xf32>
      tpu.vector_store %arg4[%swap3A_261, %swap3A_262], %swap3A_265 {strides = array<i32>} : memref<256x128xf32, #tpu.memory_space<vmem>>, vector<1x16xf32>,
      %get3A_266 = arith.index_cast %scan3A_225 : i32 to index
      %get3A_267 = arith.constant 64 : index
      %get3A_268 = tpu.vector_load %arg4[%get3A_266, %get3A_267] {strides = array<i32>} : memref<256x128xf32, #tpu.memory_space<vmem>>, vector<1x16xf32>,
      %get3A_269 = vector.shape_cast %get3A_268 : vector<1x16xf32> to vector<16xf32>
      %eq3A_270 = arith.cmpf oeq, %get3A_269, %scan3A_105#4 : vector<16xf32>
      %select_n3A_271 = arith.select %eq3A_270, %broadcast_in_dim3A_1, %get3A_269 : vector<16xi1>, vector<16xf32>
      %swap3A_272 = arith.index_cast %scan3A_225 : i32 to index
      %swap3A_273 = arith.constant 64 : index
      %swap3A_274 = tpu.vector_load %arg4[%swap3A_272, %swap3A_273] {strides = array<i32>} : memref<256x128xf32, #tpu.memory_space<vmem>>, vector<1x16xf32>,
      %swap3A_275 = vector.shape_cast %swap3A_274 : vector<1x16xf32> to vector<16xf32>
      %swap3A_276 = vector.shape_cast %select_n3A_271 : vector<16xf32> to vector<1x16xf32>
      tpu.vector_store %arg4[%swap3A_272, %swap3A_273], %swap3A_276 {strides = array<i32>} : memref<256x128xf32, #tpu.memory_space<vmem>>, vector<1x16xf32>,
      %get3A_277 = arith.index_cast %scan3A_225 : i32 to index
      %get3A_278 = arith.constant 80 : index
      %get3A_279 = tpu.vector_load %arg4[%get3A_277, %get3A_278] {strides = array<i32>} : memref<256x128xf32, #tpu.memory_space<vmem>>, vector<1x16xf32>,
      %get3A_280 = vector.shape_cast %get3A_279 : vector<1x16xf32> to vector<16xf32>
      %eq3A_281 = arith.cmpf oeq, %get3A_280, %scan3A_105#5 : vector<16xf32>
      %select_n3A_282 = arith.select %eq3A_281, %broadcast_in_dim3A_1, %get3A_280 : vector<16xi1>, vector<16xf32>
      %swap3A_283 = arith.index_cast %scan3A_225 : i32 to index
      %swap3A_284 = arith.constant 80 : index
      %swap3A_285 = tpu.vector_load %arg4[%swap3A_283, %swap3A_284] {strides = array<i32>} : memref<256x128xf32, #tpu.memory_space<vmem>>, vector<1x16xf32>,
      %swap3A_286 = vector.shape_cast %swap3A_285 : vector<1x16xf32> to vector<16xf32>
      %swap3A_287 = vector.shape_cast %select_n3A_282 : vector<16xf32> to vector<1x16xf32>
      tpu.vector_store %arg4[%swap3A_283, %swap3A_284], %swap3A_287 {strides = array<i32>} : memref<256x128xf32, #tpu.memory_space<vmem>>, vector<1x16xf32>,
      %get3A_288 = arith.index_cast %scan3A_225 : i32 to index
      %get3A_289 = arith.constant 96 : index
      %get3A_290 = tpu.vector_load %arg4[%get3A_288, %get3A_289] {strides = array<i32>} : memref<256x128xf32, #tpu.memory_space<vmem>>, vector<1x16xf32>,
      %get3A_291 = vector.shape_cast %get3A_290 : vector<1x16xf32> to vector<16xf32>
      %eq3A_292 = arith.cmpf oeq, %get3A_291, %scan3A_105#6 : vector<16xf32>
      %select_n3A_293 = arith.select %eq3A_292, %broadcast_in_dim3A_1, %get3A_291 : vector<16xi1>, vector<16xf32>
      %swap3A_294 = arith.index_cast %scan3A_225 : i32 to index
      %swap3A_295 = arith.constant 96 : index
      %swap3A_296 = tpu.vector_load %arg4[%swap3A_294, %swap3A_295] {strides = array<i32>} : memref<256x128xf32, #tpu.memory_space<vmem>>, vector<1x16xf32>,
      %swap3A_297 = vector.shape_cast %swap3A_296 : vector<1x16xf32> to vector<16xf32>
      %swap3A_298 = vector.shape_cast %select_n3A_293 : vector<16xf32> to vector<1x16xf32>
      tpu.vector_store %arg4[%swap3A_294, %swap3A_295], %swap3A_298 {strides = array<i32>} : memref<256x128xf32, #tpu.memory_space<vmem>>, vector<1x16xf32>,
      %get3A_299 = arith.index_cast %scan3A_225 : i32 to index
      %get3A_300 = arith.constant 112 : index
      %get3A_301 = tpu.vector_load %arg4[%get3A_299, %get3A_300] {strides = array<i32>} : memref<256x128xf32, #tpu.memory_space<vmem>>, vector<1x16xf32>,
      %get3A_302 = vector.shape_cast %get3A_301 : vector<1x16xf32> to vector<16xf32>
      %eq3A_303 = arith.cmpf oeq, %get3A_302, %scan3A_105#7 : vector<16xf32>
      %select_n3A_304 = arith.select %eq3A_303, %broadcast_in_dim3A_1, %get3A_302 : vector<16xi1>, vector<16xf32>
      %swap3A_305 = arith.index_cast %scan3A_225 : i32 to index
      %swap3A_306 = arith.constant 112 : index
      %swap3A_307 = tpu.vector_load %arg4[%swap3A_305, %swap3A_306] {strides = array<i32>} : memref<256x128xf32, #tpu.memory_space<vmem>>, vector<1x16xf32>,
      %swap3A_308 = vector.shape_cast %swap3A_307 : vector<1x16xf32> to vector<16xf32>
      %swap3A_309 = vector.shape_cast %select_n3A_304 : vector<16xf32> to vector<1x16xf32>
      tpu.vector_store %arg4[%swap3A_305, %swap3A_306], %swap3A_309 {strides = array<i32>} : memref<256x128xf32, #tpu.memory_space<vmem>>, vector<1x16xf32>,
    }
    %scan3A_112 = arith.constant 256 : i32
    %broadcast_in_dim3A_113 = arith.constant -3.000000e+38 : f32
    %broadcast_in_dim3A_114 = vector.broadcast %broadcast_in_dim3A_113 : f32 to vector<16xf32>
    %broadcast_in_dim3A_115 = arith.constant -3.000000e+38 : f32
    %broadcast_in_dim3A_116 = vector.broadcast %broadcast_in_dim3A_115 : f32 to vector<16xf32>
    %broadcast_in_dim3A_117 = arith.constant -3.000000e+38 : f32
    %broadcast_in_dim3A_118 = vector.broadcast %broadcast_in_dim3A_117 : f32 to vector<16xf32>
    %broadcast_in_dim3A_119 = arith.constant -3.000000e+38 : f32
    %broadcast_in_dim3A_120 = vector.broadcast %broadcast_in_dim3A_119 : f32 to vector<16xf32>
    %broadcast_in_dim3A_121 = arith.constant -3.000000e+38 : f32
    %broadcast_in_dim3A_122 = vector.broadcast %broadcast_in_dim3A_121 : f32 to vector<16xf32>
    %broadcast_in_dim3A_123 = arith.constant -3.000000e+38 : f32
    %broadcast_in_dim3A_124 = vector.broadcast %broadcast_in_dim3A_123 : f32 to vector<16xf32>
    %broadcast_in_dim3A_125 = arith.constant -3.000000e+38 : f32
    %broadcast_in_dim3A_126 = vector.broadcast %broadcast_in_dim3A_125 : f32 to vector<16xf32>
    %broadcast_in_dim3A_127 = arith.constant -3.000000e+38 : f32
    %broadcast_in_dim3A_128 = vector.broadcast %broadcast_in_dim3A_127 : f32 to vector<16xf32>
    %scan3A_129 = arith.constant 0 : i32
    %scan3A_130 = arith.constant 256 : i32
    %scan3A_131 = arith.addi %scan3A_129, %scan3A_130 : i32
    %scan3A_132 = arith.constant 1 : i32
    %scan3A_133:8 = scf.for %scan3A_225 = %scan3A_129 to %scan3A_131 step %scan3A_132 iter_args(%scan3A_226 = %broadcast_in_dim3A_114, %scan3A_227 = %broadcast_in_dim3A_116, %scan3A_228 = %broadcast_in_dim3A_118, %scan3A_229 = %broadcast_in_dim3A_120, %scan3A_230 = %broadcast_in_dim3A_122, %scan3A_231 = %broadcast_in_dim3A_124, %scan3A_232 = %broadcast_in_dim3A_126, %scan3A_233 = %broadcast_in_dim3A_128) -> (vector<16xf32>, vector<16xf32>, vector<16xf32>, vector<16xf32>, vector<16xf32>, vector<16xf32>, vector<16xf32>, vector<16xf32>)  : i32 {
      %get3A = arith.index_cast %scan3A_225 : i32 to index
      %get3A_234 = arith.constant 0 : index
      %get3A_235 = tpu.vector_load %arg4[%get3A, %get3A_234] {strides = array<i32>} : memref<256x128xf32, #tpu.memory_space<vmem>>, vector<1x16xf32>,
      %get3A_236 = vector.shape_cast %get3A_235 : vector<1x16xf32> to vector<16xf32>
      %max3A = arith.maximumf %scan3A_226, %get3A_236 : vector<16xf32>
      %get3A_237 = arith.index_cast %scan3A_225 : i32 to index
      %get3A_238 = arith.constant 16 : index
      %get3A_239 = tpu.vector_load %arg4[%get3A_237, %get3A_238] {strides = array<i32>} : memref<256x128xf32, #tpu.memory_space<vmem>>, vector<1x16xf32>,
      %get3A_240 = vector.shape_cast %get3A_239 : vector<1x16xf32> to vector<16xf32>
      %max3A_241 = arith.maximumf %scan3A_227, %get3A_240 : vector<16xf32>
      %get3A_242 = arith.index_cast %scan3A_225 : i32 to index
      %get3A_243 = arith.constant 32 : index
      %get3A_244 = tpu.vector_load %arg4[%get3A_242, %get3A_243] {strides = array<i32>} : memref<256x128xf32, #tpu.memory_space<vmem>>, vector<1x16xf32>,
      %get3A_245 = vector.shape_cast %get3A_244 : vector<1x16xf32> to vector<16xf32>
      %max3A_246 = arith.maximumf %scan3A_228, %get3A_245 : vector<16xf32>
      %get3A_247 = arith.index_cast %scan3A_225 : i32 to index
      %get3A_248 = arith.constant 48 : index
      %get3A_249 = tpu.vector_load %arg4[%get3A_247, %get3A_248] {strides = array<i32>} : memref<256x128xf32, #tpu.memory_space<vmem>>, vector<1x16xf32>,
      %get3A_250 = vector.shape_cast %get3A_249 : vector<1x16xf32> to vector<16xf32>
      %max3A_251 = arith.maximumf %scan3A_229, %get3A_250 : vector<16xf32>
      %get3A_252 = arith.index_cast %scan3A_225 : i32 to index
      %get3A_253 = arith.constant 64 : index
      %get3A_254 = tpu.vector_load %arg4[%get3A_252, %get3A_253] {strides = array<i32>} : memref<256x128xf32, #tpu.memory_space<vmem>>, vector<1x16xf32>,
      %get3A_255 = vector.shape_cast %get3A_254 : vector<1x16xf32> to vector<16xf32>
      %max3A_256 = arith.maximumf %scan3A_230, %get3A_255 : vector<16xf32>
      %get3A_257 = arith.index_cast %scan3A_225 : i32 to index
      %get3A_258 = arith.constant 80 : index
      %get3A_259 = tpu.vector_load %arg4[%get3A_257, %get3A_258] {strides = array<i32>} : memref<256x128xf32, #tpu.memory_space<vmem>>, vector<1x16xf32>,
      %get3A_260 = vector.shape_cast %get3A_259 : vector<1x16xf32> to vector<16xf32>
      %max3A_261 = arith.maximumf %scan3A_231, %get3A_260 : vector<16xf32>
      %get3A_262 = arith.index_cast %scan3A_225 : i32 to index
      %get3A_263 = arith.constant 96 : index
      %get3A_264 = tpu.vector_load %arg4[%get3A_262, %get3A_263] {strides = array<i32>} : memref<256x128xf32, #tpu.memory_space<vmem>>, vector<1x16xf32>,
      %get3A_265 = vector.shape_cast %get3A_264 : vector<1x16xf32> to vector<16xf32>
      %max3A_266 = arith.maximumf %scan3A_232, %get3A_265 : vector<16xf32>
      %get3A_267 = arith.index_cast %scan3A_225 : i32 to index
      %get3A_268 = arith.constant 112 : index
      %get3A_269 = tpu.vector_load %arg4[%get3A_267, %get3A_268] {strides = array<i32>} : memref<256x128xf32, #tpu.memory_space<vmem>>, vector<1x16xf32>,
      %get3A_270 = vector.shape_cast %get3A_269 : vector<1x16xf32> to vector<16xf32>
      %max3A_271 = arith.maximumf %scan3A_233, %get3A_270 : vector<16xf32>
      scf.yield %max3A, %max3A_241, %max3A_246, %max3A_251, %max3A_256, %max3A_261, %max3A_266, %max3A_271 : vector<16xf32>, vector<16xf32>, vector<16xf32>, vector<16xf32>, vector<16xf32>, vector<16xf32>, vector<16xf32>, vector<16xf32>
    }
    %scan3A_134 = arith.constant 256 : i32
    %scan3A_135 = arith.constant 0 : i32
    %scan3A_136 = arith.constant 0 : i32
    %scan3A_137 = arith.constant 256 : i32
    %scan3A_138 = arith.addi %scan3A_136, %scan3A_137 : i32
    %scan3A_139 = arith.constant 1 : i32
    scf.for %scan3A_225 = %scan3A_136 to %scan3A_138 step %scan3A_139  : i32 {
      %get3A = arith.index_cast %scan3A_225 : i32 to index
      %get3A_226 = arith.constant 0 : index
      %get3A_227 = tpu.vector_load %arg4[%get3A, %get3A_226] {strides = array<i32>} : memref<256x128xf32, #tpu.memory_space<vmem>>, vector<1x16xf32>,
      %get3A_228 = vector.shape_cast %get3A_227 : vector<1x16xf32> to vector<16xf32>
      %eq3A = arith.cmpf oeq, %get3A_228, %scan3A_133#0 : vector<16xf32>
      %select_n3A = arith.select %eq3A, %broadcast_in_dim3A_1, %get3A_228 : vector<16xi1>, vector<16xf32>
      %swap3A = arith.index_cast %scan3A_225 : i32 to index
      %swap3A_229 = arith.constant 0 : index
      %swap3A_230 = tpu.vector_load %arg4[%swap3A, %swap3A_229] {strides = array<i32>} : memref<256x128xf32, #tpu.memory_space<vmem>>, vector<1x16xf32>,
      %swap3A_231 = vector.shape_cast %swap3A_230 : vector<1x16xf32> to vector<16xf32>
      %swap3A_232 = vector.shape_cast %select_n3A : vector<16xf32> to vector<1x16xf32>
      tpu.vector_store %arg4[%swap3A, %swap3A_229], %swap3A_232 {strides = array<i32>} : memref<256x128xf32, #tpu.memory_space<vmem>>, vector<1x16xf32>,
      %get3A_233 = arith.index_cast %scan3A_225 : i32 to index
      %get3A_234 = arith.constant 16 : index
      %get3A_235 = tpu.vector_load %arg4[%get3A_233, %get3A_234] {strides = array<i32>} : memref<256x128xf32, #tpu.memory_space<vmem>>, vector<1x16xf32>,
      %get3A_236 = vector.shape_cast %get3A_235 : vector<1x16xf32> to vector<16xf32>
      %eq3A_237 = arith.cmpf oeq, %get3A_236, %scan3A_133#1 : vector<16xf32>
      %select_n3A_238 = arith.select %eq3A_237, %broadcast_in_dim3A_1, %get3A_236 : vector<16xi1>, vector<16xf32>
      %swap3A_239 = arith.index_cast %scan3A_225 : i32 to index
      %swap3A_240 = arith.constant 16 : index
      %swap3A_241 = tpu.vector_load %arg4[%swap3A_239, %swap3A_240] {strides = array<i32>} : memref<256x128xf32, #tpu.memory_space<vmem>>, vector<1x16xf32>,
      %swap3A_242 = vector.shape_cast %swap3A_241 : vector<1x16xf32> to vector<16xf32>
      %swap3A_243 = vector.shape_cast %select_n3A_238 : vector<16xf32> to vector<1x16xf32>
      tpu.vector_store %arg4[%swap3A_239, %swap3A_240], %swap3A_243 {strides = array<i32>} : memref<256x128xf32, #tpu.memory_space<vmem>>, vector<1x16xf32>,
      %get3A_244 = arith.index_cast %scan3A_225 : i32 to index
      %get3A_245 = arith.constant 32 : index
      %get3A_246 = tpu.vector_load %arg4[%get3A_244, %get3A_245] {strides = array<i32>} : memref<256x128xf32, #tpu.memory_space<vmem>>, vector<1x16xf32>,
      %get3A_247 = vector.shape_cast %get3A_246 : vector<1x16xf32> to vector<16xf32>
      %eq3A_248 = arith.cmpf oeq, %get3A_247, %scan3A_133#2 : vector<16xf32>
      %select_n3A_249 = arith.select %eq3A_248, %broadcast_in_dim3A_1, %get3A_247 : vector<16xi1>, vector<16xf32>
      %swap3A_250 = arith.index_cast %scan3A_225 : i32 to index
      %swap3A_251 = arith.constant 32 : index
      %swap3A_252 = tpu.vector_load %arg4[%swap3A_250, %swap3A_251] {strides = array<i32>} : memref<256x128xf32, #tpu.memory_space<vmem>>, vector<1x16xf32>,
      %swap3A_253 = vector.shape_cast %swap3A_252 : vector<1x16xf32> to vector<16xf32>
      %swap3A_254 = vector.shape_cast %select_n3A_249 : vector<16xf32> to vector<1x16xf32>
      tpu.vector_store %arg4[%swap3A_250, %swap3A_251], %swap3A_254 {strides = array<i32>} : memref<256x128xf32, #tpu.memory_space<vmem>>, vector<1x16xf32>,
      %get3A_255 = arith.index_cast %scan3A_225 : i32 to index
      %get3A_256 = arith.constant 48 : index
      %get3A_257 = tpu.vector_load %arg4[%get3A_255, %get3A_256] {strides = array<i32>} : memref<256x128xf32, #tpu.memory_space<vmem>>, vector<1x16xf32>,
      %get3A_258 = vector.shape_cast %get3A_257 : vector<1x16xf32> to vector<16xf32>
      %eq3A_259 = arith.cmpf oeq, %get3A_258, %scan3A_133#3 : vector<16xf32>
      %select_n3A_260 = arith.select %eq3A_259, %broadcast_in_dim3A_1, %get3A_258 : vector<16xi1>, vector<16xf32>
      %swap3A_261 = arith.index_cast %scan3A_225 : i32 to index
      %swap3A_262 = arith.constant 48 : index
      %swap3A_263 = tpu.vector_load %arg4[%swap3A_261, %swap3A_262] {strides = array<i32>} : memref<256x128xf32, #tpu.memory_space<vmem>>, vector<1x16xf32>,
      %swap3A_264 = vector.shape_cast %swap3A_263 : vector<1x16xf32> to vector<16xf32>
      %swap3A_265 = vector.shape_cast %select_n3A_260 : vector<16xf32> to vector<1x16xf32>
      tpu.vector_store %arg4[%swap3A_261, %swap3A_262], %swap3A_265 {strides = array<i32>} : memref<256x128xf32, #tpu.memory_space<vmem>>, vector<1x16xf32>,
      %get3A_266 = arith.index_cast %scan3A_225 : i32 to index
      %get3A_267 = arith.constant 64 : index
      %get3A_268 = tpu.vector_load %arg4[%get3A_266, %get3A_267] {strides = array<i32>} : memref<256x128xf32, #tpu.memory_space<vmem>>, vector<1x16xf32>,
      %get3A_269 = vector.shape_cast %get3A_268 : vector<1x16xf32> to vector<16xf32>
      %eq3A_270 = arith.cmpf oeq, %get3A_269, %scan3A_133#4 : vector<16xf32>
      %select_n3A_271 = arith.select %eq3A_270, %broadcast_in_dim3A_1, %get3A_269 : vector<16xi1>, vector<16xf32>
      %swap3A_272 = arith.index_cast %scan3A_225 : i32 to index
      %swap3A_273 = arith.constant 64 : index
      %swap3A_274 = tpu.vector_load %arg4[%swap3A_272, %swap3A_273] {strides = array<i32>} : memref<256x128xf32, #tpu.memory_space<vmem>>, vector<1x16xf32>,
      %swap3A_275 = vector.shape_cast %swap3A_274 : vector<1x16xf32> to vector<16xf32>
      %swap3A_276 = vector.shape_cast %select_n3A_271 : vector<16xf32> to vector<1x16xf32>
      tpu.vector_store %arg4[%swap3A_272, %swap3A_273], %swap3A_276 {strides = array<i32>} : memref<256x128xf32, #tpu.memory_space<vmem>>, vector<1x16xf32>,
      %get3A_277 = arith.index_cast %scan3A_225 : i32 to index
      %get3A_278 = arith.constant 80 : index
      %get3A_279 = tpu.vector_load %arg4[%get3A_277, %get3A_278] {strides = array<i32>} : memref<256x128xf32, #tpu.memory_space<vmem>>, vector<1x16xf32>,
      %get3A_280 = vector.shape_cast %get3A_279 : vector<1x16xf32> to vector<16xf32>
      %eq3A_281 = arith.cmpf oeq, %get3A_280, %scan3A_133#5 : vector<16xf32>
      %select_n3A_282 = arith.select %eq3A_281, %broadcast_in_dim3A_1, %get3A_280 : vector<16xi1>, vector<16xf32>
      %swap3A_283 = arith.index_cast %scan3A_225 : i32 to index
      %swap3A_284 = arith.constant 80 : index
      %swap3A_285 = tpu.vector_load %arg4[%swap3A_283, %swap3A_284] {strides = array<i32>} : memref<256x128xf32, #tpu.memory_space<vmem>>, vector<1x16xf32>,
      %swap3A_286 = vector.shape_cast %swap3A_285 : vector<1x16xf32> to vector<16xf32>
      %swap3A_287 = vector.shape_cast %select_n3A_282 : vector<16xf32> to vector<1x16xf32>
      tpu.vector_store %arg4[%swap3A_283, %swap3A_284], %swap3A_287 {strides = array<i32>} : memref<256x128xf32, #tpu.memory_space<vmem>>, vector<1x16xf32>,
      %get3A_288 = arith.index_cast %scan3A_225 : i32 to index
      %get3A_289 = arith.constant 96 : index
      %get3A_290 = tpu.vector_load %arg4[%get3A_288, %get3A_289] {strides = array<i32>} : memref<256x128xf32, #tpu.memory_space<vmem>>, vector<1x16xf32>,
      %get3A_291 = vector.shape_cast %get3A_290 : vector<1x16xf32> to vector<16xf32>
      %eq3A_292 = arith.cmpf oeq, %get3A_291, %scan3A_133#6 : vector<16xf32>
      %select_n3A_293 = arith.select %eq3A_292, %broadcast_in_dim3A_1, %get3A_291 : vector<16xi1>, vector<16xf32>
      %swap3A_294 = arith.index_cast %scan3A_225 : i32 to index
      %swap3A_295 = arith.constant 96 : index
      %swap3A_296 = tpu.vector_load %arg4[%swap3A_294, %swap3A_295] {strides = array<i32>} : memref<256x128xf32, #tpu.memory_space<vmem>>, vector<1x16xf32>,
      %swap3A_297 = vector.shape_cast %swap3A_296 : vector<1x16xf32> to vector<16xf32>
      %swap3A_298 = vector.shape_cast %select_n3A_293 : vector<16xf32> to vector<1x16xf32>
      tpu.vector_store %arg4[%swap3A_294, %swap3A_295], %swap3A_298 {strides = array<i32>} : memref<256x128xf32, #tpu.memory_space<vmem>>, vector<1x16xf32>,
      %get3A_299 = arith.index_cast %scan3A_225 : i32 to index
      %get3A_300 = arith.constant 112 : index
      %get3A_301 = tpu.vector_load %arg4[%get3A_299, %get3A_300] {strides = array<i32>} : memref<256x128xf32, #tpu.memory_space<vmem>>, vector<1x16xf32>,
      %get3A_302 = vector.shape_cast %get3A_301 : vector<1x16xf32> to vector<16xf32>
      %eq3A_303 = arith.cmpf oeq, %get3A_302, %scan3A_133#7 : vector<16xf32>
      %select_n3A_304 = arith.select %eq3A_303, %broadcast_in_dim3A_1, %get3A_302 : vector<16xi1>, vector<16xf32>
      %swap3A_305 = arith.index_cast %scan3A_225 : i32 to index
      %swap3A_306 = arith.constant 112 : index
      %swap3A_307 = tpu.vector_load %arg4[%swap3A_305, %swap3A_306] {strides = array<i32>} : memref<256x128xf32, #tpu.memory_space<vmem>>, vector<1x16xf32>,
      %swap3A_308 = vector.shape_cast %swap3A_307 : vector<1x16xf32> to vector<16xf32>
      %swap3A_309 = vector.shape_cast %select_n3A_304 : vector<16xf32> to vector<1x16xf32>
      tpu.vector_store %arg4[%swap3A_305, %swap3A_306], %swap3A_309 {strides = array<i32>} : memref<256x128xf32, #tpu.memory_space<vmem>>, vector<1x16xf32>,
    }
    %scan3A_140 = arith.constant 256 : i32
    %broadcast_in_dim3A_141 = arith.constant -3.000000e+38 : f32
    %broadcast_in_dim3A_142 = vector.broadcast %broadcast_in_dim3A_141 : f32 to vector<16xf32>
    %broadcast_in_dim3A_143 = arith.constant -3.000000e+38 : f32
    %broadcast_in_dim3A_144 = vector.broadcast %broadcast_in_dim3A_143 : f32 to vector<16xf32>
    %broadcast_in_dim3A_145 = arith.constant -3.000000e+38 : f32
    %broadcast_in_dim3A_146 = vector.broadcast %broadcast_in_dim3A_145 : f32 to vector<16xf32>
    %broadcast_in_dim3A_147 = arith.constant -3.000000e+38 : f32
    %broadcast_in_dim3A_148 = vector.broadcast %broadcast_in_dim3A_147 : f32 to vector<16xf32>
    %broadcast_in_dim3A_149 = arith.constant -3.000000e+38 : f32
    %broadcast_in_dim3A_150 = vector.broadcast %broadcast_in_dim3A_149 : f32 to vector<16xf32>
    %broadcast_in_dim3A_151 = arith.constant -3.000000e+38 : f32
    %broadcast_in_dim3A_152 = vector.broadcast %broadcast_in_dim3A_151 : f32 to vector<16xf32>
    %broadcast_in_dim3A_153 = arith.constant -3.000000e+38 : f32
    %broadcast_in_dim3A_154 = vector.broadcast %broadcast_in_dim3A_153 : f32 to vector<16xf32>
    %broadcast_in_dim3A_155 = arith.constant -3.000000e+38 : f32
    %broadcast_in_dim3A_156 = vector.broadcast %broadcast_in_dim3A_155 : f32 to vector<16xf32>
    %scan3A_157 = arith.constant 0 : i32
    %scan3A_158 = arith.constant 256 : i32
    %scan3A_159 = arith.addi %scan3A_157, %scan3A_158 : i32
    %scan3A_160 = arith.constant 1 : i32
    %scan3A_161:8 = scf.for %scan3A_225 = %scan3A_157 to %scan3A_159 step %scan3A_160 iter_args(%scan3A_226 = %broadcast_in_dim3A_142, %scan3A_227 = %broadcast_in_dim3A_144, %scan3A_228 = %broadcast_in_dim3A_146, %scan3A_229 = %broadcast_in_dim3A_148, %scan3A_230 = %broadcast_in_dim3A_150, %scan3A_231 = %broadcast_in_dim3A_152, %scan3A_232 = %broadcast_in_dim3A_154, %scan3A_233 = %broadcast_in_dim3A_156) -> (vector<16xf32>, vector<16xf32>, vector<16xf32>, vector<16xf32>, vector<16xf32>, vector<16xf32>, vector<16xf32>, vector<16xf32>)  : i32 {
      %get3A = arith.index_cast %scan3A_225 : i32 to index
      %get3A_234 = arith.constant 0 : index
      %get3A_235 = tpu.vector_load %arg4[%get3A, %get3A_234] {strides = array<i32>} : memref<256x128xf32, #tpu.memory_space<vmem>>, vector<1x16xf32>,
      %get3A_236 = vector.shape_cast %get3A_235 : vector<1x16xf32> to vector<16xf32>
      %max3A = arith.maximumf %scan3A_226, %get3A_236 : vector<16xf32>
      %get3A_237 = arith.index_cast %scan3A_225 : i32 to index
      %get3A_238 = arith.constant 16 : index
      %get3A_239 = tpu.vector_load %arg4[%get3A_237, %get3A_238] {strides = array<i32>} : memref<256x128xf32, #tpu.memory_space<vmem>>, vector<1x16xf32>,
      %get3A_240 = vector.shape_cast %get3A_239 : vector<1x16xf32> to vector<16xf32>
      %max3A_241 = arith.maximumf %scan3A_227, %get3A_240 : vector<16xf32>
      %get3A_242 = arith.index_cast %scan3A_225 : i32 to index
      %get3A_243 = arith.constant 32 : index
      %get3A_244 = tpu.vector_load %arg4[%get3A_242, %get3A_243] {strides = array<i32>} : memref<256x128xf32, #tpu.memory_space<vmem>>, vector<1x16xf32>,
      %get3A_245 = vector.shape_cast %get3A_244 : vector<1x16xf32> to vector<16xf32>
      %max3A_246 = arith.maximumf %scan3A_228, %get3A_245 : vector<16xf32>
      %get3A_247 = arith.index_cast %scan3A_225 : i32 to index
      %get3A_248 = arith.constant 48 : index
      %get3A_249 = tpu.vector_load %arg4[%get3A_247, %get3A_248] {strides = array<i32>} : memref<256x128xf32, #tpu.memory_space<vmem>>, vector<1x16xf32>,
      %get3A_250 = vector.shape_cast %get3A_249 : vector<1x16xf32> to vector<16xf32>
      %max3A_251 = arith.maximumf %scan3A_229, %get3A_250 : vector<16xf32>
      %get3A_252 = arith.index_cast %scan3A_225 : i32 to index
      %get3A_253 = arith.constant 64 : index
      %get3A_254 = tpu.vector_load %arg4[%get3A_252, %get3A_253] {strides = array<i32>} : memref<256x128xf32, #tpu.memory_space<vmem>>, vector<1x16xf32>,
      %get3A_255 = vector.shape_cast %get3A_254 : vector<1x16xf32> to vector<16xf32>
      %max3A_256 = arith.maximumf %scan3A_230, %get3A_255 : vector<16xf32>
      %get3A_257 = arith.index_cast %scan3A_225 : i32 to index
      %get3A_258 = arith.constant 80 : index
      %get3A_259 = tpu.vector_load %arg4[%get3A_257, %get3A_258] {strides = array<i32>} : memref<256x128xf32, #tpu.memory_space<vmem>>, vector<1x16xf32>,
      %get3A_260 = vector.shape_cast %get3A_259 : vector<1x16xf32> to vector<16xf32>
      %max3A_261 = arith.maximumf %scan3A_231, %get3A_260 : vector<16xf32>
      %get3A_262 = arith.index_cast %scan3A_225 : i32 to index
      %get3A_263 = arith.constant 96 : index
      %get3A_264 = tpu.vector_load %arg4[%get3A_262, %get3A_263] {strides = array<i32>} : memref<256x128xf32, #tpu.memory_space<vmem>>, vector<1x16xf32>,
      %get3A_265 = vector.shape_cast %get3A_264 : vector<1x16xf32> to vector<16xf32>
      %max3A_266 = arith.maximumf %scan3A_232, %get3A_265 : vector<16xf32>
      %get3A_267 = arith.index_cast %scan3A_225 : i32 to index
      %get3A_268 = arith.constant 112 : index
      %get3A_269 = tpu.vector_load %arg4[%get3A_267, %get3A_268] {strides = array<i32>} : memref<256x128xf32, #tpu.memory_space<vmem>>, vector<1x16xf32>,
      %get3A_270 = vector.shape_cast %get3A_269 : vector<1x16xf32> to vector<16xf32>
      %max3A_271 = arith.maximumf %scan3A_233, %get3A_270 : vector<16xf32>
      scf.yield %max3A, %max3A_241, %max3A_246, %max3A_251, %max3A_256, %max3A_261, %max3A_266, %max3A_271 : vector<16xf32>, vector<16xf32>, vector<16xf32>, vector<16xf32>, vector<16xf32>, vector<16xf32>, vector<16xf32>, vector<16xf32>
    }
    %scan3A_162 = arith.constant 256 : i32
    %scan3A_163 = arith.constant 0 : i32
    %scan3A_164 = arith.constant 0 : i32
    %scan3A_165 = arith.constant 256 : i32
    %scan3A_166 = arith.addi %scan3A_164, %scan3A_165 : i32
    %scan3A_167 = arith.constant 1 : i32
    scf.for %scan3A_225 = %scan3A_164 to %scan3A_166 step %scan3A_167  : i32 {
      %get3A = arith.index_cast %scan3A_225 : i32 to index
      %get3A_226 = arith.constant 0 : index
      %get3A_227 = tpu.vector_load %arg4[%get3A, %get3A_226] {strides = array<i32>} : memref<256x128xf32, #tpu.memory_space<vmem>>, vector<1x16xf32>,
      %get3A_228 = vector.shape_cast %get3A_227 : vector<1x16xf32> to vector<16xf32>
      %eq3A = arith.cmpf oeq, %get3A_228, %scan3A_161#0 : vector<16xf32>
      %select_n3A = arith.select %eq3A, %broadcast_in_dim3A_1, %get3A_228 : vector<16xi1>, vector<16xf32>
      %swap3A = arith.index_cast %scan3A_225 : i32 to index
      %swap3A_229 = arith.constant 0 : index
      %swap3A_230 = tpu.vector_load %arg4[%swap3A, %swap3A_229] {strides = array<i32>} : memref<256x128xf32, #tpu.memory_space<vmem>>, vector<1x16xf32>,
      %swap3A_231 = vector.shape_cast %swap3A_230 : vector<1x16xf32> to vector<16xf32>
      %swap3A_232 = vector.shape_cast %select_n3A : vector<16xf32> to vector<1x16xf32>
      tpu.vector_store %arg4[%swap3A, %swap3A_229], %swap3A_232 {strides = array<i32>} : memref<256x128xf32, #tpu.memory_space<vmem>>, vector<1x16xf32>,
      %get3A_233 = arith.index_cast %scan3A_225 : i32 to index
      %get3A_234 = arith.constant 16 : index
      %get3A_235 = tpu.vector_load %arg4[%get3A_233, %get3A_234] {strides = array<i32>} : memref<256x128xf32, #tpu.memory_space<vmem>>, vector<1x16xf32>,
      %get3A_236 = vector.shape_cast %get3A_235 : vector<1x16xf32> to vector<16xf32>
      %eq3A_237 = arith.cmpf oeq, %get3A_236, %scan3A_161#1 : vector<16xf32>
      %select_n3A_238 = arith.select %eq3A_237, %broadcast_in_dim3A_1, %get3A_236 : vector<16xi1>, vector<16xf32>
      %swap3A_239 = arith.index_cast %scan3A_225 : i32 to index
      %swap3A_240 = arith.constant 16 : index
      %swap3A_241 = tpu.vector_load %arg4[%swap3A_239, %swap3A_240] {strides = array<i32>} : memref<256x128xf32, #tpu.memory_space<vmem>>, vector<1x16xf32>,
      %swap3A_242 = vector.shape_cast %swap3A_241 : vector<1x16xf32> to vector<16xf32>
      %swap3A_243 = vector.shape_cast %select_n3A_238 : vector<16xf32> to vector<1x16xf32>
      tpu.vector_store %arg4[%swap3A_239, %swap3A_240], %swap3A_243 {strides = array<i32>} : memref<256x128xf32, #tpu.memory_space<vmem>>, vector<1x16xf32>,
      %get3A_244 = arith.index_cast %scan3A_225 : i32 to index
      %get3A_245 = arith.constant 32 : index
      %get3A_246 = tpu.vector_load %arg4[%get3A_244, %get3A_245] {strides = array<i32>} : memref<256x128xf32, #tpu.memory_space<vmem>>, vector<1x16xf32>,
      %get3A_247 = vector.shape_cast %get3A_246 : vector<1x16xf32> to vector<16xf32>
      %eq3A_248 = arith.cmpf oeq, %get3A_247, %scan3A_161#2 : vector<16xf32>
      %select_n3A_249 = arith.select %eq3A_248, %broadcast_in_dim3A_1, %get3A_247 : vector<16xi1>, vector<16xf32>
      %swap3A_250 = arith.index_cast %scan3A_225 : i32 to index
      %swap3A_251 = arith.constant 32 : index
      %swap3A_252 = tpu.vector_load %arg4[%swap3A_250, %swap3A_251] {strides = array<i32>} : memref<256x128xf32, #tpu.memory_space<vmem>>, vector<1x16xf32>,
      %swap3A_253 = vector.shape_cast %swap3A_252 : vector<1x16xf32> to vector<16xf32>
      %swap3A_254 = vector.shape_cast %select_n3A_249 : vector<16xf32> to vector<1x16xf32>
      tpu.vector_store %arg4[%swap3A_250, %swap3A_251], %swap3A_254 {strides = array<i32>} : memref<256x128xf32, #tpu.memory_space<vmem>>, vector<1x16xf32>,
      %get3A_255 = arith.index_cast %scan3A_225 : i32 to index
      %get3A_256 = arith.constant 48 : index
      %get3A_257 = tpu.vector_load %arg4[%get3A_255, %get3A_256] {strides = array<i32>} : memref<256x128xf32, #tpu.memory_space<vmem>>, vector<1x16xf32>,
      %get3A_258 = vector.shape_cast %get3A_257 : vector<1x16xf32> to vector<16xf32>
      %eq3A_259 = arith.cmpf oeq, %get3A_258, %scan3A_161#3 : vector<16xf32>
      %select_n3A_260 = arith.select %eq3A_259, %broadcast_in_dim3A_1, %get3A_258 : vector<16xi1>, vector<16xf32>
      %swap3A_261 = arith.index_cast %scan3A_225 : i32 to index
      %swap3A_262 = arith.constant 48 : index
      %swap3A_263 = tpu.vector_load %arg4[%swap3A_261, %swap3A_262] {strides = array<i32>} : memref<256x128xf32, #tpu.memory_space<vmem>>, vector<1x16xf32>,
      %swap3A_264 = vector.shape_cast %swap3A_263 : vector<1x16xf32> to vector<16xf32>
      %swap3A_265 = vector.shape_cast %select_n3A_260 : vector<16xf32> to vector<1x16xf32>
      tpu.vector_store %arg4[%swap3A_261, %swap3A_262], %swap3A_265 {strides = array<i32>} : memref<256x128xf32, #tpu.memory_space<vmem>>, vector<1x16xf32>,
      %get3A_266 = arith.index_cast %scan3A_225 : i32 to index
      %get3A_267 = arith.constant 64 : index
      %get3A_268 = tpu.vector_load %arg4[%get3A_266, %get3A_267] {strides = array<i32>} : memref<256x128xf32, #tpu.memory_space<vmem>>, vector<1x16xf32>,
      %get3A_269 = vector.shape_cast %get3A_268 : vector<1x16xf32> to vector<16xf32>
      %eq3A_270 = arith.cmpf oeq, %get3A_269, %scan3A_161#4 : vector<16xf32>
      %select_n3A_271 = arith.select %eq3A_270, %broadcast_in_dim3A_1, %get3A_269 : vector<16xi1>, vector<16xf32>
      %swap3A_272 = arith.index_cast %scan3A_225 : i32 to index
      %swap3A_273 = arith.constant 64 : index
      %swap3A_274 = tpu.vector_load %arg4[%swap3A_272, %swap3A_273] {strides = array<i32>} : memref<256x128xf32, #tpu.memory_space<vmem>>, vector<1x16xf32>,
      %swap3A_275 = vector.shape_cast %swap3A_274 : vector<1x16xf32> to vector<16xf32>
      %swap3A_276 = vector.shape_cast %select_n3A_271 : vector<16xf32> to vector<1x16xf32>
      tpu.vector_store %arg4[%swap3A_272, %swap3A_273], %swap3A_276 {strides = array<i32>} : memref<256x128xf32, #tpu.memory_space<vmem>>, vector<1x16xf32>,
      %get3A_277 = arith.index_cast %scan3A_225 : i32 to index
      %get3A_278 = arith.constant 80 : index
      %get3A_279 = tpu.vector_load %arg4[%get3A_277, %get3A_278] {strides = array<i32>} : memref<256x128xf32, #tpu.memory_space<vmem>>, vector<1x16xf32>,
      %get3A_280 = vector.shape_cast %get3A_279 : vector<1x16xf32> to vector<16xf32>
      %eq3A_281 = arith.cmpf oeq, %get3A_280, %scan3A_161#5 : vector<16xf32>
      %select_n3A_282 = arith.select %eq3A_281, %broadcast_in_dim3A_1, %get3A_280 : vector<16xi1>, vector<16xf32>
      %swap3A_283 = arith.index_cast %scan3A_225 : i32 to index
      %swap3A_284 = arith.constant 80 : index
      %swap3A_285 = tpu.vector_load %arg4[%swap3A_283, %swap3A_284] {strides = array<i32>} : memref<256x128xf32, #tpu.memory_space<vmem>>, vector<1x16xf32>,
      %swap3A_286 = vector.shape_cast %swap3A_285 : vector<1x16xf32> to vector<16xf32>
      %swap3A_287 = vector.shape_cast %select_n3A_282 : vector<16xf32> to vector<1x16xf32>
      tpu.vector_store %arg4[%swap3A_283, %swap3A_284], %swap3A_287 {strides = array<i32>} : memref<256x128xf32, #tpu.memory_space<vmem>>, vector<1x16xf32>,
      %get3A_288 = arith.index_cast %scan3A_225 : i32 to index
      %get3A_289 = arith.constant 96 : index
      %get3A_290 = tpu.vector_load %arg4[%get3A_288, %get3A_289] {strides = array<i32>} : memref<256x128xf32, #tpu.memory_space<vmem>>, vector<1x16xf32>,
      %get3A_291 = vector.shape_cast %get3A_290 : vector<1x16xf32> to vector<16xf32>
      %eq3A_292 = arith.cmpf oeq, %get3A_291, %scan3A_161#6 : vector<16xf32>
      %select_n3A_293 = arith.select %eq3A_292, %broadcast_in_dim3A_1, %get3A_291 : vector<16xi1>, vector<16xf32>
      %swap3A_294 = arith.index_cast %scan3A_225 : i32 to index
      %swap3A_295 = arith.constant 96 : index
      %swap3A_296 = tpu.vector_load %arg4[%swap3A_294, %swap3A_295] {strides = array<i32>} : memref<256x128xf32, #tpu.memory_space<vmem>>, vector<1x16xf32>,
      %swap3A_297 = vector.shape_cast %swap3A_296 : vector<1x16xf32> to vector<16xf32>
      %swap3A_298 = vector.shape_cast %select_n3A_293 : vector<16xf32> to vector<1x16xf32>
      tpu.vector_store %arg4[%swap3A_294, %swap3A_295], %swap3A_298 {strides = array<i32>} : memref<256x128xf32, #tpu.memory_space<vmem>>, vector<1x16xf32>,
      %get3A_299 = arith.index_cast %scan3A_225 : i32 to index
      %get3A_300 = arith.constant 112 : index
      %get3A_301 = tpu.vector_load %arg4[%get3A_299, %get3A_300] {strides = array<i32>} : memref<256x128xf32, #tpu.memory_space<vmem>>, vector<1x16xf32>,
      %get3A_302 = vector.shape_cast %get3A_301 : vector<1x16xf32> to vector<16xf32>
      %eq3A_303 = arith.cmpf oeq, %get3A_302, %scan3A_161#7 : vector<16xf32>
      %select_n3A_304 = arith.select %eq3A_303, %broadcast_in_dim3A_1, %get3A_302 : vector<16xi1>, vector<16xf32>
      %swap3A_305 = arith.index_cast %scan3A_225 : i32 to index
      %swap3A_306 = arith.constant 112 : index
      %swap3A_307 = tpu.vector_load %arg4[%swap3A_305, %swap3A_306] {strides = array<i32>} : memref<256x128xf32, #tpu.memory_space<vmem>>, vector<1x16xf32>,
      %swap3A_308 = vector.shape_cast %swap3A_307 : vector<1x16xf32> to vector<16xf32>
      %swap3A_309 = vector.shape_cast %select_n3A_304 : vector<16xf32> to vector<1x16xf32>
      tpu.vector_store %arg4[%swap3A_305, %swap3A_306], %swap3A_309 {strides = array<i32>} : memref<256x128xf32, #tpu.memory_space<vmem>>, vector<1x16xf32>,
    }
    %scan3A_168 = arith.constant 256 : i32
    %broadcast_in_dim3A_169 = arith.constant -3.000000e+38 : f32
    %broadcast_in_dim3A_170 = vector.broadcast %broadcast_in_dim3A_169 : f32 to vector<16xf32>
    %broadcast_in_dim3A_171 = arith.constant -3.000000e+38 : f32
    %broadcast_in_dim3A_172 = vector.broadcast %broadcast_in_dim3A_171 : f32 to vector<16xf32>
    %broadcast_in_dim3A_173 = arith.constant -3.000000e+38 : f32
    %broadcast_in_dim3A_174 = vector.broadcast %broadcast_in_dim3A_173 : f32 to vector<16xf32>
    %broadcast_in_dim3A_175 = arith.constant -3.000000e+38 : f32
    %broadcast_in_dim3A_176 = vector.broadcast %broadcast_in_dim3A_175 : f32 to vector<16xf32>
    %broadcast_in_dim3A_177 = arith.constant -3.000000e+38 : f32
    %broadcast_in_dim3A_178 = vector.broadcast %broadcast_in_dim3A_177 : f32 to vector<16xf32>
    %broadcast_in_dim3A_179 = arith.constant -3.000000e+38 : f32
    %broadcast_in_dim3A_180 = vector.broadcast %broadcast_in_dim3A_179 : f32 to vector<16xf32>
    %broadcast_in_dim3A_181 = arith.constant -3.000000e+38 : f32
    %broadcast_in_dim3A_182 = vector.broadcast %broadcast_in_dim3A_181 : f32 to vector<16xf32>
    %broadcast_in_dim3A_183 = arith.constant -3.000000e+38 : f32
    %broadcast_in_dim3A_184 = vector.broadcast %broadcast_in_dim3A_183 : f32 to vector<16xf32>
    %scan3A_185 = arith.constant 0 : i32
    %scan3A_186 = arith.constant 256 : i32
    %scan3A_187 = arith.addi %scan3A_185, %scan3A_186 : i32
    %scan3A_188 = arith.constant 1 : i32
    %scan3A_189:8 = scf.for %scan3A_225 = %scan3A_185 to %scan3A_187 step %scan3A_188 iter_args(%scan3A_226 = %broadcast_in_dim3A_170, %scan3A_227 = %broadcast_in_dim3A_172, %scan3A_228 = %broadcast_in_dim3A_174, %scan3A_229 = %broadcast_in_dim3A_176, %scan3A_230 = %broadcast_in_dim3A_178, %scan3A_231 = %broadcast_in_dim3A_180, %scan3A_232 = %broadcast_in_dim3A_182, %scan3A_233 = %broadcast_in_dim3A_184) -> (vector<16xf32>, vector<16xf32>, vector<16xf32>, vector<16xf32>, vector<16xf32>, vector<16xf32>, vector<16xf32>, vector<16xf32>)  : i32 {
      %get3A = arith.index_cast %scan3A_225 : i32 to index
      %get3A_234 = arith.constant 0 : index
      %get3A_235 = tpu.vector_load %arg4[%get3A, %get3A_234] {strides = array<i32>} : memref<256x128xf32, #tpu.memory_space<vmem>>, vector<1x16xf32>,
      %get3A_236 = vector.shape_cast %get3A_235 : vector<1x16xf32> to vector<16xf32>
      %max3A = arith.maximumf %scan3A_226, %get3A_236 : vector<16xf32>
      %get3A_237 = arith.index_cast %scan3A_225 : i32 to index
      %get3A_238 = arith.constant 16 : index
      %get3A_239 = tpu.vector_load %arg4[%get3A_237, %get3A_238] {strides = array<i32>} : memref<256x128xf32, #tpu.memory_space<vmem>>, vector<1x16xf32>,
      %get3A_240 = vector.shape_cast %get3A_239 : vector<1x16xf32> to vector<16xf32>
      %max3A_241 = arith.maximumf %scan3A_227, %get3A_240 : vector<16xf32>
      %get3A_242 = arith.index_cast %scan3A_225 : i32 to index
      %get3A_243 = arith.constant 32 : index
      %get3A_244 = tpu.vector_load %arg4[%get3A_242, %get3A_243] {strides = array<i32>} : memref<256x128xf32, #tpu.memory_space<vmem>>, vector<1x16xf32>,
      %get3A_245 = vector.shape_cast %get3A_244 : vector<1x16xf32> to vector<16xf32>
      %max3A_246 = arith.maximumf %scan3A_228, %get3A_245 : vector<16xf32>
      %get3A_247 = arith.index_cast %scan3A_225 : i32 to index
      %get3A_248 = arith.constant 48 : index
      %get3A_249 = tpu.vector_load %arg4[%get3A_247, %get3A_248] {strides = array<i32>} : memref<256x128xf32, #tpu.memory_space<vmem>>, vector<1x16xf32>,
      %get3A_250 = vector.shape_cast %get3A_249 : vector<1x16xf32> to vector<16xf32>
      %max3A_251 = arith.maximumf %scan3A_229, %get3A_250 : vector<16xf32>
      %get3A_252 = arith.index_cast %scan3A_225 : i32 to index
      %get3A_253 = arith.constant 64 : index
      %get3A_254 = tpu.vector_load %arg4[%get3A_252, %get3A_253] {strides = array<i32>} : memref<256x128xf32, #tpu.memory_space<vmem>>, vector<1x16xf32>,
      %get3A_255 = vector.shape_cast %get3A_254 : vector<1x16xf32> to vector<16xf32>
      %max3A_256 = arith.maximumf %scan3A_230, %get3A_255 : vector<16xf32>
      %get3A_257 = arith.index_cast %scan3A_225 : i32 to index
      %get3A_258 = arith.constant 80 : index
      %get3A_259 = tpu.vector_load %arg4[%get3A_257, %get3A_258] {strides = array<i32>} : memref<256x128xf32, #tpu.memory_space<vmem>>, vector<1x16xf32>,
      %get3A_260 = vector.shape_cast %get3A_259 : vector<1x16xf32> to vector<16xf32>
      %max3A_261 = arith.maximumf %scan3A_231, %get3A_260 : vector<16xf32>
      %get3A_262 = arith.index_cast %scan3A_225 : i32 to index
      %get3A_263 = arith.constant 96 : index
      %get3A_264 = tpu.vector_load %arg4[%get3A_262, %get3A_263] {strides = array<i32>} : memref<256x128xf32, #tpu.memory_space<vmem>>, vector<1x16xf32>,
      %get3A_265 = vector.shape_cast %get3A_264 : vector<1x16xf32> to vector<16xf32>
      %max3A_266 = arith.maximumf %scan3A_232, %get3A_265 : vector<16xf32>
      %get3A_267 = arith.index_cast %scan3A_225 : i32 to index
      %get3A_268 = arith.constant 112 : index
      %get3A_269 = tpu.vector_load %arg4[%get3A_267, %get3A_268] {strides = array<i32>} : memref<256x128xf32, #tpu.memory_space<vmem>>, vector<1x16xf32>,
      %get3A_270 = vector.shape_cast %get3A_269 : vector<1x16xf32> to vector<16xf32>
      %max3A_271 = arith.maximumf %scan3A_233, %get3A_270 : vector<16xf32>
      scf.yield %max3A, %max3A_241, %max3A_246, %max3A_251, %max3A_256, %max3A_261, %max3A_266, %max3A_271 : vector<16xf32>, vector<16xf32>, vector<16xf32>, vector<16xf32>, vector<16xf32>, vector<16xf32>, vector<16xf32>, vector<16xf32>
    }
    %scan3A_190 = arith.constant 256 : i32
    %scan3A_191 = arith.constant 0 : i32
    %scan3A_192 = arith.constant 0 : i32
    %scan3A_193 = arith.constant 256 : i32
    %scan3A_194 = arith.addi %scan3A_192, %scan3A_193 : i32
    %scan3A_195 = arith.constant 1 : i32
    scf.for %scan3A_225 = %scan3A_192 to %scan3A_194 step %scan3A_195  : i32 {
      %get3A = arith.index_cast %scan3A_225 : i32 to index
      %get3A_226 = arith.constant 0 : index
      %get3A_227 = tpu.vector_load %arg4[%get3A, %get3A_226] {strides = array<i32>} : memref<256x128xf32, #tpu.memory_space<vmem>>, vector<1x16xf32>,
      %get3A_228 = vector.shape_cast %get3A_227 : vector<1x16xf32> to vector<16xf32>
      %eq3A = arith.cmpf oeq, %get3A_228, %scan3A_189#0 : vector<16xf32>
      %select_n3A = arith.select %eq3A, %broadcast_in_dim3A_1, %get3A_228 : vector<16xi1>, vector<16xf32>
      %swap3A = arith.index_cast %scan3A_225 : i32 to index
      %swap3A_229 = arith.constant 0 : index
      %swap3A_230 = tpu.vector_load %arg4[%swap3A, %swap3A_229] {strides = array<i32>} : memref<256x128xf32, #tpu.memory_space<vmem>>, vector<1x16xf32>,
      %swap3A_231 = vector.shape_cast %swap3A_230 : vector<1x16xf32> to vector<16xf32>
      %swap3A_232 = vector.shape_cast %select_n3A : vector<16xf32> to vector<1x16xf32>
      tpu.vector_store %arg4[%swap3A, %swap3A_229], %swap3A_232 {strides = array<i32>} : memref<256x128xf32, #tpu.memory_space<vmem>>, vector<1x16xf32>,
      %get3A_233 = arith.index_cast %scan3A_225 : i32 to index
      %get3A_234 = arith.constant 16 : index
      %get3A_235 = tpu.vector_load %arg4[%get3A_233, %get3A_234] {strides = array<i32>} : memref<256x128xf32, #tpu.memory_space<vmem>>, vector<1x16xf32>,
      %get3A_236 = vector.shape_cast %get3A_235 : vector<1x16xf32> to vector<16xf32>
      %eq3A_237 = arith.cmpf oeq, %get3A_236, %scan3A_189#1 : vector<16xf32>
      %select_n3A_238 = arith.select %eq3A_237, %broadcast_in_dim3A_1, %get3A_236 : vector<16xi1>, vector<16xf32>
      %swap3A_239 = arith.index_cast %scan3A_225 : i32 to index
      %swap3A_240 = arith.constant 16 : index
      %swap3A_241 = tpu.vector_load %arg4[%swap3A_239, %swap3A_240] {strides = array<i32>} : memref<256x128xf32, #tpu.memory_space<vmem>>, vector<1x16xf32>,
      %swap3A_242 = vector.shape_cast %swap3A_241 : vector<1x16xf32> to vector<16xf32>
      %swap3A_243 = vector.shape_cast %select_n3A_238 : vector<16xf32> to vector<1x16xf32>
      tpu.vector_store %arg4[%swap3A_239, %swap3A_240], %swap3A_243 {strides = array<i32>} : memref<256x128xf32, #tpu.memory_space<vmem>>, vector<1x16xf32>,
      %get3A_244 = arith.index_cast %scan3A_225 : i32 to index
      %get3A_245 = arith.constant 32 : index
      %get3A_246 = tpu.vector_load %arg4[%get3A_244, %get3A_245] {strides = array<i32>} : memref<256x128xf32, #tpu.memory_space<vmem>>, vector<1x16xf32>,
      %get3A_247 = vector.shape_cast %get3A_246 : vector<1x16xf32> to vector<16xf32>
      %eq3A_248 = arith.cmpf oeq, %get3A_247, %scan3A_189#2 : vector<16xf32>
      %select_n3A_249 = arith.select %eq3A_248, %broadcast_in_dim3A_1, %get3A_247 : vector<16xi1>, vector<16xf32>
      %swap3A_250 = arith.index_cast %scan3A_225 : i32 to index
      %swap3A_251 = arith.constant 32 : index
      %swap3A_252 = tpu.vector_load %arg4[%swap3A_250, %swap3A_251] {strides = array<i32>} : memref<256x128xf32, #tpu.memory_space<vmem>>, vector<1x16xf32>,
      %swap3A_253 = vector.shape_cast %swap3A_252 : vector<1x16xf32> to vector<16xf32>
      %swap3A_254 = vector.shape_cast %select_n3A_249 : vector<16xf32> to vector<1x16xf32>
      tpu.vector_store %arg4[%swap3A_250, %swap3A_251], %swap3A_254 {strides = array<i32>} : memref<256x128xf32, #tpu.memory_space<vmem>>, vector<1x16xf32>,
      %get3A_255 = arith.index_cast %scan3A_225 : i32 to index
      %get3A_256 = arith.constant 48 : index
      %get3A_257 = tpu.vector_load %arg4[%get3A_255, %get3A_256] {strides = array<i32>} : memref<256x128xf32, #tpu.memory_space<vmem>>, vector<1x16xf32>,
      %get3A_258 = vector.shape_cast %get3A_257 : vector<1x16xf32> to vector<16xf32>
      %eq3A_259 = arith.cmpf oeq, %get3A_258, %scan3A_189#3 : vector<16xf32>
      %select_n3A_260 = arith.select %eq3A_259, %broadcast_in_dim3A_1, %get3A_258 : vector<16xi1>, vector<16xf32>
      %swap3A_261 = arith.index_cast %scan3A_225 : i32 to index
      %swap3A_262 = arith.constant 48 : index
      %swap3A_263 = tpu.vector_load %arg4[%swap3A_261, %swap3A_262] {strides = array<i32>} : memref<256x128xf32, #tpu.memory_space<vmem>>, vector<1x16xf32>,
      %swap3A_264 = vector.shape_cast %swap3A_263 : vector<1x16xf32> to vector<16xf32>
      %swap3A_265 = vector.shape_cast %select_n3A_260 : vector<16xf32> to vector<1x16xf32>
      tpu.vector_store %arg4[%swap3A_261, %swap3A_262], %swap3A_265 {strides = array<i32>} : memref<256x128xf32, #tpu.memory_space<vmem>>, vector<1x16xf32>,
      %get3A_266 = arith.index_cast %scan3A_225 : i32 to index
      %get3A_267 = arith.constant 64 : index
      %get3A_268 = tpu.vector_load %arg4[%get3A_266, %get3A_267] {strides = array<i32>} : memref<256x128xf32, #tpu.memory_space<vmem>>, vector<1x16xf32>,
      %get3A_269 = vector.shape_cast %get3A_268 : vector<1x16xf32> to vector<16xf32>
      %eq3A_270 = arith.cmpf oeq, %get3A_269, %scan3A_189#4 : vector<16xf32>
      %select_n3A_271 = arith.select %eq3A_270, %broadcast_in_dim3A_1, %get3A_269 : vector<16xi1>, vector<16xf32>
      %swap3A_272 = arith.index_cast %scan3A_225 : i32 to index
      %swap3A_273 = arith.constant 64 : index
      %swap3A_274 = tpu.vector_load %arg4[%swap3A_272, %swap3A_273] {strides = array<i32>} : memref<256x128xf32, #tpu.memory_space<vmem>>, vector<1x16xf32>,
      %swap3A_275 = vector.shape_cast %swap3A_274 : vector<1x16xf32> to vector<16xf32>
      %swap3A_276 = vector.shape_cast %select_n3A_271 : vector<16xf32> to vector<1x16xf32>
      tpu.vector_store %arg4[%swap3A_272, %swap3A_273], %swap3A_276 {strides = array<i32>} : memref<256x128xf32, #tpu.memory_space<vmem>>, vector<1x16xf32>,
      %get3A_277 = arith.index_cast %scan3A_225 : i32 to index
      %get3A_278 = arith.constant 80 : index
      %get3A_279 = tpu.vector_load %arg4[%get3A_277, %get3A_278] {strides = array<i32>} : memref<256x128xf32, #tpu.memory_space<vmem>>, vector<1x16xf32>,
      %get3A_280 = vector.shape_cast %get3A_279 : vector<1x16xf32> to vector<16xf32>
      %eq3A_281 = arith.cmpf oeq, %get3A_280, %scan3A_189#5 : vector<16xf32>
      %select_n3A_282 = arith.select %eq3A_281, %broadcast_in_dim3A_1, %get3A_280 : vector<16xi1>, vector<16xf32>
      %swap3A_283 = arith.index_cast %scan3A_225 : i32 to index
      %swap3A_284 = arith.constant 80 : index
      %swap3A_285 = tpu.vector_load %arg4[%swap3A_283, %swap3A_284] {strides = array<i32>} : memref<256x128xf32, #tpu.memory_space<vmem>>, vector<1x16xf32>,
      %swap3A_286 = vector.shape_cast %swap3A_285 : vector<1x16xf32> to vector<16xf32>
      %swap3A_287 = vector.shape_cast %select_n3A_282 : vector<16xf32> to vector<1x16xf32>
      tpu.vector_store %arg4[%swap3A_283, %swap3A_284], %swap3A_287 {strides = array<i32>} : memref<256x128xf32, #tpu.memory_space<vmem>>, vector<1x16xf32>,
      %get3A_288 = arith.index_cast %scan3A_225 : i32 to index
      %get3A_289 = arith.constant 96 : index
      %get3A_290 = tpu.vector_load %arg4[%get3A_288, %get3A_289] {strides = array<i32>} : memref<256x128xf32, #tpu.memory_space<vmem>>, vector<1x16xf32>,
      %get3A_291 = vector.shape_cast %get3A_290 : vector<1x16xf32> to vector<16xf32>
      %eq3A_292 = arith.cmpf oeq, %get3A_291, %scan3A_189#6 : vector<16xf32>
      %select_n3A_293 = arith.select %eq3A_292, %broadcast_in_dim3A_1, %get3A_291 : vector<16xi1>, vector<16xf32>
      %swap3A_294 = arith.index_cast %scan3A_225 : i32 to index
      %swap3A_295 = arith.constant 96 : index
      %swap3A_296 = tpu.vector_load %arg4[%swap3A_294, %swap3A_295] {strides = array<i32>} : memref<256x128xf32, #tpu.memory_space<vmem>>, vector<1x16xf32>,
      %swap3A_297 = vector.shape_cast %swap3A_296 : vector<1x16xf32> to vector<16xf32>
      %swap3A_298 = vector.shape_cast %select_n3A_293 : vector<16xf32> to vector<1x16xf32>
      tpu.vector_store %arg4[%swap3A_294, %swap3A_295], %swap3A_298 {strides = array<i32>} : memref<256x128xf32, #tpu.memory_space<vmem>>, vector<1x16xf32>,
      %get3A_299 = arith.index_cast %scan3A_225 : i32 to index
      %get3A_300 = arith.constant 112 : index
      %get3A_301 = tpu.vector_load %arg4[%get3A_299, %get3A_300] {strides = array<i32>} : memref<256x128xf32, #tpu.memory_space<vmem>>, vector<1x16xf32>,
      %get3A_302 = vector.shape_cast %get3A_301 : vector<1x16xf32> to vector<16xf32>
      %eq3A_303 = arith.cmpf oeq, %get3A_302, %scan3A_189#7 : vector<16xf32>
      %select_n3A_304 = arith.select %eq3A_303, %broadcast_in_dim3A_1, %get3A_302 : vector<16xi1>, vector<16xf32>
      %swap3A_305 = arith.index_cast %scan3A_225 : i32 to index
      %swap3A_306 = arith.constant 112 : index
      %swap3A_307 = tpu.vector_load %arg4[%swap3A_305, %swap3A_306] {strides = array<i32>} : memref<256x128xf32, #tpu.memory_space<vmem>>, vector<1x16xf32>,
      %swap3A_308 = vector.shape_cast %swap3A_307 : vector<1x16xf32> to vector<16xf32>
      %swap3A_309 = vector.shape_cast %select_n3A_304 : vector<16xf32> to vector<1x16xf32>
      tpu.vector_store %arg4[%swap3A_305, %swap3A_306], %swap3A_309 {strides = array<i32>} : memref<256x128xf32, #tpu.memory_space<vmem>>, vector<1x16xf32>,
    }
    %scan3A_196 = arith.constant 256 : i32
    %broadcast_in_dim3A_197 = arith.constant -3.000000e+38 : f32
    %broadcast_in_dim3A_198 = vector.broadcast %broadcast_in_dim3A_197 : f32 to vector<16xf32>
    %broadcast_in_dim3A_199 = arith.constant -3.000000e+38 : f32
    %broadcast_in_dim3A_200 = vector.broadcast %broadcast_in_dim3A_199 : f32 to vector<16xf32>
    %broadcast_in_dim3A_201 = arith.constant -3.000000e+38 : f32
    %broadcast_in_dim3A_202 = vector.broadcast %broadcast_in_dim3A_201 : f32 to vector<16xf32>
    %broadcast_in_dim3A_203 = arith.constant -3.000000e+38 : f32
    %broadcast_in_dim3A_204 = vector.broadcast %broadcast_in_dim3A_203 : f32 to vector<16xf32>
    %broadcast_in_dim3A_205 = arith.constant -3.000000e+38 : f32
    %broadcast_in_dim3A_206 = vector.broadcast %broadcast_in_dim3A_205 : f32 to vector<16xf32>
    %broadcast_in_dim3A_207 = arith.constant -3.000000e+38 : f32
    %broadcast_in_dim3A_208 = vector.broadcast %broadcast_in_dim3A_207 : f32 to vector<16xf32>
    %broadcast_in_dim3A_209 = arith.constant -3.000000e+38 : f32
    %broadcast_in_dim3A_210 = vector.broadcast %broadcast_in_dim3A_209 : f32 to vector<16xf32>
    %broadcast_in_dim3A_211 = arith.constant -3.000000e+38 : f32
    %broadcast_in_dim3A_212 = vector.broadcast %broadcast_in_dim3A_211 : f32 to vector<16xf32>
    %scan3A_213 = arith.constant 0 : i32
    %scan3A_214 = arith.constant 256 : i32
    %scan3A_215 = arith.addi %scan3A_213, %scan3A_214 : i32
    %scan3A_216 = arith.constant 1 : i32
    %scan3A_217:8 = scf.for %scan3A_225 = %scan3A_213 to %scan3A_215 step %scan3A_216 iter_args(%scan3A_226 = %broadcast_in_dim3A_198, %scan3A_227 = %broadcast_in_dim3A_200, %scan3A_228 = %broadcast_in_dim3A_202, %scan3A_229 = %broadcast_in_dim3A_204, %scan3A_230 = %broadcast_in_dim3A_206, %scan3A_231 = %broadcast_in_dim3A_208, %scan3A_232 = %broadcast_in_dim3A_210, %scan3A_233 = %broadcast_in_dim3A_212) -> (vector<16xf32>, vector<16xf32>, vector<16xf32>, vector<16xf32>, vector<16xf32>, vector<16xf32>, vector<16xf32>, vector<16xf32>)  : i32 {
      %get3A = arith.index_cast %scan3A_225 : i32 to index
      %get3A_234 = arith.constant 0 : index
      %get3A_235 = tpu.vector_load %arg4[%get3A, %get3A_234] {strides = array<i32>} : memref<256x128xf32, #tpu.memory_space<vmem>>, vector<1x16xf32>,
      %get3A_236 = vector.shape_cast %get3A_235 : vector<1x16xf32> to vector<16xf32>
      %max3A = arith.maximumf %scan3A_226, %get3A_236 : vector<16xf32>
      %get3A_237 = arith.index_cast %scan3A_225 : i32 to index
      %get3A_238 = arith.constant 16 : index
      %get3A_239 = tpu.vector_load %arg4[%get3A_237, %get3A_238] {strides = array<i32>} : memref<256x128xf32, #tpu.memory_space<vmem>>, vector<1x16xf32>,
      %get3A_240 = vector.shape_cast %get3A_239 : vector<1x16xf32> to vector<16xf32>
      %max3A_241 = arith.maximumf %scan3A_227, %get3A_240 : vector<16xf32>
      %get3A_242 = arith.index_cast %scan3A_225 : i32 to index
      %get3A_243 = arith.constant 32 : index
      %get3A_244 = tpu.vector_load %arg4[%get3A_242, %get3A_243] {strides = array<i32>} : memref<256x128xf32, #tpu.memory_space<vmem>>, vector<1x16xf32>,
      %get3A_245 = vector.shape_cast %get3A_244 : vector<1x16xf32> to vector<16xf32>
      %max3A_246 = arith.maximumf %scan3A_228, %get3A_245 : vector<16xf32>
      %get3A_247 = arith.index_cast %scan3A_225 : i32 to index
      %get3A_248 = arith.constant 48 : index
      %get3A_249 = tpu.vector_load %arg4[%get3A_247, %get3A_248] {strides = array<i32>} : memref<256x128xf32, #tpu.memory_space<vmem>>, vector<1x16xf32>,
      %get3A_250 = vector.shape_cast %get3A_249 : vector<1x16xf32> to vector<16xf32>
      %max3A_251 = arith.maximumf %scan3A_229, %get3A_250 : vector<16xf32>
      %get3A_252 = arith.index_cast %scan3A_225 : i32 to index
      %get3A_253 = arith.constant 64 : index
      %get3A_254 = tpu.vector_load %arg4[%get3A_252, %get3A_253] {strides = array<i32>} : memref<256x128xf32, #tpu.memory_space<vmem>>, vector<1x16xf32>,
      %get3A_255 = vector.shape_cast %get3A_254 : vector<1x16xf32> to vector<16xf32>
      %max3A_256 = arith.maximumf %scan3A_230, %get3A_255 : vector<16xf32>
      %get3A_257 = arith.index_cast %scan3A_225 : i32 to index
      %get3A_258 = arith.constant 80 : index
      %get3A_259 = tpu.vector_load %arg4[%get3A_257, %get3A_258] {strides = array<i32>} : memref<256x128xf32, #tpu.memory_space<vmem>>, vector<1x16xf32>,
      %get3A_260 = vector.shape_cast %get3A_259 : vector<1x16xf32> to vector<16xf32>
      %max3A_261 = arith.maximumf %scan3A_231, %get3A_260 : vector<16xf32>
      %get3A_262 = arith.index_cast %scan3A_225 : i32 to index
      %get3A_263 = arith.constant 96 : index
      %get3A_264 = tpu.vector_load %arg4[%get3A_262, %get3A_263] {strides = array<i32>} : memref<256x128xf32, #tpu.memory_space<vmem>>, vector<1x16xf32>,
      %get3A_265 = vector.shape_cast %get3A_264 : vector<1x16xf32> to vector<16xf32>
      %max3A_266 = arith.maximumf %scan3A_232, %get3A_265 : vector<16xf32>
      %get3A_267 = arith.index_cast %scan3A_225 : i32 to index
      %get3A_268 = arith.constant 112 : index
      %get3A_269 = tpu.vector_load %arg4[%get3A_267, %get3A_268] {strides = array<i32>} : memref<256x128xf32, #tpu.memory_space<vmem>>, vector<1x16xf32>,
      %get3A_270 = vector.shape_cast %get3A_269 : vector<1x16xf32> to vector<16xf32>
      %max3A_271 = arith.maximumf %scan3A_233, %get3A_270 : vector<16xf32>
      scf.yield %max3A, %max3A_241, %max3A_246, %max3A_251, %max3A_256, %max3A_261, %max3A_266, %max3A_271 : vector<16xf32>, vector<16xf32>, vector<16xf32>, vector<16xf32>, vector<16xf32>, vector<16xf32>, vector<16xf32>, vector<16xf32>
    }
    %scan3A_218 = arith.constant 256 : i32
    %scan3A_219 = arith.constant 0 : i32
    %scan3A_220 = arith.constant 0 : i32
    %scan3A_221 = arith.constant 256 : i32
    %scan3A_222 = arith.addi %scan3A_220, %scan3A_221 : i32
    %scan3A_223 = arith.constant 1 : i32
    scf.for %scan3A_225 = %scan3A_220 to %scan3A_222 step %scan3A_223  : i32 {
      %get3A = arith.index_cast %scan3A_225 : i32 to index
      %get3A_226 = arith.constant 0 : index
      %get3A_227 = tpu.vector_load %arg4[%get3A, %get3A_226] {strides = array<i32>} : memref<256x128xf32, #tpu.memory_space<vmem>>, vector<1x16xf32>,
      %get3A_228 = vector.shape_cast %get3A_227 : vector<1x16xf32> to vector<16xf32>
      %eq3A = arith.cmpf oeq, %get3A_228, %scan3A_217#0 : vector<16xf32>
      %select_n3A = arith.select %eq3A, %broadcast_in_dim3A_1, %get3A_228 : vector<16xi1>, vector<16xf32>
      %swap3A = arith.index_cast %scan3A_225 : i32 to index
      %swap3A_229 = arith.constant 0 : index
      %swap3A_230 = tpu.vector_load %arg4[%swap3A, %swap3A_229] {strides = array<i32>} : memref<256x128xf32, #tpu.memory_space<vmem>>, vector<1x16xf32>,
      %swap3A_231 = vector.shape_cast %swap3A_230 : vector<1x16xf32> to vector<16xf32>
      %swap3A_232 = vector.shape_cast %select_n3A : vector<16xf32> to vector<1x16xf32>
      tpu.vector_store %arg4[%swap3A, %swap3A_229], %swap3A_232 {strides = array<i32>} : memref<256x128xf32, #tpu.memory_space<vmem>>, vector<1x16xf32>,
      %get3A_233 = arith.index_cast %scan3A_225 : i32 to index
      %get3A_234 = arith.constant 16 : index
      %get3A_235 = tpu.vector_load %arg4[%get3A_233, %get3A_234] {strides = array<i32>} : memref<256x128xf32, #tpu.memory_space<vmem>>, vector<1x16xf32>,
      %get3A_236 = vector.shape_cast %get3A_235 : vector<1x16xf32> to vector<16xf32>
      %eq3A_237 = arith.cmpf oeq, %get3A_236, %scan3A_217#1 : vector<16xf32>
      %select_n3A_238 = arith.select %eq3A_237, %broadcast_in_dim3A_1, %get3A_236 : vector<16xi1>, vector<16xf32>
      %swap3A_239 = arith.index_cast %scan3A_225 : i32 to index
      %swap3A_240 = arith.constant 16 : index
      %swap3A_241 = tpu.vector_load %arg4[%swap3A_239, %swap3A_240] {strides = array<i32>} : memref<256x128xf32, #tpu.memory_space<vmem>>, vector<1x16xf32>,
      %swap3A_242 = vector.shape_cast %swap3A_241 : vector<1x16xf32> to vector<16xf32>
      %swap3A_243 = vector.shape_cast %select_n3A_238 : vector<16xf32> to vector<1x16xf32>
      tpu.vector_store %arg4[%swap3A_239, %swap3A_240], %swap3A_243 {strides = array<i32>} : memref<256x128xf32, #tpu.memory_space<vmem>>, vector<1x16xf32>,
      %get3A_244 = arith.index_cast %scan3A_225 : i32 to index
      %get3A_245 = arith.constant 32 : index
      %get3A_246 = tpu.vector_load %arg4[%get3A_244, %get3A_245] {strides = array<i32>} : memref<256x128xf32, #tpu.memory_space<vmem>>, vector<1x16xf32>,
      %get3A_247 = vector.shape_cast %get3A_246 : vector<1x16xf32> to vector<16xf32>
      %eq3A_248 = arith.cmpf oeq, %get3A_247, %scan3A_217#2 : vector<16xf32>
      %select_n3A_249 = arith.select %eq3A_248, %broadcast_in_dim3A_1, %get3A_247 : vector<16xi1>, vector<16xf32>
      %swap3A_250 = arith.index_cast %scan3A_225 : i32 to index
      %swap3A_251 = arith.constant 32 : index
      %swap3A_252 = tpu.vector_load %arg4[%swap3A_250, %swap3A_251] {strides = array<i32>} : memref<256x128xf32, #tpu.memory_space<vmem>>, vector<1x16xf32>,
      %swap3A_253 = vector.shape_cast %swap3A_252 : vector<1x16xf32> to vector<16xf32>
      %swap3A_254 = vector.shape_cast %select_n3A_249 : vector<16xf32> to vector<1x16xf32>
      tpu.vector_store %arg4[%swap3A_250, %swap3A_251], %swap3A_254 {strides = array<i32>} : memref<256x128xf32, #tpu.memory_space<vmem>>, vector<1x16xf32>,
      %get3A_255 = arith.index_cast %scan3A_225 : i32 to index
      %get3A_256 = arith.constant 48 : index
      %get3A_257 = tpu.vector_load %arg4[%get3A_255, %get3A_256] {strides = array<i32>} : memref<256x128xf32, #tpu.memory_space<vmem>>, vector<1x16xf32>,
      %get3A_258 = vector.shape_cast %get3A_257 : vector<1x16xf32> to vector<16xf32>
      %eq3A_259 = arith.cmpf oeq, %get3A_258, %scan3A_217#3 : vector<16xf32>
      %select_n3A_260 = arith.select %eq3A_259, %broadcast_in_dim3A_1, %get3A_258 : vector<16xi1>, vector<16xf32>
      %swap3A_261 = arith.index_cast %scan3A_225 : i32 to index
      %swap3A_262 = arith.constant 48 : index
      %swap3A_263 = tpu.vector_load %arg4[%swap3A_261, %swap3A_262] {strides = array<i32>} : memref<256x128xf32, #tpu.memory_space<vmem>>, vector<1x16xf32>,
      %swap3A_264 = vector.shape_cast %swap3A_263 : vector<1x16xf32> to vector<16xf32>
      %swap3A_265 = vector.shape_cast %select_n3A_260 : vector<16xf32> to vector<1x16xf32>
      tpu.vector_store %arg4[%swap3A_261, %swap3A_262], %swap3A_265 {strides = array<i32>} : memref<256x128xf32, #tpu.memory_space<vmem>>, vector<1x16xf32>,
      %get3A_266 = arith.index_cast %scan3A_225 : i32 to index
      %get3A_267 = arith.constant 64 : index
      %get3A_268 = tpu.vector_load %arg4[%get3A_266, %get3A_267] {strides = array<i32>} : memref<256x128xf32, #tpu.memory_space<vmem>>, vector<1x16xf32>,
      %get3A_269 = vector.shape_cast %get3A_268 : vector<1x16xf32> to vector<16xf32>
      %eq3A_270 = arith.cmpf oeq, %get3A_269, %scan3A_217#4 : vector<16xf32>
      %select_n3A_271 = arith.select %eq3A_270, %broadcast_in_dim3A_1, %get3A_269 : vector<16xi1>, vector<16xf32>
      %swap3A_272 = arith.index_cast %scan3A_225 : i32 to index
      %swap3A_273 = arith.constant 64 : index
      %swap3A_274 = tpu.vector_load %arg4[%swap3A_272, %swap3A_273] {strides = array<i32>} : memref<256x128xf32, #tpu.memory_space<vmem>>, vector<1x16xf32>,
      %swap3A_275 = vector.shape_cast %swap3A_274 : vector<1x16xf32> to vector<16xf32>
      %swap3A_276 = vector.shape_cast %select_n3A_271 : vector<16xf32> to vector<1x16xf32>
      tpu.vector_store %arg4[%swap3A_272, %swap3A_273], %swap3A_276 {strides = array<i32>} : memref<256x128xf32, #tpu.memory_space<vmem>>, vector<1x16xf32>,
      %get3A_277 = arith.index_cast %scan3A_225 : i32 to index
      %get3A_278 = arith.constant 80 : index
      %get3A_279 = tpu.vector_load %arg4[%get3A_277, %get3A_278] {strides = array<i32>} : memref<256x128xf32, #tpu.memory_space<vmem>>, vector<1x16xf32>,
      %get3A_280 = vector.shape_cast %get3A_279 : vector<1x16xf32> to vector<16xf32>
      %eq3A_281 = arith.cmpf oeq, %get3A_280, %scan3A_217#5 : vector<16xf32>
      %select_n3A_282 = arith.select %eq3A_281, %broadcast_in_dim3A_1, %get3A_280 : vector<16xi1>, vector<16xf32>
      %swap3A_283 = arith.index_cast %scan3A_225 : i32 to index
      %swap3A_284 = arith.constant 80 : index
      %swap3A_285 = tpu.vector_load %arg4[%swap3A_283, %swap3A_284] {strides = array<i32>} : memref<256x128xf32, #tpu.memory_space<vmem>>, vector<1x16xf32>,
      %swap3A_286 = vector.shape_cast %swap3A_285 : vector<1x16xf32> to vector<16xf32>
      %swap3A_287 = vector.shape_cast %select_n3A_282 : vector<16xf32> to vector<1x16xf32>
      tpu.vector_store %arg4[%swap3A_283, %swap3A_284], %swap3A_287 {strides = array<i32>} : memref<256x128xf32, #tpu.memory_space<vmem>>, vector<1x16xf32>,
      %get3A_288 = arith.index_cast %scan3A_225 : i32 to index
      %get3A_289 = arith.constant 96 : index
      %get3A_290 = tpu.vector_load %arg4[%get3A_288, %get3A_289] {strides = array<i32>} : memref<256x128xf32, #tpu.memory_space<vmem>>, vector<1x16xf32>,
      %get3A_291 = vector.shape_cast %get3A_290 : vector<1x16xf32> to vector<16xf32>
      %eq3A_292 = arith.cmpf oeq, %get3A_291, %scan3A_217#6 : vector<16xf32>
      %select_n3A_293 = arith.select %eq3A_292, %broadcast_in_dim3A_1, %get3A_291 : vector<16xi1>, vector<16xf32>
      %swap3A_294 = arith.index_cast %scan3A_225 : i32 to index
      %swap3A_295 = arith.constant 96 : index
      %swap3A_296 = tpu.vector_load %arg4[%swap3A_294, %swap3A_295] {strides = array<i32>} : memref<256x128xf32, #tpu.memory_space<vmem>>, vector<1x16xf32>,
      %swap3A_297 = vector.shape_cast %swap3A_296 : vector<1x16xf32> to vector<16xf32>
      %swap3A_298 = vector.shape_cast %select_n3A_293 : vector<16xf32> to vector<1x16xf32>
      tpu.vector_store %arg4[%swap3A_294, %swap3A_295], %swap3A_298 {strides = array<i32>} : memref<256x128xf32, #tpu.memory_space<vmem>>, vector<1x16xf32>,
      %get3A_299 = arith.index_cast %scan3A_225 : i32 to index
      %get3A_300 = arith.constant 112 : index
      %get3A_301 = tpu.vector_load %arg4[%get3A_299, %get3A_300] {strides = array<i32>} : memref<256x128xf32, #tpu.memory_space<vmem>>, vector<1x16xf32>,
      %get3A_302 = vector.shape_cast %get3A_301 : vector<1x16xf32> to vector<16xf32>
      %eq3A_303 = arith.cmpf oeq, %get3A_302, %scan3A_217#7 : vector<16xf32>
      %select_n3A_304 = arith.select %eq3A_303, %broadcast_in_dim3A_1, %get3A_302 : vector<16xi1>, vector<16xf32>
      %swap3A_305 = arith.index_cast %scan3A_225 : i32 to index
      %swap3A_306 = arith.constant 112 : index
      %swap3A_307 = tpu.vector_load %arg4[%swap3A_305, %swap3A_306] {strides = array<i32>} : memref<256x128xf32, #tpu.memory_space<vmem>>, vector<1x16xf32>,
      %swap3A_308 = vector.shape_cast %swap3A_307 : vector<1x16xf32> to vector<16xf32>
      %swap3A_309 = vector.shape_cast %select_n3A_304 : vector<16xf32> to vector<1x16xf32>
      tpu.vector_store %arg4[%swap3A_305, %swap3A_306], %swap3A_309 {strides = array<i32>} : memref<256x128xf32, #tpu.memory_space<vmem>>, vector<1x16xf32>,
    }
    %scan3A_224 = arith.constant 256 : i32
    "tpu.region"() ({
      %run_scoped3A = tpu.sem_alloc : memref<!tpu.dma_semaphore, #tpu.memory_space<semaphore_mem>>
      %dma_start3A = arith.constant 0 : i32
      %dma_start3A_225 = arith.constant 0 : i32
      %dma_start3A_226 = tpu.memref_slice %arg3[%add3A, %dma_start3A, %dma_start3A_225] : memref<32x256x128xf32, #tpu.memory_space<hbm>> -> memref<1x256x128xf32, #tpu.memory_space<hbm>>
      %dma_start3A_227 = tpu.memref_squeeze %dma_start3A_226 : memref<1x256x128xf32, #tpu.memory_space<hbm>> -> memref<256x128xf32, #tpu.memory_space<hbm>>
      %dma_start3A_228 = arith.constant 0 : i32
      %dma_start3A_229 = arith.constant 0 : i32
      %dma_start3A_230 = tpu.memref_slice %arg3[%add3A, %dma_start3A_228, %dma_start3A_229] : memref<32x256x128xf32, #tpu.memory_space<hbm>> -> memref<1x256x128xf32, #tpu.memory_space<hbm>>
      %dma_start3A_231 = tpu.memref_squeeze %dma_start3A_230 : memref<1x256x128xf32, #tpu.memory_space<hbm>> -> memref<256x128xf32, #tpu.memory_space<hbm>>
      tpu.enqueue_dma source(%arg4 : memref<256x128xf32, #tpu.memory_space<vmem>>) target(%dma_start3A_231 : memref<256x128xf32, #tpu.memory_space<hbm>>) target_semaphore(%run_scoped3A : memref<!tpu.dma_semaphore, #tpu.memory_space<semaphore_mem>>)
      %dma_wait3A = arith.constant 0 : i32
      %dma_wait3A_232 = arith.constant 0 : i32
      %dma_wait3A_233 = tpu.memref_slice %arg3[%add3A, %dma_wait3A, %dma_wait3A_232] : memref<32x256x128xf32, #tpu.memory_space<hbm>> -> memref<1x256x128xf32, #tpu.memory_space<hbm>>
      %dma_wait3A_234 = tpu.memref_squeeze %dma_wait3A_233 : memref<1x256x128xf32, #tpu.memory_space<hbm>> -> memref<256x128xf32, #tpu.memory_space<hbm>>
      %dma_wait3A_235 = arith.constant 0 : i32
      %dma_wait3A_236 = arith.constant 0 : i32
      %dma_wait3A_237 = tpu.memref_slice %arg3[%add3A, %dma_wait3A_235, %dma_wait3A_236] : memref<32x256x128xf32, #tpu.memory_space<hbm>> -> memref<1x256x128xf32, #tpu.memory_space<hbm>>
      %dma_wait3A_238 = tpu.memref_squeeze %dma_wait3A_237 : memref<1x256x128xf32, #tpu.memory_space<hbm>> -> memref<256x128xf32, #tpu.memory_space<hbm>>
      tpu.wait_dma2 semaphore(%run_scoped3A : memref<!tpu.dma_semaphore, #tpu.memory_space<semaphore_mem>>) src(%arg4 : memref<256x128xf32, #tpu.memory_space<vmem>>) dst(%dma_wait3A_238 : memref<256x128xf32, #tpu.memory_space<hbm>>)
      tpu.yield
    }) : () -> ()
    return
  }
}

module attributes {stable_mosaic.version = 14 : i64} {
  func.func @_body_c(%arg0: i32, %arg1: memref<256x2048xf32, #tpu.memory_space<vmem>>, %arg2: memref<2x256x128xf32, #tpu.memory_space<vmem>>, %arg3: memref<2x256x128xf32, #tpu.memory_space<vmem>>, %arg4: memref<256x2048xf32, #tpu.memory_space<vmem>>, %arg5: memref<256x1xf32, #tpu.memory_space<vmem>>, %arg6: memref<256x2048xf32, #tpu.memory_space<vmem>>, %arg7: memref<2048x256xf32, #tpu.memory_space<vmem>>, %arg8: memref<256x2048xf32, #tpu.memory_space<vmem>>, %arg9: memref<256x256xbf16, #tpu.memory_space<vmem>>, %arg10: memref<256x1xf32, #tpu.memory_space<vmem>>, %arg11: memref<256x2048xbf16, #tpu.memory_space<vmem>>) attributes {dimension_semantics = [#tpu.dimension_semantics<arbitrary>], iteration_bounds = array<i64: 16>, scalar_prefetch = 0 : i64, scratch_operands = 3 : i64, tpu.core_type = #tpu.core_type<tc>, window_params = [{transform_indices = @transform_0, window_bounds = array<i64: 256, 2048>}, {transform_indices = @transform_1, window_bounds = array<i64: 2, 256, 128>}, {transform_indices = @transform_2, window_bounds = array<i64: 2, 256, 128>}, {pipeline_mode = #tpu.pipeline_mode<synchronous>, transform_indices = @transform_3, window_bounds = array<i64: 256, 2048>}, {pipeline_mode = #tpu.pipeline_mode<synchronous>, transform_indices = @transform_4, window_bounds = array<i64: 256, 1>}, {pipeline_mode = #tpu.pipeline_mode<synchronous>, transform_indices = @transform_5, window_bounds = array<i64: 256, 2048>}, {pipeline_mode = #tpu.pipeline_mode<synchronous>, transform_indices = @transform_6, window_bounds = array<i64: 2048, 256>}, {transform_indices = @transform_7, window_bounds = array<i64: 256, 2048>}]} {
    %eq3A = arith.constant 0 : i32
    %eq3A_0 = arith.cmpi eq, %arg0, %eq3A : i32
    %convert_element_type3A = arith.extui %eq3A_0 : i1 to i32
    %cond3A = arith.constant 0 : i32
    %cond3A_1 = arith.cmpi ne, %convert_element_type3A, %cond3A : i32
    scf.if %cond3A_1 {
      %get3A_78 = arith.constant 0 : index
      %get3A_79 = arith.constant 0 : index
      %get3A_80 = vector.load %arg5[%get3A_78, %get3A_79] : memref<256x1xf32, #tpu.memory_space<vmem>>, vector<256x1xf32>
      %jit3A_81 = arith.constant 1.000000e-10 : f32
      %max3A = vector.broadcast %jit3A_81 : f32 to vector<256x1xf32>
      %max3A_82 = arith.maximumf %max3A, %get3A_80 : vector<256x1xf32>
      %log3A = math.log %max3A_82 : vector<256x1xf32>
      %swap3A_83 = arith.constant 0 : index
      %swap3A_84 = arith.constant 0 : index
      %swap3A_85 = vector.load %arg10[%swap3A_83, %swap3A_84] : memref<256x1xf32, #tpu.memory_space<vmem>>, vector<256x1xf32>
      tpu.vector_store %arg10[%swap3A_83, %swap3A_84], %log3A {strides = array<i32>} : memref<256x1xf32, #tpu.memory_space<vmem>>, vector<256x1xf32>,
      %get3A_86 = arith.constant 0 : index
      %get3A_87 = arith.constant 0 : index
      %get3A_88 = vector.load %arg7[%get3A_86, %get3A_87] : memref<2048x256xf32, #tpu.memory_space<vmem>>, vector<2048x256xf32>
      %transpose3A = tpu.transpose %get3A_88, [1, 0] : vector<2048x256xf32> -> vector<256x2048xf32>
      %convert_element_type3A_89 = arith.truncf %transpose3A : vector<256x2048xf32> to vector<256x2048xbf16>
      %swap3A_90 = arith.constant 0 : index
      %swap3A_91 = arith.constant 0 : index
      %swap3A_92 = vector.load %arg11[%swap3A_90, %swap3A_91] : memref<256x2048xbf16, #tpu.memory_space<vmem>>, vector<256x2048xbf16>
      tpu.vector_store %arg11[%swap3A_90, %swap3A_91], %convert_element_type3A_89 {strides = array<i32>} : memref<256x2048xbf16, #tpu.memory_space<vmem>>, vector<256x2048xbf16>,
      %get3A_93 = arith.constant 0 : index
      %get3A_94 = arith.constant 0 : index
      %get3A_95 = vector.load %arg4[%get3A_93, %get3A_94] : memref<256x2048xf32, #tpu.memory_space<vmem>>, vector<256x2048xf32>
      %convert_element_type3A_96 = arith.truncf %get3A_95 : vector<256x2048xf32> to vector<256x2048xbf16>
      %get3A_97 = arith.constant 0 : index
      %get3A_98 = arith.constant 0 : index
      %get3A_99 = vector.load %arg6[%get3A_97, %get3A_98] : memref<256x2048xf32, #tpu.memory_space<vmem>>, vector<256x2048xf32>
      %convert_element_type3A_100 = arith.truncf %get3A_99 : vector<256x2048xf32> to vector<256x2048xbf16>
      %dot_general3A_101 = arith.constant dense<0.000000e+00> : vector<256x256xf32>
      %dot_general3A_102 = tpu.matmul %convert_element_type3A_96, %convert_element_type3A_100, %dot_general3A_101 {dimension_numbers = #tpu.dot_dimension_numbers<[1], [1], [0], [0], [0, 0, 1, 0], [], []>, transpose_lhs_hint = false} : vector<256x2048xbf16>, vector<256x2048xbf16>, vector<256x256xf32> -> vector<256x256xf32>
      %convert_element_type3A_103 = arith.truncf %dot_general3A_102 : vector<256x256xf32> to vector<256x256xbf16>
      %swap3A_104 = arith.constant 0 : index
      %swap3A_105 = arith.constant 0 : index
      %swap3A_106 = vector.load %arg9[%swap3A_104, %swap3A_105] : memref<256x256xbf16, #tpu.memory_space<vmem>>, vector<256x256xbf16>
      tpu.vector_store %arg9[%swap3A_104, %swap3A_105], %convert_element_type3A_103 {strides = array<i32>} : memref<256x256xbf16, #tpu.memory_space<vmem>>, vector<256x256xbf16>,
    } else {
    }
    %get3A = arith.constant 0 : index
    %get3A_2 = arith.constant 0 : index
    %get3A_3 = arith.constant 0 : index
    %get3A_4 = vector.load %arg2[%get3A, %get3A_2, %get3A_3] : memref<2x256x128xf32, #tpu.memory_space<vmem>>, vector<1x256x128xf32>
    %get3A_5 = vector.shape_cast %get3A_4 : vector<1x256x128xf32> to vector<256x128xf32>
    %get3A_6 = arith.constant 1 : index
    %get3A_7 = arith.constant 0 : index
    %get3A_8 = arith.constant 0 : index
    %get3A_9 = vector.load %arg2[%get3A_6, %get3A_7, %get3A_8] : memref<2x256x128xf32, #tpu.memory_space<vmem>>, vector<1x256x128xf32>
    %get3A_10 = vector.shape_cast %get3A_9 : vector<1x256x128xf32> to vector<256x128xf32>
    %concatenate3A = tpu.concatenate %get3A_5, %get3A_10 in 1 : vector<256x128xf32>, vector<256x128xf32> -> vector<256x256xf32>
    %get3A_11 = arith.constant 0 : index
    %get3A_12 = arith.constant 0 : index
    %get3A_13 = arith.constant 0 : index
    %get3A_14 = vector.load %arg3[%get3A_11, %get3A_12, %get3A_13] : memref<2x256x128xf32, #tpu.memory_space<vmem>>, vector<1x256x128xf32>
    %get3A_15 = vector.shape_cast %get3A_14 : vector<1x256x128xf32> to vector<256x128xf32>
    %get3A_16 = arith.constant 1 : index
    %get3A_17 = arith.constant 0 : index
    %get3A_18 = arith.constant 0 : index
    %get3A_19 = vector.load %arg3[%get3A_16, %get3A_17, %get3A_18] : memref<2x256x128xf32, #tpu.memory_space<vmem>>, vector<1x256x128xf32>
    %get3A_20 = vector.shape_cast %get3A_19 : vector<1x256x128xf32> to vector<256x128xf32>
    %concatenate3A_21 = tpu.concatenate %get3A_15, %get3A_20 in 1 : vector<256x128xf32>, vector<256x128xf32> -> vector<256x256xf32>
    %lt3A = arith.constant -1.000000e+29 : f32
    %lt3A_22 = vector.broadcast %lt3A : f32 to vector<256x256xf32>
    %lt3A_23 = arith.cmpf olt, %concatenate3A_21, %lt3A_22 : vector<256x256xf32>
    %reduce_max3A = arith.constant dense<0xFF800000> : vector<256xf32>
    %reduce_max3A_24 = vector.multi_reduction <maximumf>, %concatenate3A, %reduce_max3A [0] : vector<256x256xf32> to vector<256xf32>
    %broadcast_in_dim3A = vector.shape_cast %reduce_max3A_24 : vector<256xf32> to vector<1x256xf32>
    %logistic3A = arith.negf %broadcast_in_dim3A : vector<1x256xf32>
    %logistic3A_25 = math.exp %logistic3A : vector<1x256xf32>
    %logistic3A_26 = arith.constant 1.000000e+00 : f32
    %logistic3A_27 = vector.broadcast %logistic3A_26 : f32 to vector<1x256xf32>
    %logistic3A_28 = arith.addf %logistic3A_27, %logistic3A_25 : vector<1x256xf32>
    %logistic3A_29 = arith.divf %logistic3A_27, %logistic3A_28 : vector<1x256xf32>
    %get3A_30 = arith.constant 0 : index
    %get3A_31 = arith.constant 0 : index
    %get3A_32 = vector.load %arg10[%get3A_30, %get3A_31] : memref<256x1xf32, #tpu.memory_space<vmem>>, vector<256x1xf32>
    %sub3A = vector.broadcast %get3A_32 : vector<256x1xf32> to vector<256x256xf32>
    %sub3A_33 = arith.subf %concatenate3A, %sub3A : vector<256x256xf32>
    %jit3A = arith.constant -1.000000e+30 : f32
    %broadcast_in_dim3A_34 = vector.broadcast %jit3A : f32 to vector<256x256xf32>
    %select_n3A = arith.select %lt3A_23, %sub3A_33, %broadcast_in_dim3A_34 : vector<256x256xi1>, vector<256x256xf32>
    %reduce_max3A_35 = arith.constant dense<0xFF800000> : vector<256xf32>
    %reduce_max3A_36 = vector.multi_reduction <maximumf>, %select_n3A, %reduce_max3A_35 [0] : vector<256x256xf32> to vector<256xf32>
    %broadcast_in_dim3A_37 = vector.shape_cast %reduce_max3A_36 : vector<256xf32> to vector<1x256xf32>
    %sub3A_38 = vector.broadcast %broadcast_in_dim3A_37 : vector<1x256xf32> to vector<256x256xf32>
    %sub3A_39 = arith.subf %select_n3A, %sub3A_38 : vector<256x256xf32>
    %exp3A = math.exp %sub3A_39 : vector<256x256xf32>
    %convert_element_type3A_40 = arith.extui %lt3A_23 : vector<256x256xi1> to vector<256x256xi32>
    %convert_element_type3A_41 = arith.sitofp %convert_element_type3A_40 : vector<256x256xi32> to vector<256x256xf32>
    %mul3A = arith.mulf %exp3A, %convert_element_type3A_41 : vector<256x256xf32>
    %reduce_sum3A = arith.constant dense<0.000000e+00> : vector<256xf32>
    %reduce_sum3A_42 = vector.multi_reduction <add>, %mul3A, %reduce_sum3A [0] : vector<256x256xf32> to vector<256xf32>
    %broadcast_in_dim3A_43 = vector.shape_cast %reduce_sum3A_42 : vector<256xf32> to vector<1x256xf32>
    %div3A = vector.broadcast %broadcast_in_dim3A_43 : vector<1x256xf32> to vector<256x256xf32>
    %div3A_44 = arith.divf %mul3A, %div3A : vector<256x256xf32>
    %convert_element_type3A_45 = arith.truncf %div3A_44 : vector<256x256xf32> to vector<256x256xbf16>
    %get3A_46 = arith.constant 0 : index
    %get3A_47 = arith.constant 0 : index
    %get3A_48 = vector.load %arg9[%get3A_46, %get3A_47] : memref<256x256xbf16, #tpu.memory_space<vmem>>, vector<256x256xbf16>
    %dot_general3A = arith.constant dense<0.000000e+00> : vector<256x256xf32>
    %dot_general3A_49 = tpu.matmul %convert_element_type3A_45, %get3A_48, %dot_general3A {dimension_numbers = #tpu.dot_dimension_numbers<[0], [0], [1], [1], [0, 1, 1, 1], [], []>, transpose_lhs_hint = false} : vector<256x256xbf16>, vector<256x256xbf16>, vector<256x256xf32> -> vector<256x256xf32>
    %integer_pow3A = arith.mulf %dot_general3A_49, %dot_general3A_49 : vector<256x256xf32>
    %integer_pow3A_50 = arith.mulf %dot_general3A_49, %integer_pow3A : vector<256x256xf32>
    %mul3A_51 = arith.constant 4.471500e-02 : f32
    %mul3A_52 = vector.broadcast %mul3A_51 : f32 to vector<256x256xf32>
    %mul3A_53 = arith.mulf %mul3A_52, %integer_pow3A_50 : vector<256x256xf32>
    %add3A = arith.addf %dot_general3A_49, %mul3A_53 : vector<256x256xf32>
    %mul3A_54 = arith.constant 0.797884583 : f32
    %mul3A_55 = vector.broadcast %mul3A_54 : f32 to vector<256x256xf32>
    %mul3A_56 = arith.mulf %mul3A_55, %add3A : vector<256x256xf32>
    %tanh3A = math.tanh %mul3A_56 : vector<256x256xf32>
    %add3A_57 = arith.constant 1.000000e+00 : f32
    %add3A_58 = vector.broadcast %add3A_57 : f32 to vector<256x256xf32>
    %add3A_59 = arith.addf %add3A_58, %tanh3A : vector<256x256xf32>
    %mul3A_60 = arith.constant 5.000000e-01 : f32
    %mul3A_61 = vector.broadcast %mul3A_60 : f32 to vector<256x256xf32>
    %mul3A_62 = arith.mulf %mul3A_61, %add3A_59 : vector<256x256xf32>
    %mul3A_63 = arith.mulf %dot_general3A_49, %mul3A_62 : vector<256x256xf32>
    %convert_element_type3A_64 = arith.truncf %mul3A_63 : vector<256x256xf32> to vector<256x256xbf16>
    %get3A_65 = arith.constant 0 : index
    %get3A_66 = arith.constant 0 : index
    %get3A_67 = vector.load %arg11[%get3A_65, %get3A_66] : memref<256x2048xbf16, #tpu.memory_space<vmem>>, vector<256x2048xbf16>
    %dot_general3A_68 = arith.constant dense<0.000000e+00> : vector<256x2048xf32>
    %dot_general3A_69 = tpu.matmul %convert_element_type3A_64, %get3A_67, %dot_general3A_68 {dimension_numbers = #tpu.dot_dimension_numbers<[1], [0], [0], [1], [0, 0, 1, 1], [], []>, transpose_lhs_hint = false} : vector<256x256xbf16>, vector<256x2048xbf16>, vector<256x2048xf32> -> vector<256x2048xf32>
    %reshape3A = vector.shape_cast %logistic3A_29 : vector<1x256xf32> to vector<256x1xf32>
    %get3A_70 = arith.constant 0 : index
    %get3A_71 = arith.constant 0 : index
    %get3A_72 = vector.load %arg1[%get3A_70, %get3A_71] : memref<256x2048xf32, #tpu.memory_space<vmem>>, vector<256x2048xf32>
    %mul3A_73 = vector.broadcast %reshape3A : vector<256x1xf32> to vector<256x2048xf32>
    %mul3A_74 = arith.mulf %mul3A_73, %dot_general3A_69 : vector<256x2048xf32>
    %add3A_75 = arith.addf %get3A_72, %mul3A_74 : vector<256x2048xf32>
    %swap3A = arith.constant 0 : index
    %swap3A_76 = arith.constant 0 : index
    %swap3A_77 = vector.load %arg8[%swap3A, %swap3A_76] : memref<256x2048xf32, #tpu.memory_space<vmem>>, vector<256x2048xf32>
    tpu.vector_store %arg8[%swap3A, %swap3A_76], %add3A_75 {strides = array<i32>} : memref<256x2048xf32, #tpu.memory_space<vmem>>, vector<256x2048xf32>,
    return
  }
  func.func @transform_0(%arg0: i32) -> (i32, i32) {
    %c0_i32 = arith.constant 0 : i32
    %c0_i32_0 = arith.constant 0 : i32
    return %arg0, %c0_i32 : i32, i32
  }
  func.func @transform_1(%arg0: i32) -> (i32, i32, i32) {
    %c0_i32 = arith.constant 0 : i32
    %c0_i32_0 = arith.constant 0 : i32
    %c0_i32_1 = arith.constant 0 : i32
    return %arg0, %c0_i32, %c0_i32_0 : i32, i32, i32
  }
  func.func @transform_2(%arg0: i32) -> (i32, i32, i32) {
    %c0_i32 = arith.constant 0 : i32
    %c0_i32_0 = arith.constant 0 : i32
    %c0_i32_1 = arith.constant 0 : i32
    return %arg0, %c0_i32, %c0_i32_0 : i32, i32, i32
  }
  func.func @transform_3(%arg0: i32) -> (i32, i32) {
    %c0_i32 = arith.constant 0 : i32
    %c0_i32_0 = arith.constant 0 : i32
    %c0_i32_1 = arith.constant 0 : i32
    return %c0_i32, %c0_i32_0 : i32, i32
  }
  func.func @transform_4(%arg0: i32) -> (i32, i32) {
    %c0_i32 = arith.constant 0 : i32
    %c0_i32_0 = arith.constant 0 : i32
    %c0_i32_1 = arith.constant 0 : i32
    return %c0_i32, %c0_i32_0 : i32, i32
  }
  func.func @transform_5(%arg0: i32) -> (i32, i32) {
    %c0_i32 = arith.constant 0 : i32
    %c0_i32_0 = arith.constant 0 : i32
    %c0_i32_1 = arith.constant 0 : i32
    return %c0_i32, %c0_i32_0 : i32, i32
  }
  func.func @transform_6(%arg0: i32) -> (i32, i32) {
    %c0_i32 = arith.constant 0 : i32
    %c0_i32_0 = arith.constant 0 : i32
    %c0_i32_1 = arith.constant 0 : i32
    return %c0_i32, %c0_i32_0 : i32, i32
  }
  func.func @transform_7(%arg0: i32) -> (i32, i32) {
    %c0_i32 = arith.constant 0 : i32
    %c0_i32_0 = arith.constant 0 : i32
    return %arg0, %c0_i32 : i32, i32
  }
}

module attributes {stable_mosaic.version = 14 : i64} {
  func.func @_body_a(%arg0: i32, %arg1: memref<256x2048xf32, #tpu.memory_space<vmem>>, %arg2: memref<256x128xf32, #tpu.memory_space<vmem>>, %arg3: memref<256x1xf32, #tpu.memory_space<vmem>>, %arg4: memref<128x2048xf32, #tpu.memory_space<vmem>>, %arg5: memref<2x256x128xf32, #tpu.memory_space<vmem>>, %arg6: memref<256x128xbf16, #tpu.memory_space<vmem>>, %arg7: memref<256x1xf32, #tpu.memory_space<vmem>>, %arg8: memref<2048x128xbf16, #tpu.memory_space<vmem>>) attributes {dimension_semantics = [#tpu.dimension_semantics<arbitrary>], iteration_bounds = array<i64: 16>, scalar_prefetch = 0 : i64, scratch_operands = 3 : i64, tpu.core_type = #tpu.core_type<tc>, window_params = [{transform_indices = @transform_0, window_bounds = array<i64: 256, 2048>}, {pipeline_mode = #tpu.pipeline_mode<synchronous>, transform_indices = @transform_1, window_bounds = array<i64: 256, 128>}, {pipeline_mode = #tpu.pipeline_mode<synchronous>, transform_indices = @transform_2, window_bounds = array<i64: 256, 1>}, {pipeline_mode = #tpu.pipeline_mode<synchronous>, transform_indices = @transform_3, window_bounds = array<i64: 128, 2048>}, {transform_indices = @transform_4, window_bounds = array<i64: 2, 256, 128>}]} {
    %eq3A = arith.constant 0 : i32
    %eq3A_0 = arith.cmpi eq, %arg0, %eq3A : i32
    %convert_element_type3A = arith.extui %eq3A_0 : i1 to i32
    %cond3A = arith.constant 0 : i32
    %cond3A_1 = arith.cmpi ne, %convert_element_type3A, %cond3A : i32
    scf.if %cond3A_1 {
      %get3A_33 = arith.constant 0 : index
      %get3A_34 = arith.constant 0 : index
      %get3A_35 = vector.load %arg2[%get3A_33, %get3A_34] : memref<256x128xf32, #tpu.memory_space<vmem>>, vector<256x128xf32>
      %convert_element_type3A_36 = arith.truncf %get3A_35 : vector<256x128xf32> to vector<256x128xbf16>
      %swap3A_37 = arith.constant 0 : index
      %swap3A_38 = arith.constant 0 : index
      %swap3A_39 = vector.load %arg6[%swap3A_37, %swap3A_38] : memref<256x128xbf16, #tpu.memory_space<vmem>>, vector<256x128xbf16>
      tpu.vector_store %arg6[%swap3A_37, %swap3A_38], %convert_element_type3A_36 {strides = array<i32>} : memref<256x128xbf16, #tpu.memory_space<vmem>>, vector<256x128xbf16>,
      %get3A_40 = arith.constant 0 : index
      %get3A_41 = arith.constant 0 : index
      %get3A_42 = vector.load %arg3[%get3A_40, %get3A_41] : memref<256x1xf32, #tpu.memory_space<vmem>>, vector<256x1xf32>
      %jit3A = arith.constant 1.000000e-10 : f32
      %max3A = vector.broadcast %jit3A : f32 to vector<256x1xf32>
      %max3A_43 = arith.maximumf %max3A, %get3A_42 : vector<256x1xf32>
      %log3A = math.log %max3A_43 : vector<256x1xf32>
      %swap3A_44 = arith.constant 0 : index
      %swap3A_45 = arith.constant 0 : index
      %swap3A_46 = vector.load %arg7[%swap3A_44, %swap3A_45] : memref<256x1xf32, #tpu.memory_space<vmem>>, vector<256x1xf32>
      tpu.vector_store %arg7[%swap3A_44, %swap3A_45], %log3A {strides = array<i32>} : memref<256x1xf32, #tpu.memory_space<vmem>>, vector<256x1xf32>,
      %get3A_47 = arith.constant 0 : index
      %get3A_48 = arith.constant 0 : index
      %get3A_49 = vector.load %arg4[%get3A_47, %get3A_48] : memref<128x2048xf32, #tpu.memory_space<vmem>>, vector<128x2048xf32>
      %transpose3A = tpu.transpose %get3A_49, [1, 0] : vector<128x2048xf32> -> vector<2048x128xf32>
      %convert_element_type3A_50 = arith.truncf %transpose3A : vector<2048x128xf32> to vector<2048x128xbf16>
      %swap3A_51 = arith.constant 0 : index
      %swap3A_52 = arith.constant 0 : index
      %swap3A_53 = vector.load %arg8[%swap3A_51, %swap3A_52] : memref<2048x128xbf16, #tpu.memory_space<vmem>>, vector<2048x128xbf16>
      tpu.vector_store %arg8[%swap3A_51, %swap3A_52], %convert_element_type3A_50 {strides = array<i32>} : memref<2048x128xbf16, #tpu.memory_space<vmem>>, vector<2048x128xbf16>,
    } else {
    }
    %get3A = arith.constant 0 : index
    %get3A_2 = arith.constant 0 : index
    %get3A_3 = vector.load %arg1[%get3A, %get3A_2] : memref<256x2048xf32, #tpu.memory_space<vmem>>, vector<256x2048xf32>
    %convert_element_type3A_4 = arith.truncf %get3A_3 : vector<256x2048xf32> to vector<256x2048xbf16>
    %get3A_5 = arith.constant 0 : index
    %get3A_6 = arith.constant 0 : index
    %get3A_7 = vector.load %arg8[%get3A_5, %get3A_6] : memref<2048x128xbf16, #tpu.memory_space<vmem>>, vector<2048x128xbf16>
    %dot_general3A = arith.constant dense<0.000000e+00> : vector<256x128xf32>
    %dot_general3A_8 = tpu.matmul %convert_element_type3A_4, %get3A_7, %dot_general3A {dimension_numbers = #tpu.dot_dimension_numbers<[1], [0], [0], [1], [0, 0, 1, 1], [], []>, transpose_lhs_hint = false} : vector<256x2048xbf16>, vector<2048x128xbf16>, vector<256x128xf32> -> vector<256x128xf32>
    %get3A_9 = arith.constant 0 : index
    %get3A_10 = arith.constant 0 : index
    %get3A_11 = vector.load %arg6[%get3A_9, %get3A_10] : memref<256x128xbf16, #tpu.memory_space<vmem>>, vector<256x128xbf16>
    %convert_element_type3A_12 = arith.truncf %dot_general3A_8 : vector<256x128xf32> to vector<256x128xbf16>
    %dot_general3A_13 = arith.constant dense<0.000000e+00> : vector<256x256xf32>
    %dot_general3A_14 = tpu.matmul %get3A_11, %convert_element_type3A_12, %dot_general3A_13 {dimension_numbers = #tpu.dot_dimension_numbers<[1], [1], [0], [0], [0, 0, 1, 0], [], []>, transpose_lhs_hint = false} : vector<256x128xbf16>, vector<256x128xbf16>, vector<256x256xf32> -> vector<256x256xf32>
    %mul3A = arith.constant 0.0883883461 : f32
    %mul3A_15 = vector.broadcast %mul3A : f32 to vector<256x256xf32>
    %mul3A_16 = arith.mulf %dot_general3A_14, %mul3A_15 : vector<256x256xf32>
    %get3A_17 = arith.constant 0 : index
    %get3A_18 = arith.constant 0 : index
    %get3A_19 = vector.load %arg7[%get3A_17, %get3A_18] : memref<256x1xf32, #tpu.memory_space<vmem>>, vector<256x1xf32>
    %add3A = vector.broadcast %get3A_19 : vector<256x1xf32> to vector<256x256xf32>
    %add3A_20 = arith.addf %mul3A_16, %add3A : vector<256x256xf32>
    %slice3A = vector.extract_strided_slice %add3A_20 {offsets = [0, 0], sizes = [256, 128], strides = [1, 1]} : vector<256x256xf32> to vector<256x128xf32>
    %swap3A = arith.constant 0 : index
    %swap3A_21 = arith.constant 0 : index
    %swap3A_22 = arith.constant 0 : index
    %swap3A_23 = vector.load %arg5[%swap3A, %swap3A_21, %swap3A_22] : memref<2x256x128xf32, #tpu.memory_space<vmem>>, vector<1x256x128xf32>
    %swap3A_24 = vector.shape_cast %swap3A_23 : vector<1x256x128xf32> to vector<256x128xf32>
    %swap3A_25 = vector.shape_cast %slice3A : vector<256x128xf32> to vector<1x256x128xf32>
    tpu.vector_store %arg5[%swap3A, %swap3A_21, %swap3A_22], %swap3A_25 {strides = array<i32>} : memref<2x256x128xf32, #tpu.memory_space<vmem>>, vector<1x256x128xf32>,
    %slice3A_26 = vector.extract_strided_slice %add3A_20 {offsets = [0, 128], sizes = [256, 128], strides = [1, 1]} : vector<256x256xf32> to vector<256x128xf32>
    %swap3A_27 = arith.constant 1 : index
    %swap3A_28 = arith.constant 0 : index
    %swap3A_29 = arith.constant 0 : index
    %swap3A_30 = vector.load %arg5[%swap3A_27, %swap3A_28, %swap3A_29] : memref<2x256x128xf32, #tpu.memory_space<vmem>>, vector<1x256x128xf32>
    %swap3A_31 = vector.shape_cast %swap3A_30 : vector<1x256x128xf32> to vector<256x128xf32>
    %swap3A_32 = vector.shape_cast %slice3A_26 : vector<256x128xf32> to vector<1x256x128xf32>
    tpu.vector_store %arg5[%swap3A_27, %swap3A_28, %swap3A_29], %swap3A_32 {strides = array<i32>} : memref<2x256x128xf32, #tpu.memory_space<vmem>>, vector<1x256x128xf32>,
    return
  }
  func.func @transform_0(%arg0: i32) -> (i32, i32) {
    %c0_i32 = arith.constant 0 : i32
    %c0_i32_0 = arith.constant 0 : i32
    return %arg0, %c0_i32 : i32, i32
  }
  func.func @transform_1(%arg0: i32) -> (i32, i32) {
    %c0_i32 = arith.constant 0 : i32
    %c0_i32_0 = arith.constant 0 : i32
    %c0_i32_1 = arith.constant 0 : i32
    return %c0_i32, %c0_i32_0 : i32, i32
  }
  func.func @transform_2(%arg0: i32) -> (i32, i32) {
    %c0_i32 = arith.constant 0 : i32
    %c0_i32_0 = arith.constant 0 : i32
    %c0_i32_1 = arith.constant 0 : i32
    return %c0_i32, %c0_i32_0 : i32, i32
  }
  func.func @transform_3(%arg0: i32) -> (i32, i32) {
    %c0_i32 = arith.constant 0 : i32
    %c0_i32_0 = arith.constant 0 : i32
    %c0_i32_1 = arith.constant 0 : i32
    return %c0_i32, %c0_i32_0 : i32, i32
  }
  func.func @transform_4(%arg0: i32) -> (i32, i32, i32) {
    %c0_i32 = arith.constant 0 : i32
    %c0_i32_0 = arith.constant 0 : i32
    %c0_i32_1 = arith.constant 0 : i32
    return %arg0, %c0_i32, %c0_i32_0 : i32, i32, i32
  }
}

</mosaic_0001>

<sc_bundles>
// kernel: kernel.5.cloned.1.call-start
scs
__scs_entry_jumppad:
0x0: {  	(pc) =	sbr.rel $0x88, $3  }
0x1: {  	(tag) =	ssettag $0x0;
	lr =	simm.s32 $0x1  }
0x2: {  	[smem:$0x3F99] =	sst lr;
	_ =	strace $0xD0000000  }
0x3: {  	_ = 	snop  }
0x4: {  	_ = 	snop  }
0x5: {  	_ = 	snop  }
0x6: {  	_ = 	snop  }
0x7: {  	_ = 	snop  }
__scs_overlays_trampoline_lowered:
0x8: {  	[smem:$0x3FA8] =	sst s0  }
0x9: {  	[smem:$0x3FA9] =	sst s1  }
0xa: {  	[smem:$0x3FAA] =	sst s2  }
0xb: {  	[smem:$0x3FAB] =	sst s3  }
0xc: {  	[smem:$0x3FAC] =	sst s4  }
0xd: {  	[smem:$0x3FAD] =	sst s5  }
0xe: {  	[smem:$0x3FAE] =	sst s6  }
0xf: {  	[smem:$0x3FAF] =	sst s7  }
0x10: {  	[smem:$0x3FB0] =	sst s8  }
0x11: {  	[smem:$0x3FB1] =	sst s9;
	s0 =	simm.s32 @!p0 $0x0  }
0x12: {  	s1 =	sld [smem:$0x3F97];
	s0 =	simm.s32 @p0 $0x1  }
0x13: {  	[smem:$0x3FB2] =	sst s0;
	s0 =	simm.s32 @!p1 $0x0  }
0x14: {  	s2 =	sld [smem:$0x3F96];
	s0 =	simm.s32 @p1 $0x1  }
0x15: {  	[smem:$0x3FB3] =	sst s0;
	s0 =	simm.s32 @!p2 $0x0  }
0x16: {  	s3 =	sld [smem:$0x3FDB];
	s0 =	simm.s32 @p2 $0x1  }
0x17: {  	s4 =	simm.s32 $0x1BF5;
	[smem:$0x3FB5] =	sst s0  }
0x18: {  	s0 =	sld [smem:$0x3F98];
	_ =	swait.ge [sflag:s4], $0x0  }
0x19: {  	s7 =	sld [smem:$0x3F99]  }
0x1a: {  	s8 =	sadd.s32 $0xFFFFE003, lr  }
0x1b: {  	s9 =	sadd.s32 $0xFFFFFEF7, lr;
	s5 =	simm.s32 $0xFFFFFFFF;
	p2 =	slt.u32 s8, $0xFFFFF086  }
0x1c: {  	p1 =	slt.u32 s9, $0xF7A;
	s5 =	simm.s32 @!p2 $0x0  }
0x1d: {  	s5 =	simm.s32 @p1 $0x1;
	p0 =	seq.s32 s7, s2  }
0x1e: {  	s7 =	smul.u32 @!p0 $0xF7A, s2;
	p2 =	seq.s32 @!p0 s5, $0x0  }
0x1f: {  	s9 =	smul.u32 $0xF7A, s1;
	s8 =	simm.s32 @!p0 $0x1BF5;
	p2 =	por !p2, p0  }
0x20: {  	[sflag:s8] =	ssyncset.s32 @!p0 $0xFFFFF086;
	s6 =	sadd.s32 @!p0 s3, s7;
	s7 =	simm.s32 @!p0 $0x108  }
0x21: {  	s3 =	sadd.s32 s3, s9;
	s6 =	sadd.s32 @!p0 $0x88, s6;
	s7 =	simm.s32 @p2 $0x1082  }
0x22: {  	[simem:s7], [sflag:s8] =	dma.local @!p0 [hbm:s6], $0xF7A  }
0x23: {  	s9 =	sor.u32 $0xD0000000, s2;
	s6 =	simm.s32 $0x108;
	_ =	swait.ge @!p0 [sflag:s8], $0x0  }
0x24: {  	s3 =	sadd.s32 $0x88, s3;
	s6 =	simm.s32 @!p1 $0x1082;
	[sflag:s4] =	ssyncset.s32 $0xFFFFF086  }
0x25: {  	[simem:s6], [sflag:s4] =	dma.local [hbm:s3], $0xF7A  }
0x26: {  	[smem:$0x3F99] =	sst s1;
	(tag) =	ssettag s2;
	_ =	strace s9  }
0x27: {  	s1 =	sld [smem:$0x3FA9]  }
0x28: {  	s2 =	sld [smem:$0x3FAA]  }
0x29: {  	s4 =	sld [smem:$0x3FAC]  }
0x2a: {  	p0 =	seq.s32 s5, $0x0;
	s5 =	sld [smem:$0x3FAD]  }
0x2b: {  	s6 =	sld [smem:$0x3FAE]  }
0x2c: {  	s7 =	sld [smem:$0x3FAF]  }
0x2d: {  	s3 =	simm.s32 $0x108;
	s8 =	sld [smem:$0x3FB0]  }
0x2e: {  	s3 =	simm.s32 @!p0 $0x1082;
	s9 =	sld [smem:$0x3FB1]  }
0x2f: {  	lr =	sadd.s32 s0, s3;
	s0 =	sld [smem:$0x3FA8]  }
0x30: {  	s3 =	sld [smem:$0x3FAB]  }
0x31: {  	[smem:$0x3FB4] =	sst s10  }
0x32: {  	s10 =	sld [smem:$0x3FB2];
	_ =	sdelay $0x3  }
0x33: {  	p0 =	seq.s32 s10, $0x1;
	s10 =	sld [smem:$0x3FB4];
	_ =	sdelay $0x3  }
0x34: {  	[smem:$0x3FB4] =	sst s10  }
0x35: {  	s10 =	sld [smem:$0x3FB3];
	_ =	sdelay $0x3  }
0x36: {  	p1 =	seq.s32 s10, $0x1;
	s10 =	sld [smem:$0x3FB4];
	_ =	sdelay $0x3  }
0x37: {  	[smem:$0x3FB4] =	sst s10  }
0x38: {  	s10 =	sld [smem:$0x3FB5]  }
0x39: {  	_ = 	snop;
	(pc) =	sbr.ind lr, $3  }
0x3a: {  	_ = 	snop  }
0x3b: {  	_ = 	snop  }
0x3c: {  	p2 =	seq.s32 s10, $0x1;
	s10 =	sld [smem:$0x3FB4]  }
0x3d: {  	_ =	shalt  }
0x3e: {  	_ =	shalt  }
0x3f: {  	_ =	shalt  }
0x40: {  	_ =	shalt  }
0x41: {  	_ =	shalt  }
0x42: {  	_ =	shalt  }
0x43: {  	_ =	shalt  }
0x44: {  	_ =	shalt  }
0x45: {  	_ =	shalt  }
0x46: {  	_ =	shalt  }
0x47: {  	_ =	shalt  }
0x48: {  	_ =	shalt  }
0x49: {  	_ =	shalt  }
0x4a: {  	_ =	shalt  }
0x4b: {  	_ =	shalt  }
0x4c: {  	_ =	shalt  }
0x4d: {  	_ =	shalt  }
0x4e: {  	_ =	shalt  }
0x4f: {  	_ =	shalt  }
0x50: {  	_ =	shalt  }
0x51: {  	_ =	shalt  }
0x52: {  	_ =	shalt  }
0x53: {  	_ =	shalt  }
0x54: {  	_ =	shalt  }
0x55: {  	_ =	shalt  }
0x56: {  	_ =	shalt  }
0x57: {  	_ =	shalt  }
0x58: {  	_ =	shalt  }
0x59: {  	_ =	shalt  }
0x5a: {  	_ =	shalt  }
0x5b: {  	_ =	shalt  }
0x5c: {  	_ =	shalt  }
0x5d: {  	_ =	shalt  }
0x5e: {  	_ =	shalt  }
0x5f: {  	_ =	shalt  }
0x60: {  	_ =	shalt  }
0x61: {  	_ =	shalt  }
0x62: {  	_ =	shalt  }
0x63: {  	_ =	shalt  }
0x64: {  	_ =	shalt  }
0x65: {  	_ =	shalt  }
0x66: {  	_ =	shalt  }
0x67: {  	_ =	shalt  }
0x68: {  	_ =	shalt  }
0x69: {  	_ =	shalt  }
0x6a: {  	_ =	shalt  }
0x6b: {  	_ =	shalt  }
0x6c: {  	_ =	shalt  }
0x6d: {  	_ =	shalt  }
0x6e: {  	_ =	shalt  }
0x6f: {  	_ =	shalt  }
0x70: {  	_ =	shalt  }
0x71: {  	_ =	shalt  }
0x72: {  	_ =	shalt  }
0x73: {  	_ =	shalt  }
0x74: {  	_ =	shalt  }
0x75: {  	_ =	shalt  }
0x76: {  	_ =	shalt  }
0x77: {  	_ =	shalt  }
0x78: {  	_ =	shalt  }
0x79: {  	_ =	shalt  }
0x7a: {  	_ =	shalt  }
0x7b: {  	_ =	shalt  }
0x7c: {  	_ =	shalt  }
0x7d: {  	_ =	shalt  }
0x7e: {  	_ =	shalt  }
0x7f: {  	_ =	shalt  }
0x80: {  	_ =	shalt  }
0x81: {  	_ =	shalt  }
0x82: {  	_ =	shalt  }
0x83: {  	_ =	shalt  }
0x84: {  	_ =	shalt  }
0x85: {  	_ =	shalt  }
0x86: {  	_ =	shalt  }
0x87: {  	_ =	shalt  }
.Lfunc_end0:
.L_simem_size_0:
called_computation_lowered:
.L_overlay_start_0:
0x88: {  	s2 =	sld [smem:$0x3FD9]  }
0x89: {  	s3 =	sld [smem:$0x3FFE];
	_ =	sdelay $0x1  }
0x8a: {  	s1 =	srdreg.scid  }
0x8b: {  	s0 =	sand.u32 $0x1, s1  }
0x8c: {  	s17 =	sshll.u32 s0, $0xA;
	s2 =	sadd.s32 s3, s2  }
0x8d: {  	s2 =	sadd.s32 s2, s17  }
0x8e: {  	[smem:$0x3FC0] =	sst s2  }
0x8f: {  	_ = 	snop  }
0x90: {  	s2 =	sld [smem:$0x3FD0];
	(tm) =	ssettm $0x1  }
0x91: {  	s18 =	sld [smem:$0x3FFB];
	_ =	sdelay $0x3  }
0x92: {  	_ =	strace s18  }
0x93: {  	s3 =	sld [smem:$0x3FFC];
	_ =	sdelay $0x3  }
0x94: {  	_ =	strace s3  }
0x95: {  	s3 =	sld [smem:$0x3FFD];
	_ =	sdelay $0x3  }
0x96: {  	_ =	strace s3  }
0x97: {  	_ =	strace $0x8FFFFFFF  }
0x98: {  	s19 =	sld [smem:$0x3FDB];
	_ =	sdelay $0x1  }
0x99: {  	s4 =	simm.s32 $_scs_section_size  }
0x9a: {  	s5 =	simm.s32 $_size__tile_overlayer_lowered;
	s6 =	simm.s32 $_tile_overlayer_lowered  }
0x9b: {  	s22 =	simm.s32 $0x1BFF;
	s21 =	sshll.u32 s6, $0x1;
	s3 =	sadd.s32 s4, s19  }
0x9c: {  	s7 =	simm.s32 $0x0;
	s20 =	sshll.u32 s5, $0x1;
	s5 =	sadd.s32 s21, s3  }
0x9d: {  	[timem:s7], [sflag:s22] =	dma.local [hbm:s5], s20  }
0x9e: {  	_ =	swait.ge [sflag:s22], s20  }
0x9f: {  	s4 =	ssub.s32 $0x0, s20;
	[sflag:s22] =	ssyncset.done $0x0  }
0xa0: {  	[sflag:s22] =	ssyncadd.s32 s4;
	_ =	sdelay $0x1  }
0xa1: {  	s23 =	simm.s32 $0x1B8B  }
0xa2: {  	_ =	swait.ge [sflag:s23], $0x1  }
0xa3: {  	[sflag:s23] =	ssyncset.done $0x0  }
0xa4: {  	s25 =	simm.s32 $0x1B8E;
	s24 =	sld [smem:$0x3FFE];
	[sflag:s23] =	ssyncadd.s32 $0xFFFFFFFF  }
0xa5: {  	s26 =	simm.s32 $execute0_lowered;
	[smem:$0x3FD2] =	sst s25  }
0xa6: {  	s5 =	sshll.u32 s26, $0x1;
	_ =	strace $0x80000046;
	[dreg:$0x1] =	wrdreg $0xFFFFFFFF  }
0xa7: {  	s28 =	simm.s32 $_size_execute0_lowered;
	s3 =	sadd.s32 s3, s5;
	[dreg:$0x0] =	wrdreg $0x0  }
0xa8: {  	s5 =	sshll.u32 s28, $0x1;
	[dreg:$0x2] =	wrdreg s3  }
0xa9: {  	[dreg:$0x3] =	wrdreg s5  }
0xaa: {  	[dreg:$0x4] =	wrdreg $0xC0  }
0xab: {  	_ =	task [dreg:s7], $0x5FFFF  }
0xac: {  	[dreg:$0x1] =	wrdreg $0xFFFFFFFF  }
0xad: {  	[dreg:$0x0] =	wrdreg $0x60  }
0xae: {  	[dreg:$0x2] =	wrdreg s2  }
0xaf: {  	[dreg:$0x3] =	wrdreg s24  }
0xb0: {  	[dreg:$0x4] =	wrdreg $0x9  }
0xb1: {  	_ =	task.clear_ibuf [dreg:s7], $0x5FFFF;
	_ =	strace $0x90000046  }
0xb2: {  	s29 =	simm.s32 $0x9;
	_ =	strace $0x80000048  }
0xb3: {  	_ =	swait.ge [sflag:s29], $0x1  }
0xb4: {  	[sflag:s29] =	ssyncadd.s32 $0xFFFFFFFF  }
0xb5: {  	_ =	strace $0x90000048  }
0xb6: {  	_ =	sfence  }
0xb7: {  	s30 =	sld [smem:$0x0];
	_ =	sdelay $0x2  }
0xb8: {  	s31 =	sshll.u32 s1, $0xD;
	s1 =	sshrl.u32 s1, $0x2  }
0xb9: {  	s3 =	sand.u32 $0x4000, s31;
	s1 =	sadd.s32 s1, s30  }
0xba: {  	s0 =	sor.u32 s3, s0;
	s1 =	sshll.u32 s1, $0x11  }
0xbb: {  	s0 =	sor.u32 s1, s0  }
0xbc: {  	s0 =	sadd.s32 $0x8F2B, s0  }
0xbd: {  	[sflag:s0] =	ssyncadd.remote.s32 $0x1  }
0xbe: {  	_ =	sfence.sel $0xFFFF  }
0xbf: {  	[dreg:$0x0] =	wrdreg $0xFFFFFFFF;
	(pc) =	sbr.abs _section_cstart, $3  }
0xc0: {  	[dreg:$0x1] =	wrdreg $0xFFFFFFFF  }
0xc1: {  	_ =	task.clear_ibuf [dreg:s7], $0x2FFFF;
	_ =	strace $0x9FFFFFFF  }
0xc2: {  	(tm) =	ssettm $0x7FFFFFFF  }
0xc3: {  	_ =	shalt  }
tec
execute0_lowered:
.L_overlay_start_1:
0x0: {  	(tag) =	ssettag $0x1  }
0x1: {  	s3 =	rddreg [dreg:$0x0]  }
0x2: {  	s4 =	rddreg [dreg:$0x1];
	s2 =	srdreg.scid  }
0x3: {  	s0 =	rddreg [dreg:$0x2];
	s1 =	stileid.u32;
	s5 =	sand.u32 $0x1, s2  }
0x4: {  	s2 =	simm.s32 $0x0;
	s6 =	sshll.u32 s1, $0xD;
	s7 =	sshll.u32 s5, $0xC  }
0x5: {  	[smem:$0x7FF] =	sst s2;
	s5 =	ssub.s32 $0x2, s5;
	s6 =	sor.u32 s7, s6  }
0x6: {  	_ =	strace $0x80000047;
	s31 =	sshrl.u32 s5, $0x1;
	s7 =	simm.s32 $0x0  }
0x7: {  	s4 =	sadd.s32 s6, s4;
	s5 =	ssub.s32 s5, s31;
	s3 =	sadd.s32 s3, s6  }
0x8: {  	s6 =	simm.s32 $0x1;
	s4 =	sadd.s32 $0x1400, s4;
	s5 =	smax.u32 s5, $0x1  }
.LBB2_1:
0x9: {  	[tilespmem:s2], [sflag:$0x1] =	stream.linear.gather [hbm4b:s3+s2], $0x8000, $0x38;
	[tilespmem:$0x8000] =	vst v63  }
0xa: {  	_ =	swait.ge [sflag:s6], $0x8000  }
0xb: {  	[sflag:s6] =	ssyncset.done $0x0  }
0xc: {  	s10 =	simm.s32 $0x0;
	[sflag:s6] =	ssyncadd.s32 $0xFFFF8000  }
0xd: {  	v0 =	vld [tilespmem:s10+$0x70]  }
0xe: {  	v1 =	vld [tilespmem:s10+$0x0]  }
0xf: {  	v2 =	vld [tilespmem:s10+$0x10]  }
0x10: {  	v5 =	vld [tilespmem:s10+$0x20]  }
0x11: {  	v6 =	vld [tilespmem:s10+$0x30]  }
0x12: {  	v3 =	vimm.f32 $-3.000000010e+38;
	v4 =	vimm.f32 $-3.000000010e+38;
	v8 =	vld [tilespmem:s10+$0x40]  }
0x13: {  	v10 =	vimm.f32 $-3.000000010e+38;
	v11 =	vimm.f32 $-3.000000010e+38;
	v9 =	vimm.f32 $-3.000000010e+38;
	v12 =	vld [tilespmem:s10+$0x50]  }
0x14: {  	s8 =	simm.s32 $0x80;
	s9 =	simm.s32 $0x400;
	v13 =	vld [tilespmem:s10+$0x60];
	v0 =	vmax.f32 v3, v0;
	v1 =	vmax.f32 v3, v1;
	v2 =	vmax.f32 v3, v2  }
.LBB2_2:
0x15: {  	p0 =	sne.s32 s9, $0x1FE00;
	v7 =	vld [tilespmem:s8+$0x70];
	v3 =	vmax.f32 v3, v5  }
0x16: {  	v14 =	vld [tilespmem:s8+$0x0];
	v4 =	vmax.f32 v4, v6  }
0x17: {  	v15 =	vld [tilespmem:s8+$0x10];
	v10 =	vmax.f32 v10, v8  }
.Ltmp0:
0x18: {  	v5 =	vld [tilespmem:s8+$0x20];
	v11 =	vmax.f32 v11, v12;
	(pc) =	sbr.rel @p0 .LBB2_2-.Ltmp0, $4  }
0x19: {  	v6 =	vld [tilespmem:s8+$0x30];
	v9 =	vmax.f32 v9, v13  }
0x1a: {  	v8 =	vld [tilespmem:s8+$0x40];
	v0 =	vmax.f32 v0, v7  }
0x1b: {  	v1 =	vmax.f32 v1, v14;
	v12 =	vld [tilespmem:s8+$0x50]  }
0x1c: {  	v2 =	vmax.f32 v2, v15;
	v13 =	vld [tilespmem:s8+$0x60];
	s8 =	sshra.s32 s9, $0x2;
	s9 =	sadd.s32 $0x200, s9  }
0x1d: {  	v14 =	vld [tilespmem:s8+$0x70]  }
0x1e: {  	v15 =	vld [tilespmem:s8+$0x0]  }
0x1f: {  	v16 =	vld [tilespmem:s8+$0x10]  }
0x20: {  	v17 =	vld [tilespmem:s8+$0x20]  }
0x21: {  	v18 =	vld [tilespmem:s8+$0x30]  }
0x22: {  	v19 =	vld [tilespmem:s8+$0x40]  }
0x23: {  	v20 =	vld [tilespmem:s8+$0x50]  }
0x24: {  	v21 =	vld [tilespmem:s8+$0x60];
	s8 =	simm.s32 $0x0  }
0x25: {  	v22 =	vld [tilespmem:s8+$0x0]  }
0x26: {  	v3 =	vmax.f32 v3, v5;
	p1 =	por $0x1, $0x1;
	v7 =	vld [tilespmem:s8+$0x10]  }
.Ltmp1:
0x27: {  	v4 =	vmax.f32 v4, v6;
	v5 =	vld [tilespmem:s8+$0x20];
	v23 =	vmax.f32 v10, v8;
	v12 =	vmax.f32 v11, v12;
	(pc) =	sbr.rel @!p1 .LBB2_5-.Ltmp1, $4  }
0x28: {  	v8 =	vld [tilespmem:s8+$0x30];
	v13 =	vmax.f32 v9, v13;
	v0 =	vmax.f32 v0, v14;
	v9 =	vmax.f32 v1, v15  }
0x29: {  	v10 =	vld [tilespmem:s8+$0x40];
	v11 =	vmax.f32 v2, v16;
	v6 =	vmax.f32 v3, v17;
	v4 =	vmax.f32 v4, v18  }
0x2a: {  	v3 =	vmax.f32 v23, v19;
	v1 =	vmax.f32 v12, v20;
	v12 =	vld [tilespmem:s8+$0x50];
	vm0 =	veq.f32 v22, v9  }
0x2b: {  	s10 =	simm.s32 $0x200;
	s9 =	simm.s32 $0x0;
	v2 =	vmax.f32 v13, v21;
	v13 =	vld [tilespmem:s8+$0x60];
	v14 =	vsel vm0, $0xF149F2CA, v22;
	vm0 =	veq.f32 v7, v11  }
.LBB2_4:
0x2c: {  	s11 =	sshra.s32 s10, $0x2;
	p0 =	sne.s32 s10, $0x1FE00;
	[tilespmem:s9+$0x0] =	vst v14;
	v7 =	vsel vm0, $0xF149F2CA, v7;
	vm0 =	veq.f32 v5, v6;
	v14 =	vld [tilespmem:s9+$0x70]  }
0x2d: {  	v15 =	vld [tilespmem:s11+$0x0];
	[tilespmem:s9+$0x10] =	vst v7;
	v5 =	vsel vm0, $0xF149F2CA, v5;
	vm0 =	veq.f32 v8, v4  }
0x2e: {  	v7 =	vld [tilespmem:s11+$0x10];
	[tilespmem:s9+$0x20] =	vst v5;
	v8 =	vsel vm0, $0xF149F2CA, v8;
	vm0 =	veq.f32 v10, v3  }
.Ltmp2:
0x2f: {  	v5 =	vld [tilespmem:s11+$0x20];
	[tilespmem:s9+$0x30] =	vst v8;
	v10 =	vsel vm0, $0xF149F2CA, v10;
	vm0 =	veq.f32 v12, v1;
	(pc) =	sbr.rel @p0 .LBB2_4-.Ltmp2, $4  }
0x30: {  	v8 =	vld [tilespmem:s11+$0x30];
	[tilespmem:s9+$0x40] =	vst v10;
	v12 =	vsel vm0, $0xF149F2CA, v12;
	vm0 =	veq.f32 v13, v2  }
0x31: {  	v10 =	vld [tilespmem:s11+$0x40];
	[tilespmem:s9+$0x50] =	vst v12;
	v13 =	vsel vm0, $0xF149F2CA, v13;
	vm0 =	veq.f32 v14, v0  }
0x32: {  	vm1 =	veq.f32 v15, v9;
	v12 =	vld [tilespmem:s11+$0x50];
	[tilespmem:s9+$0x60] =	vst v13;
	v16 =	vsel vm0, $0xF149F2CA, v14  }
0x33: {  	s10 =	sadd.s32 $0x200, s10;
	v14 =	vsel vm1, $0xF149F2CA, v15;
	vm0 =	veq.f32 v7, v11;
	v13 =	vld [tilespmem:s11+$0x60];
	[tilespmem:s9+$0x70] =	vst v16;
	s9 =	smov.u32 s11  }
.LBB2_5:
0x34: {  	[tilespmem:s9+$0x0] =	vst v14;
	v7 =	vsel vm0, $0xF149F2CA, v7;
	vm10 =	veq.f32 v5, v6;
	v63 =	vld [tilespmem:s9+$0x70]  }
0x35: {  	[tilespmem:s9+$0x10] =	vst v7;
	v5 =	vsel vm10, $0xF149F2CA, v5;
	vm11 =	veq.f32 v8, v4  }
0x36: {  	[tilespmem:s9+$0x20] =	vst v5;
	v4 =	vsel vm11, $0xF149F2CA, v8;
	vm12 =	veq.f32 v10, v3  }
.Ltmp3:
0x37: {  	[tilespmem:s9+$0x30] =	vst v4;
	v3 =	vsel vm12, $0xF149F2CA, v10;
	vm13 =	veq.f32 v12, v1;
	(pc) =	sbr.rel @!p1 .LBB2_6-.Ltmp3, $4  }
0x38: {  	[tilespmem:s9+$0x40] =	vst v3;
	v1 =	vsel vm13, $0xF149F2CA, v12;
	vm14 =	veq.f32 v13, v2  }
0x39: {  	[tilespmem:s9+$0x50] =	vst v1;
	v1 =	vsel vm14, $0xF149F2CA, v13;
	vm15 =	veq.f32 v63, v0  }
0x3a: {  	[tilespmem:s9+$0x60] =	vst v1;
	v0 =	vsel vm15, $0xF149F2CA, v63  }
0x3b: {  	p0 =	por $0x0, $0x0;
	[tilespmem:s9+$0x70] =	vst v0;
	v0 =	vimm.f32 $-3.000000010e+38  }
0x3c: {  	v1 =	vld [tilespmem:s8+$0x70]  }
0x3d: {  	v2 =	vld [tilespmem:s8+$0x0]  }
0x3e: {  	v3 =	vld [tilespmem:s8+$0x10];
	p1 =	por $0x1, $0x1  }
.Ltmp4:
0x3f: {  	v6 =	vld [tilespmem:s8+$0x20];
	(pc) =	sbr.rel @!p1 .LBB2_8-.Ltmp4, $4  }
0x40: {  	v7 =	vld [tilespmem:s8+$0x30]  }
0x41: {  	v8 =	vld [tilespmem:s8+$0x40];
	v5 =	vimm.f32 $-3.000000010e+38;
	v9 =	vimm.f32 $-3.000000010e+38  }
0x42: {  	v10 =	vld [tilespmem:s8+$0x50];
	v11 =	vimm.f32 $-3.000000010e+38;
	v12 =	vimm.f32 $-3.000000010e+38;
	v1 =	vmax.f32 v0, v1  }
0x43: {  	s9 =	simm.s32 $0x80;
	s10 =	simm.s32 $0x400;
	v13 =	vld [tilespmem:s8+$0x60];
	p0 =	por $0x1, $0x1;
	v2 =	vmax.f32 v0, v2;
	v4 =	vmax.f32 v0, v3;
	v3 =	vimm.f32 $-3.000000010e+38  }
.LBB2_9:
0x44: {  	p1 =	sne.s32 s10, $0x1FE00;
	v14 =	vld [tilespmem:s9+$0x70];
	v3 =	vmax.f32 v3, v6  }
0x45: {  	v15 =	vld [tilespmem:s9+$0x0];
	v5 =	vmax.f32 v5, v7  }
0x46: {  	v16 =	vld [tilespmem:s9+$0x10];
	v9 =	vmax.f32 v9, v8  }
.Ltmp5:
0x47: {  	v6 =	vld [tilespmem:s9+$0x20];
	v11 =	vmax.f32 v11, v10;
	(pc) =	sbr.rel @p1 .LBB2_9-.Ltmp5, $4  }
0x48: {  	v7 =	vld [tilespmem:s9+$0x30];
	v12 =	vmax.f32 v12, v13  }
0x49: {  	v8 =	vld [tilespmem:s9+$0x40];
	v1 =	vmax.f32 v1, v14  }
0x4a: {  	v2 =	vmax.f32 v2, v15;
	v10 =	vld [tilespmem:s9+$0x50]  }
0x4b: {  	v4 =	vmax.f32 v4, v16;
	v13 =	vld [tilespmem:s9+$0x60];
	s9 =	sshra.s32 s10, $0x2;
	s10 =	sadd.s32 $0x200, s10  }
0x4c: {  	s8 =	smov.u32 s9  }
.LBB2_11:
0x4d: {  	v14 =	vld [tilespmem:s8+$0x70]  }
0x4e: {  	v15 =	vld [tilespmem:s8+$0x0]  }
0x4f: {  	v16 =	vld [tilespmem:s8+$0x10]  }
0x50: {  	v17 =	vld [tilespmem:s8+$0x20]  }
0x51: {  	v18 =	vld [tilespmem:s8+$0x30]  }
0x52: {  	v19 =	vld [tilespmem:s8+$0x40]  }
0x53: {  	v20 =	vld [tilespmem:s8+$0x50]  }
0x54: {  	v21 =	vld [tilespmem:s8+$0x60];
	s8 =	simm.s32 $0x0  }
0x55: {  	v3 =	vmax.f32 @p0 v3, v6;
	v5 =	vmax.f32 @p0 v5, v7;
	v6 =	vmax.f32 @p0 v9, v8;
	v22 =	vld [tilespmem:s8+$0x0]  }
0x56: {  	p1 =	por $0x1, $0x1;
	v9 =	vld [tilespmem:s8+$0x10];
	v3 =	vpsel p0, v3, v0;
	v5 =	vpsel p0, v5, v0;
	v8 =	vmax.f32 @p0 v11, v10  }
.Ltmp6:
0x57: {  	v7 =	vld [tilespmem:s8+$0x20];
	v11 =	vmax.f32 @p0 v12, v13;
	v12 =	vpsel p0, v6, v0;
	v13 =	vpsel p0, v8, v0;
	(pc) =	sbr.rel @!p1 .LBB2_13-.Ltmp6, $4  }
0x58: {  	v10 =	vld [tilespmem:s8+$0x30];
	v1 =	vmax.f32 v1, v14;
	v2 =	vmax.f32 v2, v15;
	v4 =	vmax.f32 v4, v16  }
0x59: {  	v14 =	vpsel p0, v11, v0;
	v8 =	vmax.f32 v3, v17;
	v6 =	vmax.f32 v5, v18;
	v11 =	vld [tilespmem:s8+$0x40]  }
0x5a: {  	v5 =	vmax.f32 v12, v19;
	v0 =	vmax.f32 v13, v20;
	v12 =	vld [tilespmem:s8+$0x50];
	vm0 =	veq.f32 v22, v2  }
0x5b: {  	s10 =	simm.s32 $0x200;
	s9 =	simm.s32 $0x0;
	v13 =	vld [tilespmem:s8+$0x60];
	v3 =	vmax.f32 v14, v21;
	v14 =	vsel vm0, $0xF149F2CA, v22;
	vm0 =	veq.f32 v9, v4  }
.LBB2_12:
0x5c: {  	s11 =	sshra.s32 s10, $0x2;
	p0 =	sne.s32 s10, $0x1FE00;
	[tilespmem:s9+$0x0] =	vst v14;
	v9 =	vsel vm0, $0xF149F2CA, v9;
	vm0 =	veq.f32 v7, v8;
	v14 =	vld [tilespmem:s9+$0x70]  }
0x5d: {  	v15 =	vld [tilespmem:s11+$0x0];
	[tilespmem:s9+$0x10] =	vst v9;
	v7 =	vsel vm0, $0xF149F2CA, v7;
	vm0 =	veq.f32 v10, v6  }
0x5e: {  	v9 =	vld [tilespmem:s11+$0x10];
	[tilespmem:s9+$0x20] =	vst v7;
	v10 =	vsel vm0, $0xF149F2CA, v10;
	vm0 =	veq.f32 v11, v5  }
.Ltmp7:
0x5f: {  	v7 =	vld [tilespmem:s11+$0x20];
	[tilespmem:s9+$0x30] =	vst v10;
	v11 =	vsel vm0, $0xF149F2CA, v11;
	vm0 =	veq.f32 v12, v0;
	(pc) =	sbr.rel @p0 .LBB2_12-.Ltmp7, $4  }
0x60: {  	v10 =	vld [tilespmem:s11+$0x30];
	[tilespmem:s9+$0x40] =	vst v11;
	v12 =	vsel vm0, $0xF149F2CA, v12;
	vm0 =	veq.f32 v13, v3  }
0x61: {  	v11 =	vld [tilespmem:s11+$0x40];
	[tilespmem:s9+$0x50] =	vst v12;
	v13 =	vsel vm0, $0xF149F2CA, v13;
	vm0 =	veq.f32 v14, v1  }
0x62: {  	vm1 =	veq.f32 v15, v2;
	v12 =	vld [tilespmem:s11+$0x50];
	[tilespmem:s9+$0x60] =	vst v13;
	v16 =	vsel vm0, $0xF149F2CA, v14  }
0x63: {  	s10 =	sadd.s32 $0x200, s10;
	v14 =	vsel vm1, $0xF149F2CA, v15;
	vm0 =	veq.f32 v9, v4;
	v13 =	vld [tilespmem:s11+$0x60];
	[tilespmem:s9+$0x70] =	vst v16;
	s9 =	smov.u32 s11  }
.LBB2_13:
0x64: {  	[tilespmem:s9+$0x0] =	vst v14;
	v2 =	vsel vm0, $0xF149F2CA, v9;
	vm10 =	veq.f32 v7, v8;
	v4 =	vld [tilespmem:s9+$0x70]  }
0x65: {  	[tilespmem:s9+$0x10] =	vst v2;
	v2 =	vsel vm10, $0xF149F2CA, v7;
	vm11 =	veq.f32 v10, v6  }
0x66: {  	[tilespmem:s9+$0x20] =	vst v2;
	v2 =	vsel vm11, $0xF149F2CA, v10;
	vm12 =	veq.f32 v11, v5  }
.Ltmp8:
0x67: {  	[tilespmem:s9+$0x30] =	vst v2;
	v2 =	vsel vm12, $0xF149F2CA, v11;
	vm13 =	veq.f32 v12, v0;
	(pc) =	sbr.rel @!p1 .LBB2_14-.Ltmp8, $4  }
0x68: {  	[tilespmem:s9+$0x40] =	vst v2;
	v0 =	vsel vm13, $0xF149F2CA, v12;
	vm14 =	veq.f32 v13, v3  }
0x69: {  	[tilespmem:s9+$0x50] =	vst v0;
	v0 =	vsel vm14, $0xF149F2CA, v13;
	vm15 =	veq.f32 v4, v1  }
0x6a: {  	[tilespmem:s9+$0x60] =	vst v0;
	v0 =	vsel vm15, $0xF149F2CA, v4  }
0x6b: {  	p0 =	por $0x0, $0x0;
	[tilespmem:s9+$0x70] =	vst v0;
	v0 =	vimm.f32 $-3.000000010e+38  }
0x6c: {  	v1 =	vld [tilespmem:s8+$0x70]  }
0x6d: {  	v2 =	vld [tilespmem:s8+$0x0]  }
0x6e: {  	v3 =	vld [tilespmem:s8+$0x10];
	p1 =	por $0x1, $0x1  }
.Ltmp9:
0x6f: {  	v6 =	vld [tilespmem:s8+$0x20];
	(pc) =	sbr.rel @!p1 .LBB2_16-.Ltmp9, $4  }
0x70: {  	v7 =	vld [tilespmem:s8+$0x30]  }
0x71: {  	v8 =	vld [tilespmem:s8+$0x40];
	v5 =	vimm.f32 $-3.000000010e+38;
	v9 =	vimm.f32 $-3.000000010e+38  }
0x72: {  	v10 =	vld [tilespmem:s8+$0x50];
	v11 =	vimm.f32 $-3.000000010e+38;
	v12 =	vimm.f32 $-3.000000010e+38;
	v1 =	vmax.f32 v0, v1  }
0x73: {  	s9 =	simm.s32 $0x80;
	s10 =	simm.s32 $0x400;
	v13 =	vld [tilespmem:s8+$0x60];
	p0 =	por $0x1, $0x1;
	v2 =	vmax.f32 v0, v2;
	v4 =	vmax.f32 v0, v3;
	v3 =	vimm.f32 $-3.000000010e+38  }
.LBB2_17:
0x74: {  	p1 =	sne.s32 s10, $0x1FE00;
	v14 =	vld [tilespmem:s9+$0x70];
	v3 =	vmax.f32 v3, v6  }
0x75: {  	v15 =	vld [tilespmem:s9+$0x0];
	v5 =	vmax.f32 v5, v7  }
0x76: {  	v16 =	vld [tilespmem:s9+$0x10];
	v9 =	vmax.f32 v9, v8  }
.Ltmp10:
0x77: {  	v6 =	vld [tilespmem:s9+$0x20];
	v11 =	vmax.f32 v11, v10;
	(pc) =	sbr.rel @p1 .LBB2_17-.Ltmp10, $4  }
0x78: {  	v7 =	vld [tilespmem:s9+$0x30];
	v12 =	vmax.f32 v12, v13  }
0x79: {  	v8 =	vld [tilespmem:s9+$0x40];
	v1 =	vmax.f32 v1, v14  }
0x7a: {  	v2 =	vmax.f32 v2, v15;
	v10 =	vld [tilespmem:s9+$0x50]  }
0x7b: {  	v4 =	vmax.f32 v4, v16;
	v13 =	vld [tilespmem:s9+$0x60];
	s9 =	sshra.s32 s10, $0x2;
	s10 =	sadd.s32 $0x200, s10  }
0x7c: {  	s8 =	smov.u32 s9  }
.LBB2_19:
0x7d: {  	v14 =	vld [tilespmem:s8+$0x70]  }
0x7e: {  	v15 =	vld [tilespmem:s8+$0x0]  }
0x7f: {  	v16 =	vld [tilespmem:s8+$0x10]  }
0x80: {  	v17 =	vld [tilespmem:s8+$0x20]  }
0x81: {  	v18 =	vld [tilespmem:s8+$0x30]  }
0x82: {  	v19 =	vld [tilespmem:s8+$0x40]  }
0x83: {  	v20 =	vld [tilespmem:s8+$0x50]  }
0x84: {  	v21 =	vld [tilespmem:s8+$0x60];
	s8 =	simm.s32 $0x0  }
0x85: {  	v3 =	vmax.f32 @p0 v3, v6;
	v5 =	vmax.f32 @p0 v5, v7;
	v6 =	vmax.f32 @p0 v9, v8;
	v22 =	vld [tilespmem:s8+$0x0]  }
0x86: {  	p1 =	por $0x1, $0x1;
	v9 =	vld [tilespmem:s8+$0x10];
	v3 =	vpsel p0, v3, v0;
	v5 =	vpsel p0, v5, v0;
	v8 =	vmax.f32 @p0 v11, v10  }
.Ltmp11:
0x87: {  	v7 =	vld [tilespmem:s8+$0x20];
	v11 =	vmax.f32 @p0 v12, v13;
	v12 =	vpsel p0, v6, v0;
	v13 =	vpsel p0, v8, v0;
	(pc) =	sbr.rel @!p1 .LBB2_21-.Ltmp11, $4  }
0x88: {  	v10 =	vld [tilespmem:s8+$0x30];
	v1 =	vmax.f32 v1, v14;
	v2 =	vmax.f32 v2, v15;
	v4 =	vmax.f32 v4, v16  }
0x89: {  	v14 =	vpsel p0, v11, v0;
	v8 =	vmax.f32 v3, v17;
	v6 =	vmax.f32 v5, v18;
	v11 =	vld [tilespmem:s8+$0x40]  }
0x8a: {  	v5 =	vmax.f32 v12, v19;
	v0 =	vmax.f32 v13, v20;
	v12 =	vld [tilespmem:s8+$0x50];
	vm0 =	veq.f32 v22, v2  }
0x8b: {  	s10 =	simm.s32 $0x200;
	s9 =	simm.s32 $0x0;
	v13 =	vld [tilespmem:s8+$0x60];
	v3 =	vmax.f32 v14, v21;
	v14 =	vsel vm0, $0xF149F2CA, v22;
	vm0 =	veq.f32 v9, v4  }
.LBB2_20:
0x8c: {  	s11 =	sshra.s32 s10, $0x2;
	p0 =	sne.s32 s10, $0x1FE00;
	[tilespmem:s9+$0x0] =	vst v14;
	v9 =	vsel vm0, $0xF149F2CA, v9;
	vm0 =	veq.f32 v7, v8;
	v14 =	vld [tilespmem:s9+$0x70]  }
0x8d: {  	v15 =	vld [tilespmem:s11+$0x0];
	[tilespmem:s9+$0x10] =	vst v9;
	v7 =	vsel vm0, $0xF149F2CA, v7;
	vm0 =	veq.f32 v10, v6  }
0x8e: {  	v9 =	vld [tilespmem:s11+$0x10];
	[tilespmem:s9+$0x20] =	vst v7;
	v10 =	vsel vm0, $0xF149F2CA, v10;
	vm0 =	veq.f32 v11, v5  }
.Ltmp12:
0x8f: {  	v7 =	vld [tilespmem:s11+$0x20];
	[tilespmem:s9+$0x30] =	vst v10;
	v11 =	vsel vm0, $0xF149F2CA, v11;
	vm0 =	veq.f32 v12, v0;
	(pc) =	sbr.rel @p0 .LBB2_20-.Ltmp12, $4  }
0x90: {  	v10 =	vld [tilespmem:s11+$0x30];
	[tilespmem:s9+$0x40] =	vst v11;
	v12 =	vsel vm0, $0xF149F2CA, v12;
	vm0 =	veq.f32 v13, v3  }
0x91: {  	v11 =	vld [tilespmem:s11+$0x40];
	[tilespmem:s9+$0x50] =	vst v12;
	v13 =	vsel vm0, $0xF149F2CA, v13;
	vm0 =	veq.f32 v14, v1  }
0x92: {  	vm1 =	veq.f32 v15, v2;
	v12 =	vld [tilespmem:s11+$0x50];
	[tilespmem:s9+$0x60] =	vst v13;
	v16 =	vsel vm0, $0xF149F2CA, v14  }
0x93: {  	s10 =	sadd.s32 $0x200, s10;
	v14 =	vsel vm1, $0xF149F2CA, v15;
	vm0 =	veq.f32 v9, v4;
	v13 =	vld [tilespmem:s11+$0x60];
	[tilespmem:s9+$0x70] =	vst v16;
	s9 =	smov.u32 s11  }
.LBB2_21:
0x94: {  	[tilespmem:s9+$0x0] =	vst v14;
	v2 =	vsel vm0, $0xF149F2CA, v9;
	vm10 =	veq.f32 v7, v8;
	v4 =	vld [tilespmem:s9+$0x70]  }
0x95: {  	[tilespmem:s9+$0x10] =	vst v2;
	v2 =	vsel vm10, $0xF149F2CA, v7;
	vm11 =	veq.f32 v10, v6  }
0x96: {  	[tilespmem:s9+$0x20] =	vst v2;
	v2 =	vsel vm11, $0xF149F2CA, v10;
	vm12 =	veq.f32 v11, v5  }
.Ltmp13:
0x97: {  	[tilespmem:s9+$0x30] =	vst v2;
	v2 =	vsel vm12, $0xF149F2CA, v11;
	vm13 =	veq.f32 v12, v0;
	(pc) =	sbr.rel @!p1 .LBB2_22-.Ltmp13, $4  }
0x98: {  	[tilespmem:s9+$0x40] =	vst v2;
	v0 =	vsel vm13, $0xF149F2CA, v12;
	vm14 =	veq.f32 v13, v3  }
0x99: {  	[tilespmem:s9+$0x50] =	vst v0;
	v0 =	vsel vm14, $0xF149F2CA, v13;
	vm15 =	veq.f32 v4, v1  }
0x9a: {  	[tilespmem:s9+$0x60] =	vst v0;
	v0 =	vsel vm15, $0xF149F2CA, v4  }
0x9b: {  	p0 =	por $0x0, $0x0;
	[tilespmem:s9+$0x70] =	vst v0;
	v0 =	vimm.f32 $-3.000000010e+38  }
0x9c: {  	v1 =	vld [tilespmem:s8+$0x70]  }
0x9d: {  	v2 =	vld [tilespmem:s8+$0x0]  }
0x9e: {  	v3 =	vld [tilespmem:s8+$0x10];
	p1 =	por $0x1, $0x1  }
.Ltmp14:
0x9f: {  	v6 =	vld [tilespmem:s8+$0x20];
	(pc) =	sbr.rel @!p1 .LBB2_24-.Ltmp14, $4  }
0xa0: {  	v7 =	vld [tilespmem:s8+$0x30]  }
0xa1: {  	v8 =	vld [tilespmem:s8+$0x40];
	v5 =	vimm.f32 $-3.000000010e+38;
	v9 =	vimm.f32 $-3.000000010e+38  }
0xa2: {  	v10 =	vld [tilespmem:s8+$0x50];
	v11 =	vimm.f32 $-3.000000010e+38;
	v12 =	vimm.f32 $-3.000000010e+38;
	v1 =	vmax.f32 v0, v1  }
0xa3: {  	s9 =	simm.s32 $0x80;
	s10 =	simm.s32 $0x400;
	v13 =	vld [tilespmem:s8+$0x60];
	p0 =	por $0x1, $0x1;
	v2 =	vmax.f32 v0, v2;
	v4 =	vmax.f32 v0, v3;
	v3 =	vimm.f32 $-3.000000010e+38  }
.LBB2_25:
0xa4: {  	p1 =	sne.s32 s10, $0x1FE00;
	v14 =	vld [tilespmem:s9+$0x70];
	v3 =	vmax.f32 v3, v6  }
0xa5: {  	v15 =	vld [tilespmem:s9+$0x0];
	v5 =	vmax.f32 v5, v7  }
0xa6: {  	v16 =	vld [tilespmem:s9+$0x10];
	v9 =	vmax.f32 v9, v8  }
.Ltmp15:
0xa7: {  	v6 =	vld [tilespmem:s9+$0x20];
	v11 =	vmax.f32 v11, v10;
	(pc) =	sbr.rel @p1 .LBB2_25-.Ltmp15, $4  }
0xa8: {  	v7 =	vld [tilespmem:s9+$0x30];
	v12 =	vmax.f32 v12, v13  }
0xa9: {  	v8 =	vld [tilespmem:s9+$0x40];
	v1 =	vmax.f32 v1, v14  }
0xaa: {  	v2 =	vmax.f32 v2, v15;
	v10 =	vld [tilespmem:s9+$0x50]  }
0xab: {  	v4 =	vmax.f32 v4, v16;
	v13 =	vld [tilespmem:s9+$0x60];
	s9 =	sshra.s32 s10, $0x2;
	s10 =	sadd.s32 $0x200, s10  }
0xac: {  	s8 =	smov.u32 s9  }
.LBB2_27:
0xad: {  	v14 =	vld [tilespmem:s8+$0x70]  }
0xae: {  	v15 =	vld [tilespmem:s8+$0x0]  }
0xaf: {  	v16 =	vld [tilespmem:s8+$0x10]  }
0xb0: {  	v17 =	vld [tilespmem:s8+$0x20]  }
0xb1: {  	v18 =	vld [tilespmem:s8+$0x30]  }
0xb2: {  	v19 =	vld [tilespmem:s8+$0x40]  }
0xb3: {  	v20 =	vld [tilespmem:s8+$0x50]  }
0xb4: {  	v21 =	vld [tilespmem:s8+$0x60];
	s8 =	simm.s32 $0x0  }
0xb5: {  	v3 =	vmax.f32 @p0 v3, v6;
	v5 =	vmax.f32 @p0 v5, v7;
	v6 =	vmax.f32 @p0 v9, v8;
	v22 =	vld [tilespmem:s8+$0x0]  }
0xb6: {  	p1 =	por $0x1, $0x1;
	v9 =	vld [tilespmem:s8+$0x10];
	v3 =	vpsel p0, v3, v0;
	v5 =	vpsel p0, v5, v0;
	v8 =	vmax.f32 @p0 v11, v10  }
.Ltmp16:
0xb7: {  	v7 =	vld [tilespmem:s8+$0x20];
	v11 =	vmax.f32 @p0 v12, v13;
	v12 =	vpsel p0, v6, v0;
	v13 =	vpsel p0, v8, v0;
	(pc) =	sbr.rel @!p1 .LBB2_29-.Ltmp16, $4  }
0xb8: {  	v10 =	vld [tilespmem:s8+$0x30];
	v1 =	vmax.f32 v1, v14;
	v2 =	vmax.f32 v2, v15;
	v4 =	vmax.f32 v4, v16  }
0xb9: {  	v14 =	vpsel p0, v11, v0;
	v8 =	vmax.f32 v3, v17;
	v6 =	vmax.f32 v5, v18;
	v11 =	vld [tilespmem:s8+$0x40]  }
0xba: {  	v5 =	vmax.f32 v12, v19;
	v0 =	vmax.f32 v13, v20;
	v12 =	vld [tilespmem:s8+$0x50];
	vm0 =	veq.f32 v22, v2  }
0xbb: {  	s10 =	simm.s32 $0x200;
	s9 =	simm.s32 $0x0;
	v13 =	vld [tilespmem:s8+$0x60];
	v3 =	vmax.f32 v14, v21;
	v14 =	vsel vm0, $0xF149F2CA, v22;
	vm0 =	veq.f32 v9, v4  }
.LBB2_28:
0xbc: {  	s11 =	sshra.s32 s10, $0x2;
	p0 =	sne.s32 s10, $0x1FE00;
	[tilespmem:s9+$0x0] =	vst v14;
	v9 =	vsel vm0, $0xF149F2CA, v9;
	vm0 =	veq.f32 v7, v8;
	v14 =	vld [tilespmem:s9+$0x70]  }
0xbd: {  	v15 =	vld [tilespmem:s11+$0x0];
	[tilespmem:s9+$0x10] =	vst v9;
	v7 =	vsel vm0, $0xF149F2CA, v7;
	vm0 =	veq.f32 v10, v6  }
0xbe: {  	v9 =	vld [tilespmem:s11+$0x10];
	[tilespmem:s9+$0x20] =	vst v7;
	v10 =	vsel vm0, $0xF149F2CA, v10;
	vm0 =	veq.f32 v11, v5  }
.Ltmp17:
0xbf: {  	v7 =	vld [tilespmem:s11+$0x20];
	[tilespmem:s9+$0x30] =	vst v10;
	v11 =	vsel vm0, $0xF149F2CA, v11;
	vm0 =	veq.f32 v12, v0;
	(pc) =	sbr.rel @p0 .LBB2_28-.Ltmp17, $4  }
0xc0: {  	v10 =	vld [tilespmem:s11+$0x30];
	[tilespmem:s9+$0x40] =	vst v11;
	v12 =	vsel vm0, $0xF149F2CA, v12;
	vm0 =	veq.f32 v13, v3  }
0xc1: {  	v11 =	vld [tilespmem:s11+$0x40];
	[tilespmem:s9+$0x50] =	vst v12;
	v13 =	vsel vm0, $0xF149F2CA, v13;
	vm0 =	veq.f32 v14, v1  }
0xc2: {  	vm1 =	veq.f32 v15, v2;
	v12 =	vld [tilespmem:s11+$0x50];
	[tilespmem:s9+$0x60] =	vst v13;
	v16 =	vsel vm0, $0xF149F2CA, v14  }
0xc3: {  	s10 =	sadd.s32 $0x200, s10;
	v14 =	vsel vm1, $0xF149F2CA, v15;
	vm0 =	veq.f32 v9, v4;
	v13 =	vld [tilespmem:s11+$0x60];
	[tilespmem:s9+$0x70] =	vst v16;
	s9 =	smov.u32 s11  }
.LBB2_29:
0xc4: {  	[tilespmem:s9+$0x0] =	vst v14;
	v2 =	vsel vm0, $0xF149F2CA, v9;
	vm10 =	veq.f32 v7, v8;
	v4 =	vld [tilespmem:s9+$0x70]  }
0xc5: {  	[tilespmem:s9+$0x10] =	vst v2;
	v2 =	vsel vm10, $0xF149F2CA, v7;
	vm11 =	veq.f32 v10, v6  }
0xc6: {  	[tilespmem:s9+$0x20] =	vst v2;
	v2 =	vsel vm11, $0xF149F2CA, v10;
	vm12 =	veq.f32 v11, v5  }
.Ltmp18:
0xc7: {  	[tilespmem:s9+$0x30] =	vst v2;
	v2 =	vsel vm12, $0xF149F2CA, v11;
	vm13 =	veq.f32 v12, v0;
	(pc) =	sbr.rel @!p1 .LBB2_30-.Ltmp18, $4  }
0xc8: {  	[tilespmem:s9+$0x40] =	vst v2;
	v0 =	vsel vm13, $0xF149F2CA, v12;
	vm14 =	veq.f32 v13, v3  }
0xc9: {  	[tilespmem:s9+$0x50] =	vst v0;
	v0 =	vsel vm14, $0xF149F2CA, v13;
	vm15 =	veq.f32 v4, v1  }
0xca: {  	[tilespmem:s9+$0x60] =	vst v0;
	v0 =	vsel vm15, $0xF149F2CA, v4  }
0xcb: {  	p0 =	por $0x0, $0x0;
	[tilespmem:s9+$0x70] =	vst v0;
	v0 =	vimm.f32 $-3.000000010e+38  }
0xcc: {  	v1 =	vld [tilespmem:s8+$0x70]  }
0xcd: {  	v2 =	vld [tilespmem:s8+$0x0]  }
0xce: {  	v3 =	vld [tilespmem:s8+$0x10];
	p1 =	por $0x1, $0x1  }
.Ltmp19:
0xcf: {  	v6 =	vld [tilespmem:s8+$0x20];
	(pc) =	sbr.rel @!p1 .LBB2_32-.Ltmp19, $4  }
0xd0: {  	v7 =	vld [tilespmem:s8+$0x30]  }
0xd1: {  	v8 =	vld [tilespmem:s8+$0x40];
	v5 =	vimm.f32 $-3.000000010e+38;
	v9 =	vimm.f32 $-3.000000010e+38  }
0xd2: {  	v10 =	vld [tilespmem:s8+$0x50];
	v11 =	vimm.f32 $-3.000000010e+38;
	v12 =	vimm.f32 $-3.000000010e+38;
	v1 =	vmax.f32 v0, v1  }
0xd3: {  	s9 =	simm.s32 $0x80;
	s10 =	simm.s32 $0x400;
	v13 =	vld [tilespmem:s8+$0x60];
	p0 =	por $0x1, $0x1;
	v2 =	vmax.f32 v0, v2;
	v4 =	vmax.f32 v0, v3;
	v3 =	vimm.f32 $-3.000000010e+38  }
.LBB2_33:
0xd4: {  	p1 =	sne.s32 s10, $0x1FE00;
	v14 =	vld [tilespmem:s9+$0x70];
	v3 =	vmax.f32 v3, v6  }
0xd5: {  	v15 =	vld [tilespmem:s9+$0x0];
	v5 =	vmax.f32 v5, v7  }
0xd6: {  	v16 =	vld [tilespmem:s9+$0x10];
	v9 =	vmax.f32 v9, v8  }
.Ltmp20:
0xd7: {  	v6 =	vld [tilespmem:s9+$0x20];
	v11 =	vmax.f32 v11, v10;
	(pc) =	sbr.rel @p1 .LBB2_33-.Ltmp20, $4  }
0xd8: {  	v7 =	vld [tilespmem:s9+$0x30];
	v12 =	vmax.f32 v12, v13  }
0xd9: {  	v8 =	vld [tilespmem:s9+$0x40];
	v1 =	vmax.f32 v1, v14  }
0xda: {  	v2 =	vmax.f32 v2, v15;
	v10 =	vld [tilespmem:s9+$0x50]  }
0xdb: {  	v4 =	vmax.f32 v4, v16;
	v13 =	vld [tilespmem:s9+$0x60];
	s9 =	sshra.s32 s10, $0x2;
	s10 =	sadd.s32 $0x200, s10  }
0xdc: {  	s8 =	smov.u32 s9  }
.LBB2_35:
0xdd: {  	v14 =	vld [tilespmem:s8+$0x70]  }
0xde: {  	v15 =	vld [tilespmem:s8+$0x0]  }
0xdf: {  	v16 =	vld [tilespmem:s8+$0x10]  }
0xe0: {  	v17 =	vld [tilespmem:s8+$0x20]  }
0xe1: {  	v18 =	vld [tilespmem:s8+$0x30]  }
0xe2: {  	v19 =	vld [tilespmem:s8+$0x40]  }
0xe3: {  	v20 =	vld [tilespmem:s8+$0x50]  }
0xe4: {  	v21 =	vld [tilespmem:s8+$0x60];
	s8 =	simm.s32 $0x0  }
0xe5: {  	v3 =	vmax.f32 @p0 v3, v6;
	v5 =	vmax.f32 @p0 v5, v7;
	v6 =	vmax.f32 @p0 v9, v8;
	v22 =	vld [tilespmem:s8+$0x0]  }
0xe6: {  	p1 =	por $0x1, $0x1;
	v9 =	vld [tilespmem:s8+$0x10];
	v3 =	vpsel p0, v3, v0;
	v5 =	vpsel p0, v5, v0;
	v8 =	vmax.f32 @p0 v11, v10  }
.Ltmp21:
0xe7: {  	v7 =	vld [tilespmem:s8+$0x20];
	v11 =	vmax.f32 @p0 v12, v13;
	v12 =	vpsel p0, v6, v0;
	v13 =	vpsel p0, v8, v0;
	(pc) =	sbr.rel @!p1 .LBB2_37-.Ltmp21, $4  }
0xe8: {  	v10 =	vld [tilespmem:s8+$0x30];
	v1 =	vmax.f32 v1, v14;
	v2 =	vmax.f32 v2, v15;
	v4 =	vmax.f32 v4, v16  }
0xe9: {  	v14 =	vpsel p0, v11, v0;
	v8 =	vmax.f32 v3, v17;
	v6 =	vmax.f32 v5, v18;
	v11 =	vld [tilespmem:s8+$0x40]  }
0xea: {  	v5 =	vmax.f32 v12, v19;
	v0 =	vmax.f32 v13, v20;
	v12 =	vld [tilespmem:s8+$0x50];
	vm0 =	veq.f32 v22, v2  }
0xeb: {  	s10 =	simm.s32 $0x200;
	s9 =	simm.s32 $0x0;
	v13 =	vld [tilespmem:s8+$0x60];
	v3 =	vmax.f32 v14, v21;
	v14 =	vsel vm0, $0xF149F2CA, v22;
	vm0 =	veq.f32 v9, v4  }
.LBB2_36:
0xec: {  	s11 =	sshra.s32 s10, $0x2;
	p0 =	sne.s32 s10, $0x1FE00;
	[tilespmem:s9+$0x0] =	vst v14;
	v9 =	vsel vm0, $0xF149F2CA, v9;
	vm0 =	veq.f32 v7, v8;
	v14 =	vld [tilespmem:s9+$0x70]  }
0xed: {  	v15 =	vld [tilespmem:s11+$0x0];
	[tilespmem:s9+$0x10] =	vst v9;
	v7 =	vsel vm0, $0xF149F2CA, v7;
	vm0 =	veq.f32 v10, v6  }
0xee: {  	v9 =	vld [tilespmem:s11+$0x10];
	[tilespmem:s9+$0x20] =	vst v7;
	v10 =	vsel vm0, $0xF149F2CA, v10;
	vm0 =	veq.f32 v11, v5  }
.Ltmp22:
0xef: {  	v7 =	vld [tilespmem:s11+$0x20];
	[tilespmem:s9+$0x30] =	vst v10;
	v11 =	vsel vm0, $0xF149F2CA, v11;
	vm0 =	veq.f32 v12, v0;
	(pc) =	sbr.rel @p0 .LBB2_36-.Ltmp22, $4  }
0xf0: {  	v10 =	vld [tilespmem:s11+$0x30];
	[tilespmem:s9+$0x40] =	vst v11;
	v12 =	vsel vm0, $0xF149F2CA, v12;
	vm0 =	veq.f32 v13, v3  }
0xf1: {  	v11 =	vld [tilespmem:s11+$0x40];
	[tilespmem:s9+$0x50] =	vst v12;
	v13 =	vsel vm0, $0xF149F2CA, v13;
	vm0 =	veq.f32 v14, v1  }
0xf2: {  	vm1 =	veq.f32 v15, v2;
	v12 =	vld [tilespmem:s11+$0x50];
	[tilespmem:s9+$0x60] =	vst v13;
	v16 =	vsel vm0, $0xF149F2CA, v14  }
0xf3: {  	s10 =	sadd.s32 $0x200, s10;
	v14 =	vsel vm1, $0xF149F2CA, v15;
	vm0 =	veq.f32 v9, v4;
	v13 =	vld [tilespmem:s11+$0x60];
	[tilespmem:s9+$0x70] =	vst v16;
	s9 =	smov.u32 s11  }
.LBB2_37:
0xf4: {  	[tilespmem:s9+$0x0] =	vst v14;
	v2 =	vsel vm0, $0xF149F2CA, v9;
	vm10 =	veq.f32 v7, v8;
	v4 =	vld [tilespmem:s9+$0x70]  }
0xf5: {  	[tilespmem:s9+$0x10] =	vst v2;
	v2 =	vsel vm10, $0xF149F2CA, v7;
	vm11 =	veq.f32 v10, v6  }
0xf6: {  	[tilespmem:s9+$0x20] =	vst v2;
	v2 =	vsel vm11, $0xF149F2CA, v10;
	vm12 =	veq.f32 v11, v5  }
.Ltmp23:
0xf7: {  	[tilespmem:s9+$0x30] =	vst v2;
	v2 =	vsel vm12, $0xF149F2CA, v11;
	vm13 =	veq.f32 v12, v0;
	(pc) =	sbr.rel @!p1 .LBB2_38-.Ltmp23, $4  }
0xf8: {  	[tilespmem:s9+$0x40] =	vst v2;
	v0 =	vsel vm13, $0xF149F2CA, v12;
	vm14 =	veq.f32 v13, v3  }
0xf9: {  	[tilespmem:s9+$0x50] =	vst v0;
	v0 =	vsel vm14, $0xF149F2CA, v13;
	vm15 =	veq.f32 v4, v1  }
0xfa: {  	[tilespmem:s9+$0x60] =	vst v0;
	v0 =	vsel vm15, $0xF149F2CA, v4  }
0xfb: {  	p0 =	por $0x0, $0x0;
	[tilespmem:s9+$0x70] =	vst v0;
	v0 =	vimm.f32 $-3.000000010e+38  }
0xfc: {  	v1 =	vld [tilespmem:s8+$0x70]  }
0xfd: {  	v2 =	vld [tilespmem:s8+$0x0]  }
0xfe: {  	v3 =	vld [tilespmem:s8+$0x10];
	p1 =	por $0x1, $0x1  }
.Ltmp24:
0xff: {  	v6 =	vld [tilespmem:s8+$0x20];
	(pc) =	sbr.rel @!p1 .LBB2_40-.Ltmp24, $4  }
0x100: {  	v7 =	vld [tilespmem:s8+$0x30]  }
0x101: {  	v8 =	vld [tilespmem:s8+$0x40];
	v5 =	vimm.f32 $-3.000000010e+38;
	v9 =	vimm.f32 $-3.000000010e+38  }
0x102: {  	v10 =	vld [tilespmem:s8+$0x50];
	v11 =	vimm.f32 $-3.000000010e+38;
	v12 =	vimm.f32 $-3.000000010e+38;
	v1 =	vmax.f32 v0, v1  }
0x103: {  	s9 =	simm.s32 $0x80;
	s10 =	simm.s32 $0x400;
	v13 =	vld [tilespmem:s8+$0x60];
	p0 =	por $0x1, $0x1;
	v2 =	vmax.f32 v0, v2;
	v4 =	vmax.f32 v0, v3;
	v3 =	vimm.f32 $-3.000000010e+38  }
.LBB2_41:
0x104: {  	p1 =	sne.s32 s10, $0x1FE00;
	v14 =	vld [tilespmem:s9+$0x70];
	v3 =	vmax.f32 v3, v6  }
0x105: {  	v15 =	vld [tilespmem:s9+$0x0];
	v5 =	vmax.f32 v5, v7  }
0x106: {  	v16 =	vld [tilespmem:s9+$0x10];
	v9 =	vmax.f32 v9, v8  }
.Ltmp25:
0x107: {  	v6 =	vld [tilespmem:s9+$0x20];
	v11 =	vmax.f32 v11, v10;
	(pc) =	sbr.rel @p1 .LBB2_41-.Ltmp25, $4  }
0x108: {  	v7 =	vld [tilespmem:s9+$0x30];
	v12 =	vmax.f32 v12, v13  }
0x109: {  	v8 =	vld [tilespmem:s9+$0x40];
	v1 =	vmax.f32 v1, v14  }
0x10a: {  	v2 =	vmax.f32 v2, v15;
	v10 =	vld [tilespmem:s9+$0x50]  }
0x10b: {  	v4 =	vmax.f32 v4, v16;
	v13 =	vld [tilespmem:s9+$0x60];
	s9 =	sshra.s32 s10, $0x2;
	s10 =	sadd.s32 $0x200, s10  }
0x10c: {  	s8 =	smov.u32 s9  }
.LBB2_43:
0x10d: {  	v14 =	vld [tilespmem:s8+$0x70]  }
0x10e: {  	v15 =	vld [tilespmem:s8+$0x0]  }
0x10f: {  	v16 =	vld [tilespmem:s8+$0x10]  }
0x110: {  	v17 =	vld [tilespmem:s8+$0x20]  }
0x111: {  	v18 =	vld [tilespmem:s8+$0x30]  }
0x112: {  	v19 =	vld [tilespmem:s8+$0x40]  }
0x113: {  	v20 =	vld [tilespmem:s8+$0x50]  }
0x114: {  	v21 =	vld [tilespmem:s8+$0x60];
	s8 =	simm.s32 $0x0  }
0x115: {  	v3 =	vmax.f32 @p0 v3, v6;
	v5 =	vmax.f32 @p0 v5, v7;
	v6 =	vmax.f32 @p0 v9, v8;
	v22 =	vld [tilespmem:s8+$0x0]  }
0x116: {  	p1 =	por $0x1, $0x1;
	v9 =	vld [tilespmem:s8+$0x10];
	v3 =	vpsel p0, v3, v0;
	v5 =	vpsel p0, v5, v0;
	v8 =	vmax.f32 @p0 v11, v10  }
.Ltmp26:
0x117: {  	v7 =	vld [tilespmem:s8+$0x20];
	v11 =	vmax.f32 @p0 v12, v13;
	v12 =	vpsel p0, v6, v0;
	v13 =	vpsel p0, v8, v0;
	(pc) =	sbr.rel @!p1 .LBB2_45-.Ltmp26, $4  }
0x118: {  	v10 =	vld [tilespmem:s8+$0x30];
	v1 =	vmax.f32 v1, v14;
	v2 =	vmax.f32 v2, v15;
	v4 =	vmax.f32 v4, v16  }
0x119: {  	v14 =	vpsel p0, v11, v0;
	v8 =	vmax.f32 v3, v17;
	v6 =	vmax.f32 v5, v18;
	v11 =	vld [tilespmem:s8+$0x40]  }
0x11a: {  	v5 =	vmax.f32 v12, v19;
	v0 =	vmax.f32 v13, v20;
	v12 =	vld [tilespmem:s8+$0x50];
	vm0 =	veq.f32 v22, v2  }
0x11b: {  	s10 =	simm.s32 $0x200;
	s9 =	simm.s32 $0x0;
	v13 =	vld [tilespmem:s8+$0x60];
	v3 =	vmax.f32 v14, v21;
	v14 =	vsel vm0, $0xF149F2CA, v22;
	vm0 =	veq.f32 v9, v4  }
.LBB2_44:
0x11c: {  	s11 =	sshra.s32 s10, $0x2;
	p0 =	sne.s32 s10, $0x1FE00;
	[tilespmem:s9+$0x0] =	vst v14;
	v9 =	vsel vm0, $0xF149F2CA, v9;
	vm0 =	veq.f32 v7, v8;
	v14 =	vld [tilespmem:s9+$0x70]  }
0x11d: {  	v15 =	vld [tilespmem:s11+$0x0];
	[tilespmem:s9+$0x10] =	vst v9;
	v7 =	vsel vm0, $0xF149F2CA, v7;
	vm0 =	veq.f32 v10, v6  }
0x11e: {  	v9 =	vld [tilespmem:s11+$0x10];
	[tilespmem:s9+$0x20] =	vst v7;
	v10 =	vsel vm0, $0xF149F2CA, v10;
	vm0 =	veq.f32 v11, v5  }
.Ltmp27:
0x11f: {  	v7 =	vld [tilespmem:s11+$0x20];
	[tilespmem:s9+$0x30] =	vst v10;
	v11 =	vsel vm0, $0xF149F2CA, v11;
	vm0 =	veq.f32 v12, v0;
	(pc) =	sbr.rel @p0 .LBB2_44-.Ltmp27, $4  }
0x120: {  	v10 =	vld [tilespmem:s11+$0x30];
	[tilespmem:s9+$0x40] =	vst v11;
	v12 =	vsel vm0, $0xF149F2CA, v12;
	vm0 =	veq.f32 v13, v3  }
0x121: {  	v11 =	vld [tilespmem:s11+$0x40];
	[tilespmem:s9+$0x50] =	vst v12;
	v13 =	vsel vm0, $0xF149F2CA, v13;
	vm0 =	veq.f32 v14, v1  }
0x122: {  	vm1 =	veq.f32 v15, v2;
	v12 =	vld [tilespmem:s11+$0x50];
	[tilespmem:s9+$0x60] =	vst v13;
	v16 =	vsel vm0, $0xF149F2CA, v14  }
0x123: {  	s10 =	sadd.s32 $0x200, s10;
	v14 =	vsel vm1, $0xF149F2CA, v15;
	vm0 =	veq.f32 v9, v4;
	v13 =	vld [tilespmem:s11+$0x60];
	[tilespmem:s9+$0x70] =	vst v16;
	s9 =	smov.u32 s11  }
.LBB2_45:
0x124: {  	[tilespmem:s9+$0x0] =	vst v14;
	v2 =	vsel vm0, $0xF149F2CA, v9;
	vm10 =	veq.f32 v7, v8;
	v4 =	vld [tilespmem:s9+$0x70]  }
0x125: {  	[tilespmem:s9+$0x10] =	vst v2;
	v2 =	vsel vm10, $0xF149F2CA, v7;
	vm11 =	veq.f32 v10, v6  }
0x126: {  	[tilespmem:s9+$0x20] =	vst v2;
	v2 =	vsel vm11, $0xF149F2CA, v10;
	vm12 =	veq.f32 v11, v5  }
.Ltmp28:
0x127: {  	[tilespmem:s9+$0x30] =	vst v2;
	v2 =	vsel vm12, $0xF149F2CA, v11;
	vm13 =	veq.f32 v12, v0;
	(pc) =	sbr.rel @!p1 .LBB2_46-.Ltmp28, $4  }
0x128: {  	[tilespmem:s9+$0x40] =	vst v2;
	v0 =	vsel vm13, $0xF149F2CA, v12;
	vm14 =	veq.f32 v13, v3  }
0x129: {  	[tilespmem:s9+$0x50] =	vst v0;
	v0 =	vsel vm14, $0xF149F2CA, v13;
	vm15 =	veq.f32 v4, v1  }
0x12a: {  	[tilespmem:s9+$0x60] =	vst v0;
	v0 =	vsel vm15, $0xF149F2CA, v4  }
0x12b: {  	p0 =	por $0x0, $0x0;
	[tilespmem:s9+$0x70] =	vst v0;
	v0 =	vimm.f32 $-3.000000010e+38  }
0x12c: {  	v1 =	vld [tilespmem:s8+$0x70]  }
0x12d: {  	v2 =	vld [tilespmem:s8+$0x0]  }
0x12e: {  	v3 =	vld [tilespmem:s8+$0x10];
	p1 =	por $0x1, $0x1  }
.Ltmp29:
0x12f: {  	v6 =	vld [tilespmem:s8+$0x20];
	(pc) =	sbr.rel @!p1 .LBB2_48-.Ltmp29, $4  }
0x130: {  	v7 =	vld [tilespmem:s8+$0x30]  }
0x131: {  	v8 =	vld [tilespmem:s8+$0x40];
	v5 =	vimm.f32 $-3.000000010e+38;
	v9 =	vimm.f32 $-3.000000010e+38  }
0x132: {  	v10 =	vld [tilespmem:s8+$0x50];
	v11 =	vimm.f32 $-3.000000010e+38;
	v12 =	vimm.f32 $-3.000000010e+38;
	v1 =	vmax.f32 v0, v1  }
0x133: {  	s9 =	simm.s32 $0x80;
	s10 =	simm.s32 $0x400;
	v13 =	vld [tilespmem:s8+$0x60];
	p0 =	por $0x1, $0x1;
	v2 =	vmax.f32 v0, v2;
	v4 =	vmax.f32 v0, v3;
	v3 =	vimm.f32 $-3.000000010e+38  }
.LBB2_49:
0x134: {  	p1 =	sne.s32 s10, $0x1FE00;
	v14 =	vld [tilespmem:s9+$0x70];
	v3 =	vmax.f32 v3, v6  }
0x135: {  	v15 =	vld [tilespmem:s9+$0x0];
	v5 =	vmax.f32 v5, v7  }
0x136: {  	v16 =	vld [tilespmem:s9+$0x10];
	v9 =	vmax.f32 v9, v8  }
.Ltmp30:
0x137: {  	v6 =	vld [tilespmem:s9+$0x20];
	v11 =	vmax.f32 v11, v10;
	(pc) =	sbr.rel @p1 .LBB2_49-.Ltmp30, $4  }
0x138: {  	v7 =	vld [tilespmem:s9+$0x30];
	v12 =	vmax.f32 v12, v13  }
0x139: {  	v8 =	vld [tilespmem:s9+$0x40];
	v1 =	vmax.f32 v1, v14  }
0x13a: {  	v2 =	vmax.f32 v2, v15;
	v10 =	vld [tilespmem:s9+$0x50]  }
0x13b: {  	v4 =	vmax.f32 v4, v16;
	v13 =	vld [tilespmem:s9+$0x60];
	s9 =	sshra.s32 s10, $0x2;
	s10 =	sadd.s32 $0x200, s10  }
0x13c: {  	s8 =	smov.u32 s9  }
.LBB2_51:
0x13d: {  	v14 =	vld [tilespmem:s8+$0x70]  }
0x13e: {  	v15 =	vld [tilespmem:s8+$0x0]  }
0x13f: {  	v16 =	vld [tilespmem:s8+$0x10]  }
0x140: {  	v17 =	vld [tilespmem:s8+$0x20]  }
0x141: {  	v18 =	vld [tilespmem:s8+$0x30]  }
0x142: {  	v19 =	vld [tilespmem:s8+$0x40]  }
0x143: {  	v20 =	vld [tilespmem:s8+$0x50]  }
0x144: {  	v21 =	vld [tilespmem:s8+$0x60];
	s8 =	simm.s32 $0x0  }
0x145: {  	v3 =	vmax.f32 @p0 v3, v6;
	v5 =	vmax.f32 @p0 v5, v7;
	v6 =	vmax.f32 @p0 v9, v8;
	v22 =	vld [tilespmem:s8+$0x0]  }
0x146: {  	p1 =	por $0x1, $0x1;
	v9 =	vld [tilespmem:s8+$0x10];
	v3 =	vpsel p0, v3, v0;
	v5 =	vpsel p0, v5, v0;
	v8 =	vmax.f32 @p0 v11, v10  }
.Ltmp31:
0x147: {  	v7 =	vld [tilespmem:s8+$0x20];
	v11 =	vmax.f32 @p0 v12, v13;
	v12 =	vpsel p0, v6, v0;
	v13 =	vpsel p0, v8, v0;
	(pc) =	sbr.rel @!p1 .LBB2_53-.Ltmp31, $4  }
0x148: {  	v10 =	vld [tilespmem:s8+$0x30];
	v1 =	vmax.f32 v1, v14;
	v2 =	vmax.f32 v2, v15;
	v4 =	vmax.f32 v4, v16  }
0x149: {  	v14 =	vpsel p0, v11, v0;
	v8 =	vmax.f32 v3, v17;
	v6 =	vmax.f32 v5, v18;
	v11 =	vld [tilespmem:s8+$0x40]  }
0x14a: {  	v5 =	vmax.f32 v12, v19;
	v0 =	vmax.f32 v13, v20;
	v12 =	vld [tilespmem:s8+$0x50];
	vm0 =	veq.f32 v22, v2  }
0x14b: {  	s10 =	simm.s32 $0x200;
	s9 =	simm.s32 $0x0;
	v13 =	vld [tilespmem:s8+$0x60];
	v3 =	vmax.f32 v14, v21;
	v14 =	vsel vm0, $0xF149F2CA, v22;
	vm0 =	veq.f32 v9, v4  }
.LBB2_52:
0x14c: {  	s11 =	sshra.s32 s10, $0x2;
	p0 =	sne.s32 s10, $0x1FE00;
	[tilespmem:s9+$0x0] =	vst v14;
	v9 =	vsel vm0, $0xF149F2CA, v9;
	vm0 =	veq.f32 v7, v8;
	v14 =	vld [tilespmem:s9+$0x70]  }
0x14d: {  	v15 =	vld [tilespmem:s11+$0x0];
	[tilespmem:s9+$0x10] =	vst v9;
	v7 =	vsel vm0, $0xF149F2CA, v7;
	vm0 =	veq.f32 v10, v6  }
0x14e: {  	v9 =	vld [tilespmem:s11+$0x10];
	[tilespmem:s9+$0x20] =	vst v7;
	v10 =	vsel vm0, $0xF149F2CA, v10;
	vm0 =	veq.f32 v11, v5  }
.Ltmp32:
0x14f: {  	v7 =	vld [tilespmem:s11+$0x20];
	[tilespmem:s9+$0x30] =	vst v10;
	v11 =	vsel vm0, $0xF149F2CA, v11;
	vm0 =	veq.f32 v12, v0;
	(pc) =	sbr.rel @p0 .LBB2_52-.Ltmp32, $4  }
0x150: {  	v10 =	vld [tilespmem:s11+$0x30];
	[tilespmem:s9+$0x40] =	vst v11;
	v12 =	vsel vm0, $0xF149F2CA, v12;
	vm0 =	veq.f32 v13, v3  }
0x151: {  	v11 =	vld [tilespmem:s11+$0x40];
	[tilespmem:s9+$0x50] =	vst v12;
	v13 =	vsel vm0, $0xF149F2CA, v13;
	vm0 =	veq.f32 v14, v1  }
0x152: {  	vm1 =	veq.f32 v15, v2;
	v12 =	vld [tilespmem:s11+$0x50];
	[tilespmem:s9+$0x60] =	vst v13;
	v16 =	vsel vm0, $0xF149F2CA, v14  }
0x153: {  	s10 =	sadd.s32 $0x200, s10;
	v14 =	vsel vm1, $0xF149F2CA, v15;
	vm0 =	veq.f32 v9, v4;
	v13 =	vld [tilespmem:s11+$0x60];
	[tilespmem:s9+$0x70] =	vst v16;
	s9 =	smov.u32 s11  }
.LBB2_53:
0x154: {  	[tilespmem:s9+$0x0] =	vst v14;
	v2 =	vsel vm0, $0xF149F2CA, v9;
	vm10 =	veq.f32 v7, v8;
	v4 =	vld [tilespmem:s9+$0x70]  }
0x155: {  	[tilespmem:s9+$0x10] =	vst v2;
	v2 =	vsel vm10, $0xF149F2CA, v7;
	vm11 =	veq.f32 v10, v6  }
0x156: {  	[tilespmem:s9+$0x20] =	vst v2;
	v2 =	vsel vm11, $0xF149F2CA, v10;
	vm12 =	veq.f32 v11, v5  }
.Ltmp33:
0x157: {  	[tilespmem:s9+$0x30] =	vst v2;
	v2 =	vsel vm12, $0xF149F2CA, v11;
	vm13 =	veq.f32 v12, v0;
	(pc) =	sbr.rel @!p1 .LBB2_54-.Ltmp33, $4  }
0x158: {  	[tilespmem:s9+$0x40] =	vst v2;
	v0 =	vsel vm13, $0xF149F2CA, v12;
	vm14 =	veq.f32 v13, v3  }
0x159: {  	[tilespmem:s9+$0x50] =	vst v0;
	v0 =	vsel vm14, $0xF149F2CA, v13;
	vm15 =	veq.f32 v4, v1  }
0x15a: {  	[tilespmem:s9+$0x60] =	vst v0;
	v0 =	vsel vm15, $0xF149F2CA, v4  }
0x15b: {  	p0 =	por $0x0, $0x0;
	[tilespmem:s9+$0x70] =	vst v0;
	v0 =	vimm.f32 $-3.000000010e+38  }
0x15c: {  	v1 =	vld [tilespmem:s8+$0x70]  }
0x15d: {  	v2 =	vld [tilespmem:s8+$0x0]  }
0x15e: {  	v3 =	vld [tilespmem:s8+$0x10];
	p1 =	por $0x1, $0x1  }
.Ltmp34:
0x15f: {  	v6 =	vld [tilespmem:s8+$0x20];
	(pc) =	sbr.rel @!p1 .LBB2_56-.Ltmp34, $4  }
0x160: {  	v7 =	vld [tilespmem:s8+$0x30]  }
0x161: {  	v8 =	vld [tilespmem:s8+$0x40];
	v5 =	vimm.f32 $-3.000000010e+38;
	v9 =	vimm.f32 $-3.000000010e+38  }
0x162: {  	v10 =	vld [tilespmem:s8+$0x50];
	v11 =	vimm.f32 $-3.000000010e+38;
	v12 =	vimm.f32 $-3.000000010e+38;
	v1 =	vmax.f32 v0, v1  }
0x163: {  	s9 =	simm.s32 $0x80;
	s10 =	simm.s32 $0x400;
	v13 =	vld [tilespmem:s8+$0x60];
	p0 =	por $0x1, $0x1;
	v2 =	vmax.f32 v0, v2;
	v4 =	vmax.f32 v0, v3;
	v3 =	vimm.f32 $-3.000000010e+38  }
.LBB2_57:
0x164: {  	p1 =	sne.s32 s10, $0x1FE00;
	v14 =	vld [tilespmem:s9+$0x70];
	v3 =	vmax.f32 v3, v6  }
0x165: {  	v15 =	vld [tilespmem:s9+$0x0];
	v5 =	vmax.f32 v5, v7  }
0x166: {  	v16 =	vld [tilespmem:s9+$0x10];
	v9 =	vmax.f32 v9, v8  }
.Ltmp35:
0x167: {  	v6 =	vld [tilespmem:s9+$0x20];
	v11 =	vmax.f32 v11, v10;
	(pc) =	sbr.rel @p1 .LBB2_57-.Ltmp35, $4  }
0x168: {  	v7 =	vld [tilespmem:s9+$0x30];
	v12 =	vmax.f32 v12, v13  }
0x169: {  	v8 =	vld [tilespmem:s9+$0x40];
	v1 =	vmax.f32 v1, v14  }
0x16a: {  	v2 =	vmax.f32 v2, v15;
	v10 =	vld [tilespmem:s9+$0x50]  }
0x16b: {  	v4 =	vmax.f32 v4, v16;
	v13 =	vld [tilespmem:s9+$0x60];
	s9 =	sshra.s32 s10, $0x2;
	s10 =	sadd.s32 $0x200, s10  }
0x16c: {  	s8 =	smov.u32 s9  }
.LBB2_59:
0x16d: {  	v14 =	vld [tilespmem:s8+$0x70]  }
0x16e: {  	v15 =	vld [tilespmem:s8+$0x0]  }
0x16f: {  	v16 =	vld [tilespmem:s8+$0x10]  }
0x170: {  	v17 =	vld [tilespmem:s8+$0x20]  }
0x171: {  	v18 =	vld [tilespmem:s8+$0x30]  }
0x172: {  	v19 =	vld [tilespmem:s8+$0x40]  }
0x173: {  	v20 =	vld [tilespmem:s8+$0x50]  }
0x174: {  	v21 =	vld [tilespmem:s8+$0x60];
	s8 =	simm.s32 $0x0  }
0x175: {  	v6 =	vmax.f32 @p0 v3, v6;
	v5 =	vmax.f32 @p0 v5, v7;
	v8 =	vmax.f32 @p0 v9, v8;
	v22 =	vld [tilespmem:s8+$0x0]  }
0x176: {  	v9 =	vld [tilespmem:s8+$0x10];
	v5 =	vpsel p0, v5, v0;
	v10 =	vmax.f32 @p0 v11, v10;
	v11 =	vmax.f32 @p0 v12, v13  }
0x177: {  	v7 =	vld [tilespmem:s8+$0x20];
	v12 =	vpsel p0, v8, v0;
	v13 =	vpsel p0, v10, v0;
	v1 =	vmax.f32 v1, v14  }
0x178: {  	v10 =	vld [tilespmem:s8+$0x30];
	v3 =	vmax.f32 v2, v15;
	v4 =	vmax.f32 v4, v16;
	v2 =	vpsel p0, v6, v0  }
0x179: {  	v14 =	vpsel p0, v11, v0;
	v6 =	vmax.f32 v5, v18;
	v11 =	vld [tilespmem:s8+$0x40];
	v5 =	vmax.f32 v12, v19  }
0x17a: {  	v0 =	vmax.f32 v13, v20;
	v12 =	vld [tilespmem:s8+$0x50];
	v8 =	vmax.f32 v2, v17;
	vm0 =	veq.f32 v22, v3  }
0x17b: {  	s9 =	simm.s32 $0x200;
	v13 =	vld [tilespmem:s8+$0x60];
	v2 =	vmax.f32 v14, v21;
	v14 =	vsel vm0, $0xF149F2CA, v22;
	vm0 =	veq.f32 v9, v4  }
.LBB2_60:
0x17c: {  	s10 =	sshra.s32 s9, $0x2;
	p0 =	sne.s32 s9, $0x1FE00;
	[tilespmem:s8+$0x0] =	vst v14;
	v9 =	vsel vm0, $0xF149F2CA, v9;
	vm0 =	veq.f32 v7, v8;
	v14 =	vld [tilespmem:s8+$0x70]  }
0x17d: {  	v15 =	vld [tilespmem:s10+$0x0];
	[tilespmem:s8+$0x10] =	vst v9;
	v7 =	vsel vm0, $0xF149F2CA, v7;
	vm0 =	veq.f32 v10, v6  }
0x17e: {  	v9 =	vld [tilespmem:s10+$0x10];
	[tilespmem:s8+$0x20] =	vst v7;
	v10 =	vsel vm0, $0xF149F2CA, v10;
	vm0 =	veq.f32 v11, v5  }
.Ltmp36:
0x17f: {  	v7 =	vld [tilespmem:s10+$0x20];
	[tilespmem:s8+$0x30] =	vst v10;
	v11 =	vsel vm0, $0xF149F2CA, v11;
	vm0 =	veq.f32 v12, v0;
	(pc) =	sbr.rel @p0 .LBB2_60-.Ltmp36, $4  }
0x180: {  	v10 =	vld [tilespmem:s10+$0x30];
	[tilespmem:s8+$0x40] =	vst v11;
	v12 =	vsel vm0, $0xF149F2CA, v12;
	vm0 =	veq.f32 v13, v2  }
0x181: {  	v11 =	vld [tilespmem:s10+$0x40];
	[tilespmem:s8+$0x50] =	vst v12;
	v13 =	vsel vm0, $0xF149F2CA, v13;
	vm0 =	veq.f32 v14, v1  }
0x182: {  	vm1 =	veq.f32 v15, v3;
	v12 =	vld [tilespmem:s10+$0x50];
	[tilespmem:s8+$0x60] =	vst v13;
	v16 =	vsel vm0, $0xF149F2CA, v14  }
0x183: {  	s9 =	sadd.s32 $0x200, s9;
	v14 =	vsel vm1, $0xF149F2CA, v15;
	vm0 =	veq.f32 v9, v4;
	v13 =	vld [tilespmem:s10+$0x60];
	[tilespmem:s8+$0x70] =	vst v16;
	s8 =	smov.u32 s10  }
0x184: {  	[tilespmem:s8+$0x0] =	vst v14;
	v3 =	vsel vm0, $0xF149F2CA, v9;
	vm10 =	veq.f32 v7, v8;
	v4 =	vld [tilespmem:s8+$0x70]  }
0x185: {  	[tilespmem:s8+$0x10] =	vst v3;
	v59 =	vsel vm10, $0xF149F2CA, v7;
	vm11 =	veq.f32 v10, v6  }
0x186: {  	[tilespmem:s8+$0x20] =	vst v59;
	v60 =	vsel vm11, $0xF149F2CA, v10;
	vm12 =	veq.f32 v11, v5  }
0x187: {  	[tilespmem:s8+$0x30] =	vst v60;
	v61 =	vsel vm12, $0xF149F2CA, v11;
	vm13 =	veq.f32 v12, v0  }
0x188: {  	[tilespmem:s8+$0x40] =	vst v61;
	v0 =	vsel vm13, $0xF149F2CA, v12;
	vm14 =	veq.f32 v13, v2  }
0x189: {  	[tilespmem:s8+$0x50] =	vst v0;
	v62 =	vsel vm14, $0xF149F2CA, v13;
	vm15 =	veq.f32 v4, v1  }
0x18a: {  	s7 =	sadd.s32 $0x1, s7;
	[tilespmem:s8+$0x60] =	vst v62;
	v63 =	vsel vm15, $0xF149F2CA, v4  }
0x18b: {  	p0 =	sne.s32 s7, s5;
	[tilespmem:s8+$0x70] =	vst v63  }
0x18c: {  	[hbm4b:s4+s2] =	stream.linear.scatter [tilespmem:s2], [sflag:$0x1], $0x8000, $0x38;
	[tilespmem:$0x8000] =	vst v63  }
.Ltmp37:
0x18d: {  	_ = 	snop;
	(pc) =	sbr.rel @p0 .LBB2_1-.Ltmp37, $4  }
.Ltmp38:
0x18e: {  	_ = 	snop;
	(pc) =	sbr.rel @!p0 .LBB2_62-.Ltmp38, $4  }
0x18f: {  	_ =	swait.ge [sflag:s6], $0x8000  }
0x190: {  	[sflag:s6] =	ssyncset.done $0x0  }
0x191: {  	[sflag:s6] =	ssyncadd.s32 $0xFFFF8000  }
0x192: {  	_ = 	snop  }
.LBB2_6:
.Ltmp39:
0x193: {  	(pc) =	sbr.rel .LBB2_11-.Ltmp39, $4  }
0x194: {  	_ = 	snop  }
0x195: {  	v3 =	vimm.f32 $-3.000000010e+38;
	v5 =	vimm.f32 $-3.000000010e+38  }
0x196: {  	v9 =	vimm.f32 $-3.000000010e+38;
	v11 =	vimm.f32 $-3.000000010e+38;
	v12 =	vimm.f32 $-3.000000010e+38  }
0x197: {  	v1 =	vimm.f32 $-3.000000010e+38;
	v2 =	vimm.f32 $-3.000000010e+38;
	v4 =	vimm.f32 $-3.000000010e+38  }
.LBB2_14:
.Ltmp40:
0x198: {  	(pc) =	sbr.rel .LBB2_19-.Ltmp40, $4  }
0x199: {  	_ = 	snop  }
0x19a: {  	v3 =	vimm.f32 $-3.000000010e+38;
	v5 =	vimm.f32 $-3.000000010e+38  }
0x19b: {  	v9 =	vimm.f32 $-3.000000010e+38;
	v11 =	vimm.f32 $-3.000000010e+38;
	v12 =	vimm.f32 $-3.000000010e+38  }
0x19c: {  	v1 =	vimm.f32 $-3.000000010e+38;
	v2 =	vimm.f32 $-3.000000010e+38;
	v4 =	vimm.f32 $-3.000000010e+38  }
.LBB2_22:
.Ltmp41:
0x19d: {  	(pc) =	sbr.rel .LBB2_27-.Ltmp41, $4  }
0x19e: {  	_ = 	snop  }
0x19f: {  	v3 =	vimm.f32 $-3.000000010e+38;
	v5 =	vimm.f32 $-3.000000010e+38  }
0x1a0: {  	v9 =	vimm.f32 $-3.000000010e+38;
	v11 =	vimm.f32 $-3.000000010e+38;
	v12 =	vimm.f32 $-3.000000010e+38  }
0x1a1: {  	v1 =	vimm.f32 $-3.000000010e+38;
	v2 =	vimm.f32 $-3.000000010e+38;
	v4 =	vimm.f32 $-3.000000010e+38  }
.LBB2_30:
.Ltmp42:
0x1a2: {  	(pc) =	sbr.rel .LBB2_35-.Ltmp42, $4  }
0x1a3: {  	_ = 	snop  }
0x1a4: {  	v3 =	vimm.f32 $-3.000000010e+38;
	v5 =	vimm.f32 $-3.000000010e+38  }
0x1a5: {  	v9 =	vimm.f32 $-3.000000010e+38;
	v11 =	vimm.f32 $-3.000000010e+38;
	v12 =	vimm.f32 $-3.000000010e+38  }
0x1a6: {  	v1 =	vimm.f32 $-3.000000010e+38;
	v2 =	vimm.f32 $-3.000000010e+38;
	v4 =	vimm.f32 $-3.000000010e+38  }
.LBB2_38:
.Ltmp43:
0x1a7: {  	(pc) =	sbr.rel .LBB2_43-.Ltmp43, $4  }
0x1a8: {  	_ = 	snop  }
0x1a9: {  	v3 =	vimm.f32 $-3.000000010e+38;
	v5 =	vimm.f32 $-3.000000010e+38  }
0x1aa: {  	v9 =	vimm.f32 $-3.000000010e+38;
	v11 =	vimm.f32 $-3.000000010e+38;
	v12 =	vimm.f32 $-3.000000010e+38  }
0x1ab: {  	v1 =	vimm.f32 $-3.000000010e+38;
	v2 =	vimm.f32 $-3.000000010e+38;
	v4 =	vimm.f32 $-3.000000010e+38  }
.LBB2_46:
.Ltmp44:
0x1ac: {  	(pc) =	sbr.rel .LBB2_51-.Ltmp44, $4  }
0x1ad: {  	_ = 	snop  }
0x1ae: {  	v3 =	vimm.f32 $-3.000000010e+38;
	v5 =	vimm.f32 $-3.000000010e+38  }
0x1af: {  	v9 =	vimm.f32 $-3.000000010e+38;
	v11 =	vimm.f32 $-3.000000010e+38;
	v12 =	vimm.f32 $-3.000000010e+38  }
0x1b0: {  	v1 =	vimm.f32 $-3.000000010e+38;
	v2 =	vimm.f32 $-3.000000010e+38;
	v4 =	vimm.f32 $-3.000000010e+38  }
.LBB2_54:
.Ltmp45:
0x1b1: {  	(pc) =	sbr.rel .LBB2_59-.Ltmp45, $4  }
0x1b2: {  	_ = 	snop  }
0x1b3: {  	v3 =	vimm.f32 $-3.000000010e+38;
	v5 =	vimm.f32 $-3.000000010e+38  }
0x1b4: {  	v9 =	vimm.f32 $-3.000000010e+38;
	v11 =	vimm.f32 $-3.000000010e+38;
	v12 =	vimm.f32 $-3.000000010e+38  }
0x1b5: {  	v1 =	vimm.f32 $-3.000000010e+38;
	v2 =	vimm.f32 $-3.000000010e+38;
	v4 =	vimm.f32 $-3.000000010e+38  }
.LBB2_8:
.Ltmp46:
0x1b6: {  	(pc) =	sbr.rel .LBB2_11-.Ltmp46, $3  }
0x1b7: {  	_ =	sdelay $0x1  }
0x1b8: {  	v3 =	vimm.f32 $-3.000000010e+38;
	v5 =	vimm.f32 $-3.000000010e+38  }
0x1b9: {  	s8 =	simm.s32 $0x80;
	v9 =	vimm.f32 $-3.000000010e+38;
	v11 =	vimm.f32 $-3.000000010e+38;
	v12 =	vimm.f32 $-3.000000010e+38  }
.LBB2_16:
.Ltmp47:
0x1ba: {  	(pc) =	sbr.rel .LBB2_19-.Ltmp47, $3  }
0x1bb: {  	_ =	sdelay $0x1  }
0x1bc: {  	v3 =	vimm.f32 $-3.000000010e+38;
	v5 =	vimm.f32 $-3.000000010e+38  }
0x1bd: {  	s8 =	simm.s32 $0x80;
	v9 =	vimm.f32 $-3.000000010e+38;
	v11 =	vimm.f32 $-3.000000010e+38;
	v12 =	vimm.f32 $-3.000000010e+38  }
.LBB2_24:
.Ltmp48:
0x1be: {  	(pc) =	sbr.rel .LBB2_27-.Ltmp48, $3  }
0x1bf: {  	_ =	sdelay $0x1  }
0x1c0: {  	v3 =	vimm.f32 $-3.000000010e+38;
	v5 =	vimm.f32 $-3.000000010e+38  }
0x1c1: {  	s8 =	simm.s32 $0x80;
	v9 =	vimm.f32 $-3.000000010e+38;
	v11 =	vimm.f32 $-3.000000010e+38;
	v12 =	vimm.f32 $-3.000000010e+38  }
.LBB2_32:
.Ltmp49:
0x1c2: {  	(pc) =	sbr.rel .LBB2_35-.Ltmp49, $3  }
0x1c3: {  	_ =	sdelay $0x1  }
0x1c4: {  	v3 =	vimm.f32 $-3.000000010e+38;
	v5 =	vimm.f32 $-3.000000010e+38  }
0x1c5: {  	s8 =	simm.s32 $0x80;
	v9 =	vimm.f32 $-3.000000010e+38;
	v11 =	vimm.f32 $-3.000000010e+38;
	v12 =	vimm.f32 $-3.000000010e+38  }
.LBB2_40:
.Ltmp50:
0x1c6: {  	(pc) =	sbr.rel .LBB2_43-.Ltmp50, $3  }
0x1c7: {  	_ =	sdelay $0x1  }
0x1c8: {  	v3 =	vimm.f32 $-3.000000010e+38;
	v5 =	vimm.f32 $-3.000000010e+38  }
0x1c9: {  	s8 =	simm.s32 $0x80;
	v9 =	vimm.f32 $-3.000000010e+38;
	v11 =	vimm.f32 $-3.000000010e+38;
	v12 =	vimm.f32 $-3.000000010e+38  }
.LBB2_48:
.Ltmp51:
0x1ca: {  	(pc) =	sbr.rel .LBB2_51-.Ltmp51, $3  }
0x1cb: {  	_ =	sdelay $0x1  }
0x1cc: {  	v3 =	vimm.f32 $-3.000000010e+38;
	v5 =	vimm.f32 $-3.000000010e+38  }
0x1cd: {  	s8 =	simm.s32 $0x80;
	v9 =	vimm.f32 $-3.000000010e+38;
	v11 =	vimm.f32 $-3.000000010e+38;
	v12 =	vimm.f32 $-3.000000010e+38  }
.LBB2_56:
.Ltmp52:
0x1ce: {  	(pc) =	sbr.rel .LBB2_59-.Ltmp52, $3  }
0x1cf: {  	_ =	sdelay $0x1  }
0x1d0: {  	v3 =	vimm.f32 $-3.000000010e+38;
	v5 =	vimm.f32 $-3.000000010e+38  }
0x1d1: {  	s8 =	simm.s32 $0x80;
	v9 =	vimm.f32 $-3.000000010e+38;
	v11 =	vimm.f32 $-3.000000010e+38;
	v12 =	vimm.f32 $-3.000000010e+38  }
.LBB2_62:
0x1d2: {  	_ =	sfence.sel $0x180000  }
0x1d3: {  	[bflag:$0x0] =	sbarrier.arrive $0xFFFF  }
0x1d4: {  	p0 =	sne.s32 s1, $0x0;
	_ =	strace $0x90000047  }
0x1d5: {  	s0 =	sadd.s32 @!p0 $0x100000, s0;
	[bflag:$0x2] =	sbarrier.arrive $0xFFFF  }
0x1d6: {  	[sflag:s0] =	ssyncadd.tile.s32 @!p0 $0x1;
	_ =	shalt  }
.Lfunc_end2:
_tile_overlayer_lowered:
.L_overlay_start_2:
0x1d7: {  	(tag) =	ssettag $0x2  }
0x1d8: {  	s0 =	rddreg [dreg:$0x0];
	s2 =	stileid.u32  }
0x1d9: {  	s1 =	rddreg [dreg:$0x1];
	p0 =	sne.s32 s2, $0x0  }
0x1da: {  	s3 =	rddreg [dreg:$0x2];
	[bflag:$0x3] =	sbarrier.arrive $0xFFFF;
	s2 =	simm.s32 @!p0 $0x1C01  }
0x1db: {  	[timem:s3], [sflag:s2] =	dma.local @!p0 [hbm:s0], s1  }
0x1dc: {  	s0 =	simm.s32 @!p0 $0x1  }
0x1dd: {  	_ =	swait.ge @!p0 [sflag:s0], s1  }
0x1de: {  	s1 =	ssub.s32 @!p0 $0x0, s1;
	[sflag:s0] =	ssyncset.done @!p0 $0x0  }
0x1df: {  	[sflag:s0] =	ssyncadd.s32 @!p0 s1  }
0x1e0: {  	[bflag:$0x3] =	sbarrier.arrive $0xFFFF  }
0x1e1: {  	_ =	shalt  }

</sc_bundles>
